<compile_context>
chip_gen: v7x
topology: tpu7x:2x2x1
jax: 0.10.2.dev20260603
libtpu: 0.0.44.dev20260713+nightly
codegen_flags: <defaults>
</compile_context>

<pallas_src>
import dataclasses
import functools

import jax
import jax.numpy as jnp
import numpy as np
from jax import lax
from jax.experimental import pallas as pl
from jax.experimental.pallas import tpu as pltpu
from jax.experimental.pallas import tpu_sc as plsc

N = 10000
E = 320000
IN_CH = 128
OUT_CH = 128
HID = 256

NC = 2
NS = 16
NW = NC * NS

CHUNK = 128
CHUNKS_PER_TILE = 80
E_PER_TILE = CHUNK * CHUNKS_PER_TILE
E_PAD = NW * E_PER_TILE
NBUF = 2

N_PAD = 10112
ROWS_PER_TILE = N_PAD // NS

RED = 640
RED_LAST = N_PAD - 15 * RED


def _sc_degree_body(col_hbm, out_hbm, col_v, hist_v, red_v, outb_v,
                    stage_sh, sem):
    cid = lax.axis_index("c")
    sid = lax.axis_index("s")
    wid = cid * NS + sid
    pltpu.sync_copy(col_hbm.at[wid], col_v)

    @pl.loop(0, N_PAD // 16)
    def _(i):
        hist_v[pl.ds(i * 16, 16)] = jnp.zeros((16,), jnp.float32)

    ones = jnp.ones((16,), jnp.float32)

    @pl.loop(0, CHUNKS_PER_TILE)
    def _(j):
        for k in range(CHUNK // 16):
            idx = col_v[j, pl.ds(k * 16, 16)]
            plsc.addupdate_scatter(hist_v, [idx], ones)

    pltpu.sync_copy(hist_v, stage_sh.at[sid])
    plsc.subcore_barrier()

    def reduce_range(r0, size):
        pltpu.sync_copy(stage_sh.at[:, pl.ds(r0, size)],
                        red_v.at[:, pl.ds(0, size)])

        @pl.loop(0, size // 16)
        def _(k):
            v = red_v[0, pl.ds(k * 16, 16)]
            for t in range(1, NS):
                v = v + red_v[t, pl.ds(k * 16, 16)]
            for l in range(16):
                lane = lax.gather(
                    v, jnp.full((16, 1), l, jnp.int32),
                    lax.GatherDimensionNumbers(offset_dims=(),
                                               collapsed_slice_dims=(0,),
                                               start_index_map=(0,)),
                    (1,), mode=lax.GatherScatterMode.PROMISE_IN_BOUNDS)
                outb_v[k * 16 + l, :] = lane

        pltpu.sync_copy(outb_v.at[pl.ds(0, size)],
                        out_hbm.at[cid, pl.ds(r0, size)], )

    @pl.when(sid < NS - 1)
    def _():
        reduce_range(sid * RED, RED)

    @pl.when(sid == NS - 1)
    def _():
        reduce_range((NS - 1) * RED, RED_LAST)


@functools.cache
def _sc_degree():
    mesh = plsc.VectorSubcoreMesh(core_axis_name="c", subcore_axis_name="s")
    cp = pltpu.CompilerParams()
    if "needs_layout_passes" in pltpu.CompilerParams.__dataclass_fields__:
        cp = dataclasses.replace(cp, needs_layout_passes=False)
    return pl.kernel(
        _sc_degree_body,
        out_type=jax.ShapeDtypeStruct((NC, N_PAD, 16), jnp.float32),
        mesh=mesh,
        compiler_params=cp,
        scratch_types=[
            pltpu.VMEM((CHUNKS_PER_TILE, CHUNK), jnp.int32),
            pltpu.VMEM((N_PAD,), jnp.float32),
            pltpu.VMEM((NS, RED), jnp.float32),
            pltpu.VMEM((RED, 16), jnp.float32),
            pltpu.VMEM_SHARED((NS, N_PAD), jnp.float32),
            pltpu.SemaphoreType.DMA,
        ],
    )


HALF = CHUNKS_PER_TILE // 2


def _sc_agg_body(y_hbm, row_hbm, col_hbm, z_hbm, out_hbm,
                 row_v, col_v, b0, b1, g0, g1, s0, s1, sem, acc_sh):
    bufs = (b0, b1)
    gsems = (g0, g1)
    ssems = (s0, s1)
    cid = lax.axis_index("c")
    sid = lax.axis_index("s")
    wid = cid * NS + sid
    pltpu.sync_copy(z_hbm, acc_sh.at[pl.ds(sid * ROWS_PER_TILE, ROWS_PER_TILE)])
    plsc.subcore_barrier()

    for half in range(2):
        pltpu.sync_copy(row_hbm.at[wid, pl.ds(half * HALF, HALF)], row_v)
        pltpu.sync_copy(col_hbm.at[wid, pl.ds(half * HALF, HALF)], col_v)
        for b in range(NBUF):
            pltpu.async_copy(y_hbm.at[row_v.at[b]], bufs[b], gsems[b])

        @pl.loop(0, HALF // NBUF - 1)
        def _(g):
            for b in range(NBUF):
                j = g * NBUF + b
                pltpu.make_async_copy(y_hbm.at[row_v.at[j]], bufs[b],
                                      gsems[b]).wait()
                pltpu.async_copy(bufs[b], acc_sh.at[col_v.at[j]], ssems[b],
                                 add=True)
            for b in range(NBUF):
                j = g * NBUF + b
                pltpu.make_async_copy(bufs[b], acc_sh.at[col_v.at[j]],
                                      ssems[b]).wait()
                pltpu.async_copy(y_hbm.at[row_v.at[j + NBUF]], bufs[b],
                                 gsems[b])

        for b in range(NBUF):
            j = HALF - NBUF + b
            pltpu.make_async_copy(y_hbm.at[row_v.at[j]], bufs[b],
                                  gsems[b]).wait()
            pltpu.async_copy(bufs[b], acc_sh.at[col_v.at[j]], ssems[b],
                             add=True)
        for b in range(NBUF):
            j = HALF - NBUF + b
            pltpu.make_async_copy(bufs[b], acc_sh.at[col_v.at[j]],
                                  ssems[b]).wait()

    plsc.subcore_barrier()
    r0 = sid * ROWS_PER_TILE
    pltpu.async_copy(acc_sh.at[pl.ds(r0, ROWS_PER_TILE)],
                     out_hbm.at[cid, pl.ds(r0, ROWS_PER_TILE)], sem).wait()


@functools.cache
def _sc_agg():
    mesh = plsc.VectorSubcoreMesh(core_axis_name="c", subcore_axis_name="s")
    return pl.kernel(
        _sc_agg_body,
        out_type=jax.ShapeDtypeStruct((NC, N_PAD, IN_CH), jnp.float32),
        mesh=mesh,
        scratch_types=[
            pltpu.VMEM((HALF, CHUNK), jnp.int32),
            pltpu.VMEM((HALF, CHUNK), jnp.int32),
            pltpu.VMEM((CHUNK, IN_CH), jnp.float32),
            pltpu.VMEM((CHUNK, IN_CH), jnp.float32),
            pltpu.SemaphoreType.DMA,
            pltpu.SemaphoreType.DMA,
            pltpu.SemaphoreType.DMA,
            pltpu.SemaphoreType.DMA,
            pltpu.SemaphoreType.DMA,
            pltpu.VMEM_SHARED((N_PAD, IN_CH), jnp.float32),
        ],
    )


BLK = 2000
GRID = N // BLK


def _tc_prep_body(x_ref, dp_ref, y1_ref, dis_ref):
    p = dp_ref[0] + dp_ref[1] + 1.0
    dis = 1.0 / jnp.sqrt(p)
    x = x_ref[...]
    xf = (x * x) / x
    y1_ref[...] = xf * dis[:, :1]
    dis_ref[...] = dis


def _tc_mid_body(p_ref, y1_ref, dis_ref, w1_ref, b1_ref, w2_ref, y2_ref):
    dis = dis_ref[:, :1]
    agg = (p_ref[0] + p_ref[1] + y1_ref[...]) * dis
    h = jnp.dot(agg.astype(jnp.bfloat16), w1_ref[...].astype(jnp.bfloat16),
                preferred_element_type=jnp.float32) + b1_ref[...]
    h = jnp.maximum(h, 0.0)
    t = jnp.dot(h.astype(jnp.bfloat16), w2_ref[...].astype(jnp.bfloat16),
                preferred_element_type=jnp.float32)
    y2_ref[...] = t * dis


def _tc_final_body(p_ref, y2_ref, dis_ref, b2_ref, out_ref):
    dis = dis_ref[:, :1]
    out_ref[...] = (p_ref[0] + p_ref[1] + y2_ref[...]) * dis + b2_ref[...]


def _row_blocks(width):
    return pl.BlockSpec((BLK, width), lambda i: (i, 0))


def _part_blocks(width):
    return pl.BlockSpec((NC, BLK, width), lambda i: (0, i, 0))


def _full(shape):
    return pl.BlockSpec(shape, lambda i: tuple(0 for _ in shape))


_tc_prep = pl.pallas_call(
    _tc_prep_body,
    grid=(GRID,),
    in_specs=[_row_blocks(IN_CH), _part_blocks(16)],
    out_specs=[_row_blocks(IN_CH), _row_blocks(16)],
    out_shape=[jax.ShapeDtypeStruct((N, IN_CH), jnp.float32),
               jax.ShapeDtypeStruct((N, 16), jnp.float32)],
)

_tc_mid = pl.pallas_call(
    _tc_mid_body,
    grid=(GRID,),
    in_specs=[_part_blocks(IN_CH), _row_blocks(IN_CH), _row_blocks(16),
              _full((IN_CH, HID)), _full((1, HID)), _full((HID, OUT_CH))],
    out_specs=_row_blocks(OUT_CH),
    out_shape=jax.ShapeDtypeStruct((N, OUT_CH), jnp.float32),
)

_tc_final = pl.pallas_call(
    _tc_final_body,
    grid=(GRID,),
    in_specs=[_part_blocks(OUT_CH), _row_blocks(OUT_CH), _row_blocks(16),
              _full((1, OUT_CH))],
    out_specs=_row_blocks(OUT_CH),
    out_shape=jax.ShapeDtypeStruct((N, OUT_CH), jnp.float32),
)


@jax.jit
def kernel(x, edge_index, W1, b1, W2, b2):
    row = edge_index[0].astype(jnp.int32)
    col = edge_index[1].astype(jnp.int32)
    pad = E_PAD - E
    pad_rows = jnp.asarray((np.arange(pad) * 37) % N, jnp.int32)
    pad_cols = jnp.asarray(N + np.arange(pad) % (N_PAD - N), jnp.int32)
    row_p = jnp.concatenate([row, pad_rows])
    col_p = jnp.concatenate([col, pad_cols])
    row_p = row_p.reshape(NW, CHUNKS_PER_TILE, CHUNK)
    col_p = col_p.reshape(NW, CHUNKS_PER_TILE, CHUNK)

    z128 = jnp.zeros((ROWS_PER_TILE, IN_CH), jnp.float32)

    deg_parts = _sc_degree()(col_p)
    y1, dis16 = _tc_prep(x, deg_parts)
    p1 = _sc_agg()(y1, row_p, col_p, z128)
    y2 = _tc_mid(p1, y1, dis16, W1, b1.reshape(1, HID), W2)
    p2 = _sc_agg()(y2, row_p, col_p, z128)
    out = _tc_final(p2, y2, dis16, b2.reshape(1, OUT_CH))
    return out

# --- scband reference (transcript-rebuilt; emitter-appended) ---
"""Pipeline reference for scband-gcnencoder-29721173688328 (READ-ONLY COPY).

The authoritative reference and input builder live on the scoring server;
editing this copy changes nothing except your own understanding.
"""

import jax, jax.numpy as jnp
import numpy as np

N_NODES = 10000
N_EDGES = 320000
IN_CH = 128
OUT_CH = 128
HID = 2 * OUT_CH


def gcn_conv(x, edge_index, W, b, num_nodes):
    # Faithful PyG GCNConv: add self-loops, symmetric normalization, scatter-add aggregation
    loop = jnp.arange(num_nodes, dtype=edge_index.dtype)
    row = jnp.concatenate([edge_index[0], loop])  # src
    col = jnp.concatenate([edge_index[1], loop])  # dst
    x = x @ W
    deg = jnp.zeros((num_nodes,), dtype=x.dtype).at[col].add(1.0)
    deg_inv_sqrt = jnp.where(deg > 0, 1.0 / jnp.sqrt(deg), 0.0)
    norm = deg_inv_sqrt[row] * deg_inv_sqrt[col]
    msg = x[row] * norm[:, None]
    out = jnp.zeros((num_nodes, W.shape[1]), dtype=x.dtype).at[col].add(msg)
    return out + b


def setup_inputs(seed: int = 0) -> dict:
    key = jax.random.key(seed)
    k1, k2, k3, k4, k5, k6 = jax.random.split(key, 6)
    x = jax.random.normal(k1, (N_NODES, IN_CH), dtype=jnp.float32)
    edge_index = jax.random.randint(k2, (2, N_EDGES), 0, N_NODES, dtype=jnp.int64)
    glorot1 = float(np.sqrt(6.0 / (IN_CH + HID)))
    glorot2 = float(np.sqrt(6.0 / (HID + OUT_CH)))
    W1 = jax.random.uniform(k3, (IN_CH, HID), dtype=jnp.float32, minval=-glorot1, maxval=glorot1)
    b1 = jnp.zeros((HID,), dtype=jnp.float32)
    W2 = jax.random.uniform(k4, (HID, OUT_CH), dtype=jnp.float32, minval=-glorot2, maxval=glorot2)
    b2 = jnp.zeros((OUT_CH,), dtype=jnp.float32)
    return {"x": x, "edge_index": edge_index, "W1": W1, "b1": b1, "W2": W2, "b2": b2}


def reference(x, edge_index, W1, b1, W2, b2):
    # x2 = x * x; x = x2 / x (faithful to original forward)
    x2 = x * x
    x = x2 / x
    h = gcn_conv(x, edge_index, W1, b1, N_NODES)
    h = jax.nn.relu(h)
    out = gcn_conv(h, edge_index, W2, b2, N_NODES)
    return out

if __name__ == "__main__":
    import jax
    _d = setup_inputs()
    print(jax.jit(kernel)(*tuple(_d.values())))

</pallas_src>

<mosaic_0001>
#map = affine_map<(d0, d1) -> (0, 0, 0)>
module attributes {stable_mosaic.version = 14 : i64} {
  func.func @_sc_degree_body(%arg0: i32, %arg1: i32, %arg2: memref<32x80x128xi32, #tpu.memory_space<hbm>>, %arg3: memref<2x10112x16xf32, #tpu.memory_space<hbm>>, %arg4: memref<80x128xi32, #tpu.memory_space<vmem>>, %arg5: memref<10112xf32, #tpu.memory_space<vmem>>, %arg6: memref<16x640xf32, #tpu.memory_space<vmem>>, %arg7: memref<640x16xf32, #tpu.memory_space<vmem>>, %arg8: memref<16x10112xf32, #tpu.memory_space<vmem_shared>>, %arg9: memref<!tpu.dma_semaphore, #tpu.memory_space<semaphore_mem>>) attributes {dimension_semantics = [#tpu.dimension_semantics<core_parallel>, #tpu.dimension_semantics<subcore_parallel>], iteration_bounds = array<i64: 2, 16>, scalar_prefetch = 0 : i64, scratch_operands = 6 : i64, tpu.core_type = #tpu.core_type<sc_vector_subcore>, window_params = [{transform_indices = #map}, {transform_indices = #map}]} {
    %mul3A = arith.constant 16 : i32
    %mul3A_0 = arith.muli %arg0, %mul3A : i32
    %add3A = arith.addi %mul3A_0, %arg1 : i32
    "tpu.region"() ({
      %run_scoped3A = tpu.sem_alloc : memref<!tpu.dma_semaphore, #tpu.memory_space<semaphore_mem>>
      %dma_start3A = arith.constant 0 : i32
      %dma_start3A_17 = arith.constant 0 : i32
      %dma_start3A_18 = tpu.memref_slice %arg2[%add3A, %dma_start3A, %dma_start3A_17] : memref<32x80x128xi32, #tpu.memory_space<hbm>> -> memref<1x80x128xi32, #tpu.memory_space<hbm>>
      %dma_start3A_19 = tpu.memref_squeeze %dma_start3A_18 : memref<1x80x128xi32, #tpu.memory_space<hbm>> -> memref<80x128xi32, #tpu.memory_space<hbm>>
      %dma_start3A_20 = arith.constant 0 : i32
      %dma_start3A_21 = arith.constant 0 : i32
      %dma_start3A_22 = tpu.memref_slice %arg2[%add3A, %dma_start3A_20, %dma_start3A_21] : memref<32x80x128xi32, #tpu.memory_space<hbm>> -> memref<1x80x128xi32, #tpu.memory_space<hbm>>
      %dma_start3A_23 = tpu.memref_squeeze %dma_start3A_22 : memref<1x80x128xi32, #tpu.memory_space<hbm>> -> memref<80x128xi32, #tpu.memory_space<hbm>>
      tpu.enqueue_dma source(%dma_start3A_23 : memref<80x128xi32, #tpu.memory_space<hbm>>) target(%arg4 : memref<80x128xi32, #tpu.memory_space<vmem>>) target_semaphore(%run_scoped3A : memref<!tpu.dma_semaphore, #tpu.memory_space<semaphore_mem>>)
      %dma_wait3A = arith.constant 0 : i32
      %dma_wait3A_24 = arith.constant 0 : i32
      %dma_wait3A_25 = tpu.memref_slice %arg2[%add3A, %dma_wait3A, %dma_wait3A_24] : memref<32x80x128xi32, #tpu.memory_space<hbm>> -> memref<1x80x128xi32, #tpu.memory_space<hbm>>
      %dma_wait3A_26 = tpu.memref_squeeze %dma_wait3A_25 : memref<1x80x128xi32, #tpu.memory_space<hbm>> -> memref<80x128xi32, #tpu.memory_space<hbm>>
      %dma_wait3A_27 = arith.constant 0 : i32
      %dma_wait3A_28 = arith.constant 0 : i32
      %dma_wait3A_29 = tpu.memref_slice %arg2[%add3A, %dma_wait3A_27, %dma_wait3A_28] : memref<32x80x128xi32, #tpu.memory_space<hbm>> -> memref<1x80x128xi32, #tpu.memory_space<hbm>>
      %dma_wait3A_30 = tpu.memref_squeeze %dma_wait3A_29 : memref<1x80x128xi32, #tpu.memory_space<hbm>> -> memref<80x128xi32, #tpu.memory_space<hbm>>
      tpu.wait_dma2 semaphore(%run_scoped3A : memref<!tpu.dma_semaphore, #tpu.memory_space<semaphore_mem>>) src(%dma_wait3A_30 : memref<80x128xi32, #tpu.memory_space<hbm>>) dst(%arg4 : memref<80x128xi32, #tpu.memory_space<vmem>>)
      tpu.yield
    }) : () -> ()
    %scan3A = arith.constant 0 : i32
    %scan3A_1 = arith.constant 632 : i32
    %scan3A_2 = arith.addi %scan3A, %scan3A_1 : i32
    %scan3A_3 = arith.constant 1 : i32
    scf.for %scan3A_17 = %scan3A to %scan3A_2 step %scan3A_3  : i32 {
      %mul3A_18 = arith.constant 1 : i32
      %mul3A_19 = arith.muli %scan3A_17, %mul3A_18 : i32
      %add3A_20 = arith.constant 0 : i32
      %add3A_21 = arith.addi %add3A_20, %mul3A_19 : i32
      %broadcast_in_dim3A_22 = arith.constant 0.000000e+00 : f32
      %broadcast_in_dim3A_23 = vector.broadcast %broadcast_in_dim3A_22 : f32 to vector<16xf32>
      %mul3A_24 = arith.constant 16 : i32
      %mul3A_25 = arith.muli %add3A_21, %mul3A_24 : i32
      %swap3A = arith.index_cast %mul3A_25 : i32 to index
      %swap3A_26 = tpu.vector_load %arg5[%swap3A] {strides = array<i32>} : memref<10112xf32, #tpu.memory_space<vmem>>, vector<16xf32>,
      tpu.vector_store %arg5[%swap3A], %broadcast_in_dim3A_23 {strides = array<i32>} : memref<10112xf32, #tpu.memory_space<vmem>>, vector<16xf32>,
    }
    %scan3A_4 = arith.constant 632 : i32
    %broadcast_in_dim3A = arith.constant 1.000000e+00 : f32
    %broadcast_in_dim3A_5 = vector.broadcast %broadcast_in_dim3A : f32 to vector<16xf32>
    %scan3A_6 = arith.constant 0 : i32
    %scan3A_7 = arith.constant 80 : i32
    %scan3A_8 = arith.addi %scan3A_6, %scan3A_7 : i32
    %scan3A_9 = arith.constant 1 : i32
    scf.for %scan3A_17 = %scan3A_6 to %scan3A_8 step %scan3A_9  : i32 {
      %mul3A_18 = arith.constant 1 : i32
      %mul3A_19 = arith.muli %scan3A_17, %mul3A_18 : i32
      %add3A_20 = arith.constant 0 : i32
      %add3A_21 = arith.addi %add3A_20, %mul3A_19 : i32
      %get3A = arith.index_cast %add3A_21 : i32 to index
      %get3A_22 = arith.constant 0 : index
      %get3A_23 = tpu.vector_load %arg4[%get3A, %get3A_22] {strides = array<i32>} : memref<80x128xi32, #tpu.memory_space<vmem>>, vector<16xi32>,
      tpu.vector_store_idx %arg5[%get3A_23], %broadcast_in_dim3A_5 {add = true} : memref<10112xf32, #tpu.memory_space<vmem>>[vector<16xi32>], vector<16xf32>,
      %get3A_24 = arith.index_cast %add3A_21 : i32 to index
      %get3A_25 = arith.constant 16 : index
      %get3A_26 = tpu.vector_load %arg4[%get3A_24, %get3A_25] {strides = array<i32>} : memref<80x128xi32, #tpu.memory_space<vmem>>, vector<16xi32>,
      tpu.vector_store_idx %arg5[%get3A_26], %broadcast_in_dim3A_5 {add = true} : memref<10112xf32, #tpu.memory_space<vmem>>[vector<16xi32>], vector<16xf32>,
      %get3A_27 = arith.index_cast %add3A_21 : i32 to index
      %get3A_28 = arith.constant 32 : index
      %get3A_29 = tpu.vector_load %arg4[%get3A_27, %get3A_28] {strides = array<i32>} : memref<80x128xi32, #tpu.memory_space<vmem>>, vector<16xi32>,
      tpu.vector_store_idx %arg5[%get3A_29], %broadcast_in_dim3A_5 {add = true} : memref<10112xf32, #tpu.memory_space<vmem>>[vector<16xi32>], vector<16xf32>,
      %get3A_30 = arith.index_cast %add3A_21 : i32 to index
      %get3A_31 = arith.constant 48 : index
      %get3A_32 = tpu.vector_load %arg4[%get3A_30, %get3A_31] {strides = array<i32>} : memref<80x128xi32, #tpu.memory_space<vmem>>, vector<16xi32>,
      tpu.vector_store_idx %arg5[%get3A_32], %broadcast_in_dim3A_5 {add = true} : memref<10112xf32, #tpu.memory_space<vmem>>[vector<16xi32>], vector<16xf32>,
      %get3A_33 = arith.index_cast %add3A_21 : i32 to index
      %get3A_34 = arith.constant 64 : index
      %get3A_35 = tpu.vector_load %arg4[%get3A_33, %get3A_34] {strides = array<i32>} : memref<80x128xi32, #tpu.memory_space<vmem>>, vector<16xi32>,
      tpu.vector_store_idx %arg5[%get3A_35], %broadcast_in_dim3A_5 {add = true} : memref<10112xf32, #tpu.memory_space<vmem>>[vector<16xi32>], vector<16xf32>,
      %get3A_36 = arith.index_cast %add3A_21 : i32 to index
      %get3A_37 = arith.constant 80 : index
      %get3A_38 = tpu.vector_load %arg4[%get3A_36, %get3A_37] {strides = array<i32>} : memref<80x128xi32, #tpu.memory_space<vmem>>, vector<16xi32>,
      tpu.vector_store_idx %arg5[%get3A_38], %broadcast_in_dim3A_5 {add = true} : memref<10112xf32, #tpu.memory_space<vmem>>[vector<16xi32>], vector<16xf32>,
      %get3A_39 = arith.index_cast %add3A_21 : i32 to index
      %get3A_40 = arith.constant 96 : index
      %get3A_41 = tpu.vector_load %arg4[%get3A_39, %get3A_40] {strides = array<i32>} : memref<80x128xi32, #tpu.memory_space<vmem>>, vector<16xi32>,
      tpu.vector_store_idx %arg5[%get3A_41], %broadcast_in_dim3A_5 {add = true} : memref<10112xf32, #tpu.memory_space<vmem>>[vector<16xi32>], vector<16xf32>,
      %get3A_42 = arith.index_cast %add3A_21 : i32 to index
      %get3A_43 = arith.constant 112 : index
      %get3A_44 = tpu.vector_load %arg4[%get3A_42, %get3A_43] {strides = array<i32>} : memref<80x128xi32, #tpu.memory_space<vmem>>, vector<16xi32>,
      tpu.vector_store_idx %arg5[%get3A_44], %broadcast_in_dim3A_5 {add = true} : memref<10112xf32, #tpu.memory_space<vmem>>[vector<16xi32>], vector<16xf32>,
    }
    %scan3A_10 = arith.constant 80 : i32
    "tpu.region"() ({
      %run_scoped3A = tpu.sem_alloc : memref<!tpu.dma_semaphore, #tpu.memory_space<semaphore_mem>>
      %dma_start3A = arith.constant 0 : i32
      %dma_start3A_17 = tpu.memref_slice %arg8[%arg1, %dma_start3A] : memref<16x10112xf32, #tpu.memory_space<vmem_shared>> -> memref<1x10112xf32, #tpu.memory_space<vmem_shared>>
      %dma_start3A_18 = tpu.memref_squeeze %dma_start3A_17 : memref<1x10112xf32, #tpu.memory_space<vmem_shared>> -> memref<10112xf32, #tpu.memory_space<vmem_shared>>
      %dma_start3A_19 = arith.constant 0 : i32
      %dma_start3A_20 = tpu.memref_slice %arg8[%arg1, %dma_start3A_19] : memref<16x10112xf32, #tpu.memory_space<vmem_shared>> -> memref<1x10112xf32, #tpu.memory_space<vmem_shared>>
      %dma_start3A_21 = tpu.memref_squeeze %dma_start3A_20 : memref<1x10112xf32, #tpu.memory_space<vmem_shared>> -> memref<10112xf32, #tpu.memory_space<vmem_shared>>
      tpu.enqueue_dma source(%arg5 : memref<10112xf32, #tpu.memory_space<vmem>>) target(%dma_start3A_21 : memref<10112xf32, #tpu.memory_space<vmem_shared>>) target_semaphore(%run_scoped3A : memref<!tpu.dma_semaphore, #tpu.memory_space<semaphore_mem>>)
      %dma_wait3A = arith.constant 0 : i32
      %dma_wait3A_22 = tpu.memref_slice %arg8[%arg1, %dma_wait3A] : memref<16x10112xf32, #tpu.memory_space<vmem_shared>> -> memref<1x10112xf32, #tpu.memory_space<vmem_shared>>
      %dma_wait3A_23 = tpu.memref_squeeze %dma_wait3A_22 : memref<1x10112xf32, #tpu.memory_space<vmem_shared>> -> memref<10112xf32, #tpu.memory_space<vmem_shared>>
      %dma_wait3A_24 = arith.constant 0 : i32
      %dma_wait3A_25 = tpu.memref_slice %arg8[%arg1, %dma_wait3A_24] : memref<16x10112xf32, #tpu.memory_space<vmem_shared>> -> memref<1x10112xf32, #tpu.memory_space<vmem_shared>>
      %dma_wait3A_26 = tpu.memref_squeeze %dma_wait3A_25 : memref<1x10112xf32, #tpu.memory_space<vmem_shared>> -> memref<10112xf32, #tpu.memory_space<vmem_shared>>
      tpu.wait_dma2 semaphore(%run_scoped3A : memref<!tpu.dma_semaphore, #tpu.memory_space<semaphore_mem>>) src(%arg5 : memref<10112xf32, #tpu.memory_space<vmem>>) dst(%dma_wait3A_26 : memref<10112xf32, #tpu.memory_space<vmem_shared>>)
      tpu.yield
    }) : () -> ()
    %barrier3A = arith.constant 0 : index
    tpu.barrier barrier_id(%barrier3A)
    %lt3A = arith.constant 15 : i32
    %lt3A_11 = arith.cmpi slt, %arg1, %lt3A : i32
    %convert_element_type3A = arith.extui %lt3A_11 : i1 to i32
    %cond3A = arith.constant 0 : i32
    %cond3A_12 = arith.cmpi ne, %convert_element_type3A, %cond3A : i32
    scf.if %cond3A_12 {
      %mul3A_17 = arith.constant 640 : i32
      %mul3A_18 = arith.muli %arg1, %mul3A_17 : i32
      "tpu.region"() ({
        %run_scoped3A = tpu.sem_alloc : memref<!tpu.dma_semaphore, #tpu.memory_space<semaphore_mem>>
        %dma_start3A = arith.constant 0 : i32
        %dma_start3A_24 = arith.constant 0 : i32
        %dma_start3A_25 = tpu.memref_slice %arg6[%dma_start3A, %dma_start3A_24] : memref<16x640xf32, #tpu.memory_space<vmem>> -> memref<16x640xf32, #tpu.memory_space<vmem>>
        %dma_start3A_26 = arith.constant 0 : i32
        %dma_start3A_27 = tpu.memref_slice %arg8[%dma_start3A_26, %mul3A_18] : memref<16x10112xf32, #tpu.memory_space<vmem_shared>> -> memref<16x640xf32, #tpu.memory_space<vmem_shared>>
        %dma_start3A_28 = arith.constant 0 : i32
        %dma_start3A_29 = arith.constant 0 : i32
        %dma_start3A_30 = tpu.memref_slice %arg6[%dma_start3A_28, %dma_start3A_29] : memref<16x640xf32, #tpu.memory_space<vmem>> -> memref<16x640xf32, #tpu.memory_space<vmem>>
        %dma_start3A_31 = arith.constant 0 : i32
        %dma_start3A_32 = tpu.memref_slice %arg8[%dma_start3A_31, %mul3A_18] : memref<16x10112xf32, #tpu.memory_space<vmem_shared>> -> memref<16x640xf32, #tpu.memory_space<vmem_shared>>
        tpu.enqueue_dma source(%dma_start3A_32 : memref<16x640xf32, #tpu.memory_space<vmem_shared>>) target(%dma_start3A_30 : memref<16x640xf32, #tpu.memory_space<vmem>>) target_semaphore(%run_scoped3A : memref<!tpu.dma_semaphore, #tpu.memory_space<semaphore_mem>>)
        %dma_wait3A = arith.constant 0 : i32
        %dma_wait3A_33 = arith.constant 0 : i32
        %dma_wait3A_34 = tpu.memref_slice %arg6[%dma_wait3A, %dma_wait3A_33] : memref<16x640xf32, #tpu.memory_space<vmem>> -> memref<16x640xf32, #tpu.memory_space<vmem>>
        %dma_wait3A_35 = arith.constant 0 : i32
        %dma_wait3A_36 = tpu.memref_slice %arg8[%dma_wait3A_35, %mul3A_18] : memref<16x10112xf32, #tpu.memory_space<vmem_shared>> -> memref<16x640xf32, #tpu.memory_space<vmem_shared>>
        %dma_wait3A_37 = arith.constant 0 : i32
        %dma_wait3A_38 = arith.constant 0 : i32
        %dma_wait3A_39 = tpu.memref_slice %arg6[%dma_wait3A_37, %dma_wait3A_38] : memref<16x640xf32, #tpu.memory_space<vmem>> -> memref<16x640xf32, #tpu.memory_space<vmem>>
        %dma_wait3A_40 = arith.constant 0 : i32
        %dma_wait3A_41 = tpu.memref_slice %arg8[%dma_wait3A_40, %mul3A_18] : memref<16x10112xf32, #tpu.memory_space<vmem_shared>> -> memref<16x640xf32, #tpu.memory_space<vmem_shared>>
        tpu.wait_dma2 semaphore(%run_scoped3A : memref<!tpu.dma_semaphore, #tpu.memory_space<semaphore_mem>>) src(%dma_wait3A_41 : memref<16x640xf32, #tpu.memory_space<vmem_shared>>) dst(%dma_wait3A_39 : memref<16x640xf32, #tpu.memory_space<vmem>>)
        tpu.yield
      }) : () -> ()
      %scan3A_19 = arith.constant 0 : i32
      %scan3A_20 = arith.constant 40 : i32
      %scan3A_21 = arith.addi %scan3A_19, %scan3A_20 : i32
      %scan3A_22 = arith.constant 1 : i32
      scf.for %scan3A_24 = %scan3A_19 to %scan3A_21 step %scan3A_22  : i32 {
        %mul3A_25 = arith.constant 1 : i32
        %mul3A_26 = arith.muli %scan3A_24, %mul3A_25 : i32
        %add3A_27 = arith.constant 0 : i32
        %add3A_28 = arith.addi %add3A_27, %mul3A_26 : i32
        %mul3A_29 = arith.constant 16 : i32
        %mul3A_30 = arith.muli %add3A_28, %mul3A_29 : i32
        %get3A = arith.constant 0 : i32
        %get3A_31 = arith.index_cast %get3A : i32 to index
        %get3A_32 = arith.index_cast %mul3A_30 : i32 to index
        %get3A_33 = tpu.vector_load %arg6[%get3A_31, %get3A_32] {strides = array<i32>} : memref<16x640xf32, #tpu.memory_space<vmem>>, vector<16xf32>,
        %mul3A_34 = arith.constant 16 : i32
        %mul3A_35 = arith.muli %add3A_28, %mul3A_34 : i32
        %get3A_36 = arith.constant 1 : i32
        %get3A_37 = arith.index_cast %get3A_36 : i32 to index
        %get3A_38 = arith.index_cast %mul3A_35 : i32 to index
        %get3A_39 = tpu.vector_load %arg6[%get3A_37, %get3A_38] {strides = array<i32>} : memref<16x640xf32, #tpu.memory_space<vmem>>, vector<16xf32>,
        %add3A_40 = arith.addf %get3A_33, %get3A_39 : vector<16xf32>
        %mul3A_41 = arith.constant 16 : i32
        %mul3A_42 = arith.muli %add3A_28, %mul3A_41 : i32
        %get3A_43 = arith.constant 2 : i32
        %get3A_44 = arith.index_cast %get3A_43 : i32 to index
        %get3A_45 = arith.index_cast %mul3A_42 : i32 to index
        %get3A_46 = tpu.vector_load %arg6[%get3A_44, %get3A_45] {strides = array<i32>} : memref<16x640xf32, #tpu.memory_space<vmem>>, vector<16xf32>,
        %add3A_47 = arith.addf %add3A_40, %get3A_46 : vector<16xf32>
        %mul3A_48 = arith.constant 16 : i32
        %mul3A_49 = arith.muli %add3A_28, %mul3A_48 : i32
        %get3A_50 = arith.constant 3 : i32
        %get3A_51 = arith.index_cast %get3A_50 : i32 to index
        %get3A_52 = arith.index_cast %mul3A_49 : i32 to index
        %get3A_53 = tpu.vector_load %arg6[%get3A_51, %get3A_52] {strides = array<i32>} : memref<16x640xf32, #tpu.memory_space<vmem>>, vector<16xf32>,
        %add3A_54 = arith.addf %add3A_47, %get3A_53 : vector<16xf32>
        %mul3A_55 = arith.constant 16 : i32
        %mul3A_56 = arith.muli %add3A_28, %mul3A_55 : i32
        %get3A_57 = arith.constant 4 : i32
        %get3A_58 = arith.index_cast %get3A_57 : i32 to index
        %get3A_59 = arith.index_cast %mul3A_56 : i32 to index
        %get3A_60 = tpu.vector_load %arg6[%get3A_58, %get3A_59] {strides = array<i32>} : memref<16x640xf32, #tpu.memory_space<vmem>>, vector<16xf32>,
        %add3A_61 = arith.addf %add3A_54, %get3A_60 : vector<16xf32>
        %mul3A_62 = arith.constant 16 : i32
        %mul3A_63 = arith.muli %add3A_28, %mul3A_62 : i32
        %get3A_64 = arith.constant 5 : i32
        %get3A_65 = arith.index_cast %get3A_64 : i32 to index
        %get3A_66 = arith.index_cast %mul3A_63 : i32 to index
        %get3A_67 = tpu.vector_load %arg6[%get3A_65, %get3A_66] {strides = array<i32>} : memref<16x640xf32, #tpu.memory_space<vmem>>, vector<16xf32>,
        %add3A_68 = arith.addf %add3A_61, %get3A_67 : vector<16xf32>
        %mul3A_69 = arith.constant 16 : i32
        %mul3A_70 = arith.muli %add3A_28, %mul3A_69 : i32
        %get3A_71 = arith.constant 6 : i32
        %get3A_72 = arith.index_cast %get3A_71 : i32 to index
        %get3A_73 = arith.index_cast %mul3A_70 : i32 to index
        %get3A_74 = tpu.vector_load %arg6[%get3A_72, %get3A_73] {strides = array<i32>} : memref<16x640xf32, #tpu.memory_space<vmem>>, vector<16xf32>,
        %add3A_75 = arith.addf %add3A_68, %get3A_74 : vector<16xf32>
        %mul3A_76 = arith.constant 16 : i32
        %mul3A_77 = arith.muli %add3A_28, %mul3A_76 : i32
        %get3A_78 = arith.constant 7 : i32
        %get3A_79 = arith.index_cast %get3A_78 : i32 to index
        %get3A_80 = arith.index_cast %mul3A_77 : i32 to index
        %get3A_81 = tpu.vector_load %arg6[%get3A_79, %get3A_80] {strides = array<i32>} : memref<16x640xf32, #tpu.memory_space<vmem>>, vector<16xf32>,
        %add3A_82 = arith.addf %add3A_75, %get3A_81 : vector<16xf32>
        %mul3A_83 = arith.constant 16 : i32
        %mul3A_84 = arith.muli %add3A_28, %mul3A_83 : i32
        %get3A_85 = arith.constant 8 : i32
        %get3A_86 = arith.index_cast %get3A_85 : i32 to index
        %get3A_87 = arith.index_cast %mul3A_84 : i32 to index
        %get3A_88 = tpu.vector_load %arg6[%get3A_86, %get3A_87] {strides = array<i32>} : memref<16x640xf32, #tpu.memory_space<vmem>>, vector<16xf32>,
        %add3A_89 = arith.addf %add3A_82, %get3A_88 : vector<16xf32>
        %mul3A_90 = arith.constant 16 : i32
        %mul3A_91 = arith.muli %add3A_28, %mul3A_90 : i32
        %get3A_92 = arith.constant 9 : i32
        %get3A_93 = arith.index_cast %get3A_92 : i32 to index
        %get3A_94 = arith.index_cast %mul3A_91 : i32 to index
        %get3A_95 = tpu.vector_load %arg6[%get3A_93, %get3A_94] {strides = array<i32>} : memref<16x640xf32, #tpu.memory_space<vmem>>, vector<16xf32>,
        %add3A_96 = arith.addf %add3A_89, %get3A_95 : vector<16xf32>
        %mul3A_97 = arith.constant 16 : i32
        %mul3A_98 = arith.muli %add3A_28, %mul3A_97 : i32
        %get3A_99 = arith.constant 10 : i32
        %get3A_100 = arith.index_cast %get3A_99 : i32 to index
        %get3A_101 = arith.index_cast %mul3A_98 : i32 to index
        %get3A_102 = tpu.vector_load %arg6[%get3A_100, %get3A_101] {strides = array<i32>} : memref<16x640xf32, #tpu.memory_space<vmem>>, vector<16xf32>,
        %add3A_103 = arith.addf %add3A_96, %get3A_102 : vector<16xf32>
        %mul3A_104 = arith.constant 16 : i32
        %mul3A_105 = arith.muli %add3A_28, %mul3A_104 : i32
        %get3A_106 = arith.constant 11 : i32
        %get3A_107 = arith.index_cast %get3A_106 : i32 to index
        %get3A_108 = arith.index_cast %mul3A_105 : i32 to index
        %get3A_109 = tpu.vector_load %arg6[%get3A_107, %get3A_108] {strides = array<i32>} : memref<16x640xf32, #tpu.memory_space<vmem>>, vector<16xf32>,
        %add3A_110 = arith.addf %add3A_103, %get3A_109 : vector<16xf32>
        %mul3A_111 = arith.constant 16 : i32
        %mul3A_112 = arith.muli %add3A_28, %mul3A_111 : i32
        %get3A_113 = arith.constant 12 : i32
        %get3A_114 = arith.index_cast %get3A_113 : i32 to index
        %get3A_115 = arith.index_cast %mul3A_112 : i32 to index
        %get3A_116 = tpu.vector_load %arg6[%get3A_114, %get3A_115] {strides = array<i32>} : memref<16x640xf32, #tpu.memory_space<vmem>>, vector<16xf32>,
        %add3A_117 = arith.addf %add3A_110, %get3A_116 : vector<16xf32>
        %mul3A_118 = arith.constant 16 : i32
        %mul3A_119 = arith.muli %add3A_28, %mul3A_118 : i32
        %get3A_120 = arith.constant 13 : i32
        %get3A_121 = arith.index_cast %get3A_120 : i32 to index
        %get3A_122 = arith.index_cast %mul3A_119 : i32 to index
        %get3A_123 = tpu.vector_load %arg6[%get3A_121, %get3A_122] {strides = array<i32>} : memref<16x640xf32, #tpu.memory_space<vmem>>, vector<16xf32>,
        %add3A_124 = arith.addf %add3A_117, %get3A_123 : vector<16xf32>
        %mul3A_125 = arith.constant 16 : i32
        %mul3A_126 = arith.muli %add3A_28, %mul3A_125 : i32
        %get3A_127 = arith.constant 14 : i32
        %get3A_128 = arith.index_cast %get3A_127 : i32 to index
        %get3A_129 = arith.index_cast %mul3A_126 : i32 to index
        %get3A_130 = tpu.vector_load %arg6[%get3A_128, %get3A_129] {strides = array<i32>} : memref<16x640xf32, #tpu.memory_space<vmem>>, vector<16xf32>,
        %add3A_131 = arith.addf %add3A_124, %get3A_130 : vector<16xf32>
        %mul3A_132 = arith.constant 16 : i32
        %mul3A_133 = arith.muli %add3A_28, %mul3A_132 : i32
        %get3A_134 = arith.constant 15 : i32
        %get3A_135 = arith.index_cast %get3A_134 : i32 to index
        %get3A_136 = arith.index_cast %mul3A_133 : i32 to index
        %get3A_137 = tpu.vector_load %arg6[%get3A_135, %get3A_136] {strides = array<i32>} : memref<16x640xf32, #tpu.memory_space<vmem>>, vector<16xf32>,
        %add3A_138 = arith.addf %add3A_131, %get3A_137 : vector<16xf32>
        %broadcast_in_dim3A_139 = arith.constant 0 : i32
        %broadcast_in_dim3A_140 = vector.broadcast %broadcast_in_dim3A_139 : i32 to vector<16x1xi32>
        %gather3A = vector.shape_cast %broadcast_in_dim3A_140 : vector<16x1xi32> to vector<16xi32>
        %gather3A_141 = tpu.dynamic_gather %add3A_138[%gather3A] in [0] : vector<16xf32>, vector<16xi32> -> vector<16xf32>
        %mul3A_142 = arith.constant 16 : i32
        %mul3A_143 = arith.muli %add3A_28, %mul3A_142 : i32
        %add3A_144 = arith.constant 0 : i32
        %add3A_145 = arith.addi %mul3A_143, %add3A_144 : i32
        %swap3A = arith.index_cast %add3A_145 : i32 to index
        %swap3A_146 = arith.constant 0 : index
        %swap3A_147 = tpu.vector_load %arg7[%swap3A, %swap3A_146] {strides = array<i32>} : memref<640x16xf32, #tpu.memory_space<vmem>>, vector<16xf32>,
        tpu.vector_store %arg7[%swap3A, %swap3A_146], %gather3A_141 {strides = array<i32>} : memref<640x16xf32, #tpu.memory_space<vmem>>, vector<16xf32>,
        %broadcast_in_dim3A_148 = arith.constant 1 : i32
        %broadcast_in_dim3A_149 = vector.broadcast %broadcast_in_dim3A_148 : i32 to vector<16x1xi32>
        %gather3A_150 = vector.shape_cast %broadcast_in_dim3A_149 : vector<16x1xi32> to vector<16xi32>
        %gather3A_151 = tpu.dynamic_gather %add3A_138[%gather3A_150] in [0] : vector<16xf32>, vector<16xi32> -> vector<16xf32>
        %mul3A_152 = arith.constant 16 : i32
        %mul3A_153 = arith.muli %add3A_28, %mul3A_152 : i32
        %add3A_154 = arith.constant 1 : i32
        %add3A_155 = arith.addi %mul3A_153, %add3A_154 : i32
        %swap3A_156 = arith.index_cast %add3A_155 : i32 to index
        %swap3A_157 = arith.constant 0 : index
        %swap3A_158 = tpu.vector_load %arg7[%swap3A_156, %swap3A_157] {strides = array<i32>} : memref<640x16xf32, #tpu.memory_space<vmem>>, vector<16xf32>,
        tpu.vector_store %arg7[%swap3A_156, %swap3A_157], %gather3A_151 {strides = array<i32>} : memref<640x16xf32, #tpu.memory_space<vmem>>, vector<16xf32>,
        %broadcast_in_dim3A_159 = arith.constant 2 : i32
        %broadcast_in_dim3A_160 = vector.broadcast %broadcast_in_dim3A_159 : i32 to vector<16x1xi32>
        %gather3A_161 = vector.shape_cast %broadcast_in_dim3A_160 : vector<16x1xi32> to vector<16xi32>
        %gather3A_162 = tpu.dynamic_gather %add3A_138[%gather3A_161] in [0] : vector<16xf32>, vector<16xi32> -> vector<16xf32>
        %mul3A_163 = arith.constant 16 : i32
        %mul3A_164 = arith.muli %add3A_28, %mul3A_163 : i32
        %add3A_165 = arith.constant 2 : i32
        %add3A_166 = arith.addi %mul3A_164, %add3A_165 : i32
        %swap3A_167 = arith.index_cast %add3A_166 : i32 to index
        %swap3A_168 = arith.constant 0 : index
        %swap3A_169 = tpu.vector_load %arg7[%swap3A_167, %swap3A_168] {strides = array<i32>} : memref<640x16xf32, #tpu.memory_space<vmem>>, vector<16xf32>,
        tpu.vector_store %arg7[%swap3A_167, %swap3A_168], %gather3A_162 {strides = array<i32>} : memref<640x16xf32, #tpu.memory_space<vmem>>, vector<16xf32>,
        %broadcast_in_dim3A_170 = arith.constant 3 : i32
        %broadcast_in_dim3A_171 = vector.broadcast %broadcast_in_dim3A_170 : i32 to vector<16x1xi32>
        %gather3A_172 = vector.shape_cast %broadcast_in_dim3A_171 : vector<16x1xi32> to vector<16xi32>
        %gather3A_173 = tpu.dynamic_gather %add3A_138[%gather3A_172] in [0] : vector<16xf32>, vector<16xi32> -> vector<16xf32>
        %mul3A_174 = arith.constant 16 : i32
        %mul3A_175 = arith.muli %add3A_28, %mul3A_174 : i32
        %add3A_176 = arith.constant 3 : i32
        %add3A_177 = arith.addi %mul3A_175, %add3A_176 : i32
        %swap3A_178 = arith.index_cast %add3A_177 : i32 to index
        %swap3A_179 = arith.constant 0 : index
        %swap3A_180 = tpu.vector_load %arg7[%swap3A_178, %swap3A_179] {strides = array<i32>} : memref<640x16xf32, #tpu.memory_space<vmem>>, vector<16xf32>,
        tpu.vector_store %arg7[%swap3A_178, %swap3A_179], %gather3A_173 {strides = array<i32>} : memref<640x16xf32, #tpu.memory_space<vmem>>, vector<16xf32>,
        %broadcast_in_dim3A_181 = arith.constant 4 : i32
        %broadcast_in_dim3A_182 = vector.broadcast %broadcast_in_dim3A_181 : i32 to vector<16x1xi32>
        %gather3A_183 = vector.shape_cast %broadcast_in_dim3A_182 : vector<16x1xi32> to vector<16xi32>
        %gather3A_184 = tpu.dynamic_gather %add3A_138[%gather3A_183] in [0] : vector<16xf32>, vector<16xi32> -> vector<16xf32>
        %mul3A_185 = arith.constant 16 : i32
        %mul3A_186 = arith.muli %add3A_28, %mul3A_185 : i32
        %add3A_187 = arith.constant 4 : i32
        %add3A_188 = arith.addi %mul3A_186, %add3A_187 : i32
        %swap3A_189 = arith.index_cast %add3A_188 : i32 to index
        %swap3A_190 = arith.constant 0 : index
        %swap3A_191 = tpu.vector_load %arg7[%swap3A_189, %swap3A_190] {strides = array<i32>} : memref<640x16xf32, #tpu.memory_space<vmem>>, vector<16xf32>,
        tpu.vector_store %arg7[%swap3A_189, %swap3A_190], %gather3A_184 {strides = array<i32>} : memref<640x16xf32, #tpu.memory_space<vmem>>, vector<16xf32>,
        %broadcast_in_dim3A_192 = arith.constant 5 : i32
        %broadcast_in_dim3A_193 = vector.broadcast %broadcast_in_dim3A_192 : i32 to vector<16x1xi32>
        %gather3A_194 = vector.shape_cast %broadcast_in_dim3A_193 : vector<16x1xi32> to vector<16xi32>
        %gather3A_195 = tpu.dynamic_gather %add3A_138[%gather3A_194] in [0] : vector<16xf32>, vector<16xi32> -> vector<16xf32>
        %mul3A_196 = arith.constant 16 : i32
        %mul3A_197 = arith.muli %add3A_28, %mul3A_196 : i32
        %add3A_198 = arith.constant 5 : i32
        %add3A_199 = arith.addi %mul3A_197, %add3A_198 : i32
        %swap3A_200 = arith.index_cast %add3A_199 : i32 to index
        %swap3A_201 = arith.constant 0 : index
        %swap3A_202 = tpu.vector_load %arg7[%swap3A_200, %swap3A_201] {strides = array<i32>} : memref<640x16xf32, #tpu.memory_space<vmem>>, vector<16xf32>,
        tpu.vector_store %arg7[%swap3A_200, %swap3A_201], %gather3A_195 {strides = array<i32>} : memref<640x16xf32, #tpu.memory_space<vmem>>, vector<16xf32>,
        %broadcast_in_dim3A_203 = arith.constant 6 : i32
        %broadcast_in_dim3A_204 = vector.broadcast %broadcast_in_dim3A_203 : i32 to vector<16x1xi32>
        %gather3A_205 = vector.shape_cast %broadcast_in_dim3A_204 : vector<16x1xi32> to vector<16xi32>
        %gather3A_206 = tpu.dynamic_gather %add3A_138[%gather3A_205] in [0] : vector<16xf32>, vector<16xi32> -> vector<16xf32>
        %mul3A_207 = arith.constant 16 : i32
        %mul3A_208 = arith.muli %add3A_28, %mul3A_207 : i32
        %add3A_209 = arith.constant 6 : i32
        %add3A_210 = arith.addi %mul3A_208, %add3A_209 : i32
        %swap3A_211 = arith.index_cast %add3A_210 : i32 to index
        %swap3A_212 = arith.constant 0 : index
        %swap3A_213 = tpu.vector_load %arg7[%swap3A_211, %swap3A_212] {strides = array<i32>} : memref<640x16xf32, #tpu.memory_space<vmem>>, vector<16xf32>,
        tpu.vector_store %arg7[%swap3A_211, %swap3A_212], %gather3A_206 {strides = array<i32>} : memref<640x16xf32, #tpu.memory_space<vmem>>, vector<16xf32>,
        %broadcast_in_dim3A_214 = arith.constant 7 : i32
        %broadcast_in_dim3A_215 = vector.broadcast %broadcast_in_dim3A_214 : i32 to vector<16x1xi32>
        %gather3A_216 = vector.shape_cast %broadcast_in_dim3A_215 : vector<16x1xi32> to vector<16xi32>
        %gather3A_217 = tpu.dynamic_gather %add3A_138[%gather3A_216] in [0] : vector<16xf32>, vector<16xi32> -> vector<16xf32>
        %mul3A_218 = arith.constant 16 : i32
        %mul3A_219 = arith.muli %add3A_28, %mul3A_218 : i32
        %add3A_220 = arith.constant 7 : i32
        %add3A_221 = arith.addi %mul3A_219, %add3A_220 : i32
        %swap3A_222 = arith.index_cast %add3A_221 : i32 to index
        %swap3A_223 = arith.constant 0 : index
        %swap3A_224 = tpu.vector_load %arg7[%swap3A_222, %swap3A_223] {strides = array<i32>} : memref<640x16xf32, #tpu.memory_space<vmem>>, vector<16xf32>,
        tpu.vector_store %arg7[%swap3A_222, %swap3A_223], %gather3A_217 {strides = array<i32>} : memref<640x16xf32, #tpu.memory_space<vmem>>, vector<16xf32>,
        %broadcast_in_dim3A_225 = arith.constant 8 : i32
        %broadcast_in_dim3A_226 = vector.broadcast %broadcast_in_dim3A_225 : i32 to vector<16x1xi32>
        %gather3A_227 = vector.shape_cast %broadcast_in_dim3A_226 : vector<16x1xi32> to vector<16xi32>
        %gather3A_228 = tpu.dynamic_gather %add3A_138[%gather3A_227] in [0] : vector<16xf32>, vector<16xi32> -> vector<16xf32>
        %mul3A_229 = arith.constant 16 : i32
        %mul3A_230 = arith.muli %add3A_28, %mul3A_229 : i32
        %add3A_231 = arith.constant 8 : i32
        %add3A_232 = arith.addi %mul3A_230, %add3A_231 : i32
        %swap3A_233 = arith.index_cast %add3A_232 : i32 to index
        %swap3A_234 = arith.constant 0 : index
        %swap3A_235 = tpu.vector_load %arg7[%swap3A_233, %swap3A_234] {strides = array<i32>} : memref<640x16xf32, #tpu.memory_space<vmem>>, vector<16xf32>,
        tpu.vector_store %arg7[%swap3A_233, %swap3A_234], %gather3A_228 {strides = array<i32>} : memref<640x16xf32, #tpu.memory_space<vmem>>, vector<16xf32>,
        %broadcast_in_dim3A_236 = arith.constant 9 : i32
        %broadcast_in_dim3A_237 = vector.broadcast %broadcast_in_dim3A_236 : i32 to vector<16x1xi32>
        %gather3A_238 = vector.shape_cast %broadcast_in_dim3A_237 : vector<16x1xi32> to vector<16xi32>
        %gather3A_239 = tpu.dynamic_gather %add3A_138[%gather3A_238] in [0] : vector<16xf32>, vector<16xi32> -> vector<16xf32>
        %mul3A_240 = arith.constant 16 : i32
        %mul3A_241 = arith.muli %add3A_28, %mul3A_240 : i32
        %add3A_242 = arith.constant 9 : i32
        %add3A_243 = arith.addi %mul3A_241, %add3A_242 : i32
        %swap3A_244 = arith.index_cast %add3A_243 : i32 to index
        %swap3A_245 = arith.constant 0 : index
        %swap3A_246 = tpu.vector_load %arg7[%swap3A_244, %swap3A_245] {strides = array<i32>} : memref<640x16xf32, #tpu.memory_space<vmem>>, vector<16xf32>,
        tpu.vector_store %arg7[%swap3A_244, %swap3A_245], %gather3A_239 {strides = array<i32>} : memref<640x16xf32, #tpu.memory_space<vmem>>, vector<16xf32>,
        %broadcast_in_dim3A_247 = arith.constant 10 : i32
        %broadcast_in_dim3A_248 = vector.broadcast %broadcast_in_dim3A_247 : i32 to vector<16x1xi32>
        %gather3A_249 = vector.shape_cast %broadcast_in_dim3A_248 : vector<16x1xi32> to vector<16xi32>
        %gather3A_250 = tpu.dynamic_gather %add3A_138[%gather3A_249] in [0] : vector<16xf32>, vector<16xi32> -> vector<16xf32>
        %mul3A_251 = arith.constant 16 : i32
        %mul3A_252 = arith.muli %add3A_28, %mul3A_251 : i32
        %add3A_253 = arith.constant 10 : i32
        %add3A_254 = arith.addi %mul3A_252, %add3A_253 : i32
        %swap3A_255 = arith.index_cast %add3A_254 : i32 to index
        %swap3A_256 = arith.constant 0 : index
        %swap3A_257 = tpu.vector_load %arg7[%swap3A_255, %swap3A_256] {strides = array<i32>} : memref<640x16xf32, #tpu.memory_space<vmem>>, vector<16xf32>,
        tpu.vector_store %arg7[%swap3A_255, %swap3A_256], %gather3A_250 {strides = array<i32>} : memref<640x16xf32, #tpu.memory_space<vmem>>, vector<16xf32>,
        %broadcast_in_dim3A_258 = arith.constant 11 : i32
        %broadcast_in_dim3A_259 = vector.broadcast %broadcast_in_dim3A_258 : i32 to vector<16x1xi32>
        %gather3A_260 = vector.shape_cast %broadcast_in_dim3A_259 : vector<16x1xi32> to vector<16xi32>
        %gather3A_261 = tpu.dynamic_gather %add3A_138[%gather3A_260] in [0] : vector<16xf32>, vector<16xi32> -> vector<16xf32>
        %mul3A_262 = arith.constant 16 : i32
        %mul3A_263 = arith.muli %add3A_28, %mul3A_262 : i32
        %add3A_264 = arith.constant 11 : i32
        %add3A_265 = arith.addi %mul3A_263, %add3A_264 : i32
        %swap3A_266 = arith.index_cast %add3A_265 : i32 to index
        %swap3A_267 = arith.constant 0 : index
        %swap3A_268 = tpu.vector_load %arg7[%swap3A_266, %swap3A_267] {strides = array<i32>} : memref<640x16xf32, #tpu.memory_space<vmem>>, vector<16xf32>,
        tpu.vector_store %arg7[%swap3A_266, %swap3A_267], %gather3A_261 {strides = array<i32>} : memref<640x16xf32, #tpu.memory_space<vmem>>, vector<16xf32>,
        %broadcast_in_dim3A_269 = arith.constant 12 : i32
        %broadcast_in_dim3A_270 = vector.broadcast %broadcast_in_dim3A_269 : i32 to vector<16x1xi32>
        %gather3A_271 = vector.shape_cast %broadcast_in_dim3A_270 : vector<16x1xi32> to vector<16xi32>
        %gather3A_272 = tpu.dynamic_gather %add3A_138[%gather3A_271] in [0] : vector<16xf32>, vector<16xi32> -> vector<16xf32>
        %mul3A_273 = arith.constant 16 : i32
        %mul3A_274 = arith.muli %add3A_28, %mul3A_273 : i32
        %add3A_275 = arith.constant 12 : i32
        %add3A_276 = arith.addi %mul3A_274, %add3A_275 : i32
        %swap3A_277 = arith.index_cast %add3A_276 : i32 to index
        %swap3A_278 = arith.constant 0 : index
        %swap3A_279 = tpu.vector_load %arg7[%swap3A_277, %swap3A_278] {strides = array<i32>} : memref<640x16xf32, #tpu.memory_space<vmem>>, vector<16xf32>,
        tpu.vector_store %arg7[%swap3A_277, %swap3A_278], %gather3A_272 {strides = array<i32>} : memref<640x16xf32, #tpu.memory_space<vmem>>, vector<16xf32>,
        %broadcast_in_dim3A_280 = arith.constant 13 : i32
        %broadcast_in_dim3A_281 = vector.broadcast %broadcast_in_dim3A_280 : i32 to vector<16x1xi32>
        %gather3A_282 = vector.shape_cast %broadcast_in_dim3A_281 : vector<16x1xi32> to vector<16xi32>
        %gather3A_283 = tpu.dynamic_gather %add3A_138[%gather3A_282] in [0] : vector<16xf32>, vector<16xi32> -> vector<16xf32>
        %mul3A_284 = arith.constant 16 : i32
        %mul3A_285 = arith.muli %add3A_28, %mul3A_284 : i32
        %add3A_286 = arith.constant 13 : i32
        %add3A_287 = arith.addi %mul3A_285, %add3A_286 : i32
        %swap3A_288 = arith.index_cast %add3A_287 : i32 to index
        %swap3A_289 = arith.constant 0 : index
        %swap3A_290 = tpu.vector_load %arg7[%swap3A_288, %swap3A_289] {strides = array<i32>} : memref<640x16xf32, #tpu.memory_space<vmem>>, vector<16xf32>,
        tpu.vector_store %arg7[%swap3A_288, %swap3A_289], %gather3A_283 {strides = array<i32>} : memref<640x16xf32, #tpu.memory_space<vmem>>, vector<16xf32>,
        %broadcast_in_dim3A_291 = arith.constant 14 : i32
        %broadcast_in_dim3A_292 = vector.broadcast %broadcast_in_dim3A_291 : i32 to vector<16x1xi32>
        %gather3A_293 = vector.shape_cast %broadcast_in_dim3A_292 : vector<16x1xi32> to vector<16xi32>
        %gather3A_294 = tpu.dynamic_gather %add3A_138[%gather3A_293] in [0] : vector<16xf32>, vector<16xi32> -> vector<16xf32>
        %mul3A_295 = arith.constant 16 : i32
        %mul3A_296 = arith.muli %add3A_28, %mul3A_295 : i32
        %add3A_297 = arith.constant 14 : i32
        %add3A_298 = arith.addi %mul3A_296, %add3A_297 : i32
        %swap3A_299 = arith.index_cast %add3A_298 : i32 to index
        %swap3A_300 = arith.constant 0 : index
        %swap3A_301 = tpu.vector_load %arg7[%swap3A_299, %swap3A_300] {strides = array<i32>} : memref<640x16xf32, #tpu.memory_space<vmem>>, vector<16xf32>,
        tpu.vector_store %arg7[%swap3A_299, %swap3A_300], %gather3A_294 {strides = array<i32>} : memref<640x16xf32, #tpu.memory_space<vmem>>, vector<16xf32>,
        %broadcast_in_dim3A_302 = arith.constant 15 : i32
        %broadcast_in_dim3A_303 = vector.broadcast %broadcast_in_dim3A_302 : i32 to vector<16x1xi32>
        %gather3A_304 = vector.shape_cast %broadcast_in_dim3A_303 : vector<16x1xi32> to vector<16xi32>
        %gather3A_305 = tpu.dynamic_gather %add3A_138[%gather3A_304] in [0] : vector<16xf32>, vector<16xi32> -> vector<16xf32>
        %mul3A_306 = arith.constant 16 : i32
        %mul3A_307 = arith.muli %add3A_28, %mul3A_306 : i32
        %add3A_308 = arith.constant 15 : i32
        %add3A_309 = arith.addi %mul3A_307, %add3A_308 : i32
        %swap3A_310 = arith.index_cast %add3A_309 : i32 to index
        %swap3A_311 = arith.constant 0 : index
        %swap3A_312 = tpu.vector_load %arg7[%swap3A_310, %swap3A_311] {strides = array<i32>} : memref<640x16xf32, #tpu.memory_space<vmem>>, vector<16xf32>,
        tpu.vector_store %arg7[%swap3A_310, %swap3A_311], %gather3A_305 {strides = array<i32>} : memref<640x16xf32, #tpu.memory_space<vmem>>, vector<16xf32>,
      }
      %scan3A_23 = arith.constant 40 : i32
      "tpu.region"() ({
        %run_scoped3A = tpu.sem_alloc : memref<!tpu.dma_semaphore, #tpu.memory_space<semaphore_mem>>
        %dma_start3A = arith.constant 0 : i32
        %dma_start3A_24 = arith.constant 0 : i32
        %dma_start3A_25 = tpu.memref_slice %arg7[%dma_start3A, %dma_start3A_24] : memref<640x16xf32, #tpu.memory_space<vmem>> -> memref<640x16xf32, #tpu.memory_space<vmem>>
        %dma_start3A_26 = arith.constant 0 : i32
        %dma_start3A_27 = tpu.memref_slice %arg3[%arg0, %mul3A_18, %dma_start3A_26] : memref<2x10112x16xf32, #tpu.memory_space<hbm>> -> memref<1x640x16xf32, #tpu.memory_space<hbm>>
        %dma_start3A_28 = tpu.memref_squeeze %dma_start3A_27 : memref<1x640x16xf32, #tpu.memory_space<hbm>> -> memref<640x16xf32, #tpu.memory_space<hbm>>
        %dma_start3A_29 = arith.constant 0 : i32
        %dma_start3A_30 = tpu.memref_slice %arg3[%arg0, %mul3A_18, %dma_start3A_29] : memref<2x10112x16xf32, #tpu.memory_space<hbm>> -> memref<1x640x16xf32, #tpu.memory_space<hbm>>
        %dma_start3A_31 = tpu.memref_squeeze %dma_start3A_30 : memref<1x640x16xf32, #tpu.memory_space<hbm>> -> memref<640x16xf32, #tpu.memory_space<hbm>>
        %dma_start3A_32 = arith.constant 0 : i32
        %dma_start3A_33 = arith.constant 0 : i32
        %dma_start3A_34 = tpu.memref_slice %arg7[%dma_start3A_32, %dma_start3A_33] : memref<640x16xf32, #tpu.memory_space<vmem>> -> memref<640x16xf32, #tpu.memory_space<vmem>>
        tpu.enqueue_dma source(%dma_start3A_34 : memref<640x16xf32, #tpu.memory_space<vmem>>) target(%dma_start3A_31 : memref<640x16xf32, #tpu.memory_space<hbm>>) target_semaphore(%run_scoped3A : memref<!tpu.dma_semaphore, #tpu.memory_space<semaphore_mem>>)
        %dma_wait3A = arith.constant 0 : i32
        %dma_wait3A_35 = arith.constant 0 : i32
        %dma_wait3A_36 = tpu.memref_slice %arg7[%dma_wait3A, %dma_wait3A_35] : memref<640x16xf32, #tpu.memory_space<vmem>> -> memref<640x16xf32, #tpu.memory_space<vmem>>
        %dma_wait3A_37 = arith.constant 0 : i32
        %dma_wait3A_38 = tpu.memref_slice %arg3[%arg0, %mul3A_18, %dma_wait3A_37] : memref<2x10112x16xf32, #tpu.memory_space<hbm>> -> memref<1x640x16xf32, #tpu.memory_space<hbm>>
        %dma_wait3A_39 = tpu.memref_squeeze %dma_wait3A_38 : memref<1x640x16xf32, #tpu.memory_space<hbm>> -> memref<640x16xf32, #tpu.memory_space<hbm>>
        %dma_wait3A_40 = arith.constant 0 : i32
        %dma_wait3A_41 = tpu.memref_slice %arg3[%arg0, %mul3A_18, %dma_wait3A_40] : memref<2x10112x16xf32, #tpu.memory_space<hbm>> -> memref<1x640x16xf32, #tpu.memory_space<hbm>>
        %dma_wait3A_42 = tpu.memref_squeeze %dma_wait3A_41 : memref<1x640x16xf32, #tpu.memory_space<hbm>> -> memref<640x16xf32, #tpu.memory_space<hbm>>
        %dma_wait3A_43 = arith.constant 0 : i32
        %dma_wait3A_44 = arith.constant 0 : i32
        %dma_wait3A_45 = tpu.memref_slice %arg7[%dma_wait3A_43, %dma_wait3A_44] : memref<640x16xf32, #tpu.memory_space<vmem>> -> memref<640x16xf32, #tpu.memory_space<vmem>>
        tpu.wait_dma2 semaphore(%run_scoped3A : memref<!tpu.dma_semaphore, #tpu.memory_space<semaphore_mem>>) src(%dma_wait3A_45 : memref<640x16xf32, #tpu.memory_space<vmem>>) dst(%dma_wait3A_42 : memref<640x16xf32, #tpu.memory_space<hbm>>)
        tpu.yield
      }) : () -> ()
    } else {
    }
    %eq3A = arith.constant 15 : i32
    %eq3A_13 = arith.cmpi eq, %arg1, %eq3A : i32
    %convert_element_type3A_14 = arith.extui %eq3A_13 : i1 to i32
    %cond3A_15 = arith.constant 0 : i32
    %cond3A_16 = arith.cmpi ne, %convert_element_type3A_14, %cond3A_15 : i32
    scf.if %cond3A_16 {
      "tpu.region"() ({
        %run_scoped3A = tpu.sem_alloc : memref<!tpu.dma_semaphore, #tpu.memory_space<semaphore_mem>>
        %dma_start3A = arith.constant 0 : i32
        %dma_start3A_22 = arith.constant 0 : i32
        %dma_start3A_23 = tpu.memref_slice %arg6[%dma_start3A, %dma_start3A_22] : memref<16x640xf32, #tpu.memory_space<vmem>> -> memref<16x512xf32, #tpu.memory_space<vmem>>
        %dma_start3A_24 = arith.constant 0 : i32
        %dma_start3A_25 = arith.constant 9600 : i32
        %dma_start3A_26 = tpu.memref_slice %arg8[%dma_start3A_24, %dma_start3A_25] : memref<16x10112xf32, #tpu.memory_space<vmem_shared>> -> memref<16x512xf32, #tpu.memory_space<vmem_shared>>
        %dma_start3A_27 = arith.constant 0 : i32
        %dma_start3A_28 = arith.constant 0 : i32
        %dma_start3A_29 = tpu.memref_slice %arg6[%dma_start3A_27, %dma_start3A_28] : memref<16x640xf32, #tpu.memory_space<vmem>> -> memref<16x512xf32, #tpu.memory_space<vmem>>
        %dma_start3A_30 = arith.constant 0 : i32
        %dma_start3A_31 = arith.constant 9600 : i32
        %dma_start3A_32 = tpu.memref_slice %arg8[%dma_start3A_30, %dma_start3A_31] : memref<16x10112xf32, #tpu.memory_space<vmem_shared>> -> memref<16x512xf32, #tpu.memory_space<vmem_shared>>
        tpu.enqueue_dma source(%dma_start3A_32 : memref<16x512xf32, #tpu.memory_space<vmem_shared>>) target(%dma_start3A_29 : memref<16x512xf32, #tpu.memory_space<vmem>>) target_semaphore(%run_scoped3A : memref<!tpu.dma_semaphore, #tpu.memory_space<semaphore_mem>>)
        %dma_wait3A = arith.constant 0 : i32
        %dma_wait3A_33 = arith.constant 0 : i32
        %dma_wait3A_34 = tpu.memref_slice %arg6[%dma_wait3A, %dma_wait3A_33] : memref<16x640xf32, #tpu.memory_space<vmem>> -> memref<16x512xf32, #tpu.memory_space<vmem>>
        %dma_wait3A_35 = arith.constant 0 : i32
        %dma_wait3A_36 = arith.constant 9600 : i32
        %dma_wait3A_37 = tpu.memref_slice %arg8[%dma_wait3A_35, %dma_wait3A_36] : memref<16x10112xf32, #tpu.memory_space<vmem_shared>> -> memref<16x512xf32, #tpu.memory_space<vmem_shared>>
        %dma_wait3A_38 = arith.constant 0 : i32
        %dma_wait3A_39 = arith.constant 0 : i32
        %dma_wait3A_40 = tpu.memref_slice %arg6[%dma_wait3A_38, %dma_wait3A_39] : memref<16x640xf32, #tpu.memory_space<vmem>> -> memref<16x512xf32, #tpu.memory_space<vmem>>
        %dma_wait3A_41 = arith.constant 0 : i32
        %dma_wait3A_42 = arith.constant 9600 : i32
        %dma_wait3A_43 = tpu.memref_slice %arg8[%dma_wait3A_41, %dma_wait3A_42] : memref<16x10112xf32, #tpu.memory_space<vmem_shared>> -> memref<16x512xf32, #tpu.memory_space<vmem_shared>>
        tpu.wait_dma2 semaphore(%run_scoped3A : memref<!tpu.dma_semaphore, #tpu.memory_space<semaphore_mem>>) src(%dma_wait3A_43 : memref<16x512xf32, #tpu.memory_space<vmem_shared>>) dst(%dma_wait3A_40 : memref<16x512xf32, #tpu.memory_space<vmem>>)
        tpu.yield
      }) : () -> ()
      %scan3A_17 = arith.constant 0 : i32
      %scan3A_18 = arith.constant 32 : i32
      %scan3A_19 = arith.addi %scan3A_17, %scan3A_18 : i32
      %scan3A_20 = arith.constant 1 : i32
      scf.for %scan3A_22 = %scan3A_17 to %scan3A_19 step %scan3A_20  : i32 {
        %mul3A_23 = arith.constant 1 : i32
        %mul3A_24 = arith.muli %scan3A_22, %mul3A_23 : i32
        %add3A_25 = arith.constant 0 : i32
        %add3A_26 = arith.addi %add3A_25, %mul3A_24 : i32
        %mul3A_27 = arith.constant 16 : i32
        %mul3A_28 = arith.muli %add3A_26, %mul3A_27 : i32
        %get3A = arith.constant 0 : i32
        %get3A_29 = arith.index_cast %get3A : i32 to index
        %get3A_30 = arith.index_cast %mul3A_28 : i32 to index
        %get3A_31 = tpu.vector_load %arg6[%get3A_29, %get3A_30] {strides = array<i32>} : memref<16x640xf32, #tpu.memory_space<vmem>>, vector<16xf32>,
        %mul3A_32 = arith.constant 16 : i32
        %mul3A_33 = arith.muli %add3A_26, %mul3A_32 : i32
        %get3A_34 = arith.constant 1 : i32
        %get3A_35 = arith.index_cast %get3A_34 : i32 to index
        %get3A_36 = arith.index_cast %mul3A_33 : i32 to index
        %get3A_37 = tpu.vector_load %arg6[%get3A_35, %get3A_36] {strides = array<i32>} : memref<16x640xf32, #tpu.memory_space<vmem>>, vector<16xf32>,
        %add3A_38 = arith.addf %get3A_31, %get3A_37 : vector<16xf32>
        %mul3A_39 = arith.constant 16 : i32
        %mul3A_40 = arith.muli %add3A_26, %mul3A_39 : i32
        %get3A_41 = arith.constant 2 : i32
        %get3A_42 = arith.index_cast %get3A_41 : i32 to index
        %get3A_43 = arith.index_cast %mul3A_40 : i32 to index
        %get3A_44 = tpu.vector_load %arg6[%get3A_42, %get3A_43] {strides = array<i32>} : memref<16x640xf32, #tpu.memory_space<vmem>>, vector<16xf32>,
        %add3A_45 = arith.addf %add3A_38, %get3A_44 : vector<16xf32>
        %mul3A_46 = arith.constant 16 : i32
        %mul3A_47 = arith.muli %add3A_26, %mul3A_46 : i32
        %get3A_48 = arith.constant 3 : i32
        %get3A_49 = arith.index_cast %get3A_48 : i32 to index
        %get3A_50 = arith.index_cast %mul3A_47 : i32 to index
        %get3A_51 = tpu.vector_load %arg6[%get3A_49, %get3A_50] {strides = array<i32>} : memref<16x640xf32, #tpu.memory_space<vmem>>, vector<16xf32>,
        %add3A_52 = arith.addf %add3A_45, %get3A_51 : vector<16xf32>
        %mul3A_53 = arith.constant 16 : i32
        %mul3A_54 = arith.muli %add3A_26, %mul3A_53 : i32
        %get3A_55 = arith.constant 4 : i32
        %get3A_56 = arith.index_cast %get3A_55 : i32 to index
        %get3A_57 = arith.index_cast %mul3A_54 : i32 to index
        %get3A_58 = tpu.vector_load %arg6[%get3A_56, %get3A_57] {strides = array<i32>} : memref<16x640xf32, #tpu.memory_space<vmem>>, vector<16xf32>,
        %add3A_59 = arith.addf %add3A_52, %get3A_58 : vector<16xf32>
        %mul3A_60 = arith.constant 16 : i32
        %mul3A_61 = arith.muli %add3A_26, %mul3A_60 : i32
        %get3A_62 = arith.constant 5 : i32
        %get3A_63 = arith.index_cast %get3A_62 : i32 to index
        %get3A_64 = arith.index_cast %mul3A_61 : i32 to index
        %get3A_65 = tpu.vector_load %arg6[%get3A_63, %get3A_64] {strides = array<i32>} : memref<16x640xf32, #tpu.memory_space<vmem>>, vector<16xf32>,
        %add3A_66 = arith.addf %add3A_59, %get3A_65 : vector<16xf32>
        %mul3A_67 = arith.constant 16 : i32
        %mul3A_68 = arith.muli %add3A_26, %mul3A_67 : i32
        %get3A_69 = arith.constant 6 : i32
        %get3A_70 = arith.index_cast %get3A_69 : i32 to index
        %get3A_71 = arith.index_cast %mul3A_68 : i32 to index
        %get3A_72 = tpu.vector_load %arg6[%get3A_70, %get3A_71] {strides = array<i32>} : memref<16x640xf32, #tpu.memory_space<vmem>>, vector<16xf32>,
        %add3A_73 = arith.addf %add3A_66, %get3A_72 : vector<16xf32>
        %mul3A_74 = arith.constant 16 : i32
        %mul3A_75 = arith.muli %add3A_26, %mul3A_74 : i32
        %get3A_76 = arith.constant 7 : i32
        %get3A_77 = arith.index_cast %get3A_76 : i32 to index
        %get3A_78 = arith.index_cast %mul3A_75 : i32 to index
        %get3A_79 = tpu.vector_load %arg6[%get3A_77, %get3A_78] {strides = array<i32>} : memref<16x640xf32, #tpu.memory_space<vmem>>, vector<16xf32>,
        %add3A_80 = arith.addf %add3A_73, %get3A_79 : vector<16xf32>
        %mul3A_81 = arith.constant 16 : i32
        %mul3A_82 = arith.muli %add3A_26, %mul3A_81 : i32
        %get3A_83 = arith.constant 8 : i32
        %get3A_84 = arith.index_cast %get3A_83 : i32 to index
        %get3A_85 = arith.index_cast %mul3A_82 : i32 to index
        %get3A_86 = tpu.vector_load %arg6[%get3A_84, %get3A_85] {strides = array<i32>} : memref<16x640xf32, #tpu.memory_space<vmem>>, vector<16xf32>,
        %add3A_87 = arith.addf %add3A_80, %get3A_86 : vector<16xf32>
        %mul3A_88 = arith.constant 16 : i32
        %mul3A_89 = arith.muli %add3A_26, %mul3A_88 : i32
        %get3A_90 = arith.constant 9 : i32
        %get3A_91 = arith.index_cast %get3A_90 : i32 to index
        %get3A_92 = arith.index_cast %mul3A_89 : i32 to index
        %get3A_93 = tpu.vector_load %arg6[%get3A_91, %get3A_92] {strides = array<i32>} : memref<16x640xf32, #tpu.memory_space<vmem>>, vector<16xf32>,
        %add3A_94 = arith.addf %add3A_87, %get3A_93 : vector<16xf32>
        %mul3A_95 = arith.constant 16 : i32
        %mul3A_96 = arith.muli %add3A_26, %mul3A_95 : i32
        %get3A_97 = arith.constant 10 : i32
        %get3A_98 = arith.index_cast %get3A_97 : i32 to index
        %get3A_99 = arith.index_cast %mul3A_96 : i32 to index
        %get3A_100 = tpu.vector_load %arg6[%get3A_98, %get3A_99] {strides = array<i32>} : memref<16x640xf32, #tpu.memory_space<vmem>>, vector<16xf32>,
        %add3A_101 = arith.addf %add3A_94, %get3A_100 : vector<16xf32>
        %mul3A_102 = arith.constant 16 : i32
        %mul3A_103 = arith.muli %add3A_26, %mul3A_102 : i32
        %get3A_104 = arith.constant 11 : i32
        %get3A_105 = arith.index_cast %get3A_104 : i32 to index
        %get3A_106 = arith.index_cast %mul3A_103 : i32 to index
        %get3A_107 = tpu.vector_load %arg6[%get3A_105, %get3A_106] {strides = array<i32>} : memref<16x640xf32, #tpu.memory_space<vmem>>, vector<16xf32>,
        %add3A_108 = arith.addf %add3A_101, %get3A_107 : vector<16xf32>
        %mul3A_109 = arith.constant 16 : i32
        %mul3A_110 = arith.muli %add3A_26, %mul3A_109 : i32
        %get3A_111 = arith.constant 12 : i32
        %get3A_112 = arith.index_cast %get3A_111 : i32 to index
        %get3A_113 = arith.index_cast %mul3A_110 : i32 to index
        %get3A_114 = tpu.vector_load %arg6[%get3A_112, %get3A_113] {strides = array<i32>} : memref<16x640xf32, #tpu.memory_space<vmem>>, vector<16xf32>,
        %add3A_115 = arith.addf %add3A_108, %get3A_114 : vector<16xf32>
        %mul3A_116 = arith.constant 16 : i32
        %mul3A_117 = arith.muli %add3A_26, %mul3A_116 : i32
        %get3A_118 = arith.constant 13 : i32
        %get3A_119 = arith.index_cast %get3A_118 : i32 to index
        %get3A_120 = arith.index_cast %mul3A_117 : i32 to index
        %get3A_121 = tpu.vector_load %arg6[%get3A_119, %get3A_120] {strides = array<i32>} : memref<16x640xf32, #tpu.memory_space<vmem>>, vector<16xf32>,
        %add3A_122 = arith.addf %add3A_115, %get3A_121 : vector<16xf32>
        %mul3A_123 = arith.constant 16 : i32
        %mul3A_124 = arith.muli %add3A_26, %mul3A_123 : i32
        %get3A_125 = arith.constant 14 : i32
        %get3A_126 = arith.index_cast %get3A_125 : i32 to index
        %get3A_127 = arith.index_cast %mul3A_124 : i32 to index
        %get3A_128 = tpu.vector_load %arg6[%get3A_126, %get3A_127] {strides = array<i32>} : memref<16x640xf32, #tpu.memory_space<vmem>>, vector<16xf32>,
        %add3A_129 = arith.addf %add3A_122, %get3A_128 : vector<16xf32>
        %mul3A_130 = arith.constant 16 : i32
        %mul3A_131 = arith.muli %add3A_26, %mul3A_130 : i32
        %get3A_132 = arith.constant 15 : i32
        %get3A_133 = arith.index_cast %get3A_132 : i32 to index
        %get3A_134 = arith.index_cast %mul3A_131 : i32 to index
        %get3A_135 = tpu.vector_load %arg6[%get3A_133, %get3A_134] {strides = array<i32>} : memref<16x640xf32, #tpu.memory_space<vmem>>, vector<16xf32>,
        %add3A_136 = arith.addf %add3A_129, %get3A_135 : vector<16xf32>
        %broadcast_in_dim3A_137 = arith.constant 0 : i32
        %broadcast_in_dim3A_138 = vector.broadcast %broadcast_in_dim3A_137 : i32 to vector<16x1xi32>
        %gather3A = vector.shape_cast %broadcast_in_dim3A_138 : vector<16x1xi32> to vector<16xi32>
        %gather3A_139 = tpu.dynamic_gather %add3A_136[%gather3A] in [0] : vector<16xf32>, vector<16xi32> -> vector<16xf32>
        %mul3A_140 = arith.constant 16 : i32
        %mul3A_141 = arith.muli %add3A_26, %mul3A_140 : i32
        %add3A_142 = arith.constant 0 : i32
        %add3A_143 = arith.addi %mul3A_141, %add3A_142 : i32
        %swap3A = arith.index_cast %add3A_143 : i32 to index
        %swap3A_144 = arith.constant 0 : index
        %swap3A_145 = tpu.vector_load %arg7[%swap3A, %swap3A_144] {strides = array<i32>} : memref<640x16xf32, #tpu.memory_space<vmem>>, vector<16xf32>,
        tpu.vector_store %arg7[%swap3A, %swap3A_144], %gather3A_139 {strides = array<i32>} : memref<640x16xf32, #tpu.memory_space<vmem>>, vector<16xf32>,
        %broadcast_in_dim3A_146 = arith.constant 1 : i32
        %broadcast_in_dim3A_147 = vector.broadcast %broadcast_in_dim3A_146 : i32 to vector<16x1xi32>
        %gather3A_148 = vector.shape_cast %broadcast_in_dim3A_147 : vector<16x1xi32> to vector<16xi32>
        %gather3A_149 = tpu.dynamic_gather %add3A_136[%gather3A_148] in [0] : vector<16xf32>, vector<16xi32> -> vector<16xf32>
        %mul3A_150 = arith.constant 16 : i32
        %mul3A_151 = arith.muli %add3A_26, %mul3A_150 : i32
        %add3A_152 = arith.constant 1 : i32
        %add3A_153 = arith.addi %mul3A_151, %add3A_152 : i32
        %swap3A_154 = arith.index_cast %add3A_153 : i32 to index
        %swap3A_155 = arith.constant 0 : index
        %swap3A_156 = tpu.vector_load %arg7[%swap3A_154, %swap3A_155] {strides = array<i32>} : memref<640x16xf32, #tpu.memory_space<vmem>>, vector<16xf32>,
        tpu.vector_store %arg7[%swap3A_154, %swap3A_155], %gather3A_149 {strides = array<i32>} : memref<640x16xf32, #tpu.memory_space<vmem>>, vector<16xf32>,
        %broadcast_in_dim3A_157 = arith.constant 2 : i32
        %broadcast_in_dim3A_158 = vector.broadcast %broadcast_in_dim3A_157 : i32 to vector<16x1xi32>
        %gather3A_159 = vector.shape_cast %broadcast_in_dim3A_158 : vector<16x1xi32> to vector<16xi32>
        %gather3A_160 = tpu.dynamic_gather %add3A_136[%gather3A_159] in [0] : vector<16xf32>, vector<16xi32> -> vector<16xf32>
        %mul3A_161 = arith.constant 16 : i32
        %mul3A_162 = arith.muli %add3A_26, %mul3A_161 : i32
        %add3A_163 = arith.constant 2 : i32
        %add3A_164 = arith.addi %mul3A_162, %add3A_163 : i32
        %swap3A_165 = arith.index_cast %add3A_164 : i32 to index
        %swap3A_166 = arith.constant 0 : index
        %swap3A_167 = tpu.vector_load %arg7[%swap3A_165, %swap3A_166] {strides = array<i32>} : memref<640x16xf32, #tpu.memory_space<vmem>>, vector<16xf32>,
        tpu.vector_store %arg7[%swap3A_165, %swap3A_166], %gather3A_160 {strides = array<i32>} : memref<640x16xf32, #tpu.memory_space<vmem>>, vector<16xf32>,
        %broadcast_in_dim3A_168 = arith.constant 3 : i32
        %broadcast_in_dim3A_169 = vector.broadcast %broadcast_in_dim3A_168 : i32 to vector<16x1xi32>
        %gather3A_170 = vector.shape_cast %broadcast_in_dim3A_169 : vector<16x1xi32> to vector<16xi32>
        %gather3A_171 = tpu.dynamic_gather %add3A_136[%gather3A_170] in [0] : vector<16xf32>, vector<16xi32> -> vector<16xf32>
        %mul3A_172 = arith.constant 16 : i32
        %mul3A_173 = arith.muli %add3A_26, %mul3A_172 : i32
        %add3A_174 = arith.constant 3 : i32
        %add3A_175 = arith.addi %mul3A_173, %add3A_174 : i32
        %swap3A_176 = arith.index_cast %add3A_175 : i32 to index
        %swap3A_177 = arith.constant 0 : index
        %swap3A_178 = tpu.vector_load %arg7[%swap3A_176, %swap3A_177] {strides = array<i32>} : memref<640x16xf32, #tpu.memory_space<vmem>>, vector<16xf32>,
        tpu.vector_store %arg7[%swap3A_176, %swap3A_177], %gather3A_171 {strides = array<i32>} : memref<640x16xf32, #tpu.memory_space<vmem>>, vector<16xf32>,
        %broadcast_in_dim3A_179 = arith.constant 4 : i32
        %broadcast_in_dim3A_180 = vector.broadcast %broadcast_in_dim3A_179 : i32 to vector<16x1xi32>
        %gather3A_181 = vector.shape_cast %broadcast_in_dim3A_180 : vector<16x1xi32> to vector<16xi32>
        %gather3A_182 = tpu.dynamic_gather %add3A_136[%gather3A_181] in [0] : vector<16xf32>, vector<16xi32> -> vector<16xf32>
        %mul3A_183 = arith.constant 16 : i32
        %mul3A_184 = arith.muli %add3A_26, %mul3A_183 : i32
        %add3A_185 = arith.constant 4 : i32
        %add3A_186 = arith.addi %mul3A_184, %add3A_185 : i32
        %swap3A_187 = arith.index_cast %add3A_186 : i32 to index
        %swap3A_188 = arith.constant 0 : index
        %swap3A_189 = tpu.vector_load %arg7[%swap3A_187, %swap3A_188] {strides = array<i32>} : memref<640x16xf32, #tpu.memory_space<vmem>>, vector<16xf32>,
        tpu.vector_store %arg7[%swap3A_187, %swap3A_188], %gather3A_182 {strides = array<i32>} : memref<640x16xf32, #tpu.memory_space<vmem>>, vector<16xf32>,
        %broadcast_in_dim3A_190 = arith.constant 5 : i32
        %broadcast_in_dim3A_191 = vector.broadcast %broadcast_in_dim3A_190 : i32 to vector<16x1xi32>
        %gather3A_192 = vector.shape_cast %broadcast_in_dim3A_191 : vector<16x1xi32> to vector<16xi32>
        %gather3A_193 = tpu.dynamic_gather %add3A_136[%gather3A_192] in [0] : vector<16xf32>, vector<16xi32> -> vector<16xf32>
        %mul3A_194 = arith.constant 16 : i32
        %mul3A_195 = arith.muli %add3A_26, %mul3A_194 : i32
        %add3A_196 = arith.constant 5 : i32
        %add3A_197 = arith.addi %mul3A_195, %add3A_196 : i32
        %swap3A_198 = arith.index_cast %add3A_197 : i32 to index
        %swap3A_199 = arith.constant 0 : index
        %swap3A_200 = tpu.vector_load %arg7[%swap3A_198, %swap3A_199] {strides = array<i32>} : memref<640x16xf32, #tpu.memory_space<vmem>>, vector<16xf32>,
        tpu.vector_store %arg7[%swap3A_198, %swap3A_199], %gather3A_193 {strides = array<i32>} : memref<640x16xf32, #tpu.memory_space<vmem>>, vector<16xf32>,
        %broadcast_in_dim3A_201 = arith.constant 6 : i32
        %broadcast_in_dim3A_202 = vector.broadcast %broadcast_in_dim3A_201 : i32 to vector<16x1xi32>
        %gather3A_203 = vector.shape_cast %broadcast_in_dim3A_202 : vector<16x1xi32> to vector<16xi32>
        %gather3A_204 = tpu.dynamic_gather %add3A_136[%gather3A_203] in [0] : vector<16xf32>, vector<16xi32> -> vector<16xf32>
        %mul3A_205 = arith.constant 16 : i32
        %mul3A_206 = arith.muli %add3A_26, %mul3A_205 : i32
        %add3A_207 = arith.constant 6 : i32
        %add3A_208 = arith.addi %mul3A_206, %add3A_207 : i32
        %swap3A_209 = arith.index_cast %add3A_208 : i32 to index
        %swap3A_210 = arith.constant 0 : index
        %swap3A_211 = tpu.vector_load %arg7[%swap3A_209, %swap3A_210] {strides = array<i32>} : memref<640x16xf32, #tpu.memory_space<vmem>>, vector<16xf32>,
        tpu.vector_store %arg7[%swap3A_209, %swap3A_210], %gather3A_204 {strides = array<i32>} : memref<640x16xf32, #tpu.memory_space<vmem>>, vector<16xf32>,
        %broadcast_in_dim3A_212 = arith.constant 7 : i32
        %broadcast_in_dim3A_213 = vector.broadcast %broadcast_in_dim3A_212 : i32 to vector<16x1xi32>
        %gather3A_214 = vector.shape_cast %broadcast_in_dim3A_213 : vector<16x1xi32> to vector<16xi32>
        %gather3A_215 = tpu.dynamic_gather %add3A_136[%gather3A_214] in [0] : vector<16xf32>, vector<16xi32> -> vector<16xf32>
        %mul3A_216 = arith.constant 16 : i32
        %mul3A_217 = arith.muli %add3A_26, %mul3A_216 : i32
        %add3A_218 = arith.constant 7 : i32
        %add3A_219 = arith.addi %mul3A_217, %add3A_218 : i32
        %swap3A_220 = arith.index_cast %add3A_219 : i32 to index
        %swap3A_221 = arith.constant 0 : index
        %swap3A_222 = tpu.vector_load %arg7[%swap3A_220, %swap3A_221] {strides = array<i32>} : memref<640x16xf32, #tpu.memory_space<vmem>>, vector<16xf32>,
        tpu.vector_store %arg7[%swap3A_220, %swap3A_221], %gather3A_215 {strides = array<i32>} : memref<640x16xf32, #tpu.memory_space<vmem>>, vector<16xf32>,
        %broadcast_in_dim3A_223 = arith.constant 8 : i32
        %broadcast_in_dim3A_224 = vector.broadcast %broadcast_in_dim3A_223 : i32 to vector<16x1xi32>
        %gather3A_225 = vector.shape_cast %broadcast_in_dim3A_224 : vector<16x1xi32> to vector<16xi32>
        %gather3A_226 = tpu.dynamic_gather %add3A_136[%gather3A_225] in [0] : vector<16xf32>, vector<16xi32> -> vector<16xf32>
        %mul3A_227 = arith.constant 16 : i32
        %mul3A_228 = arith.muli %add3A_26, %mul3A_227 : i32
        %add3A_229 = arith.constant 8 : i32
        %add3A_230 = arith.addi %mul3A_228, %add3A_229 : i32
        %swap3A_231 = arith.index_cast %add3A_230 : i32 to index
        %swap3A_232 = arith.constant 0 : index
        %swap3A_233 = tpu.vector_load %arg7[%swap3A_231, %swap3A_232] {strides = array<i32>} : memref<640x16xf32, #tpu.memory_space<vmem>>, vector<16xf32>,
        tpu.vector_store %arg7[%swap3A_231, %swap3A_232], %gather3A_226 {strides = array<i32>} : memref<640x16xf32, #tpu.memory_space<vmem>>, vector<16xf32>,
        %broadcast_in_dim3A_234 = arith.constant 9 : i32
        %broadcast_in_dim3A_235 = vector.broadcast %broadcast_in_dim3A_234 : i32 to vector<16x1xi32>
        %gather3A_236 = vector.shape_cast %broadcast_in_dim3A_235 : vector<16x1xi32> to vector<16xi32>
        %gather3A_237 = tpu.dynamic_gather %add3A_136[%gather3A_236] in [0] : vector<16xf32>, vector<16xi32> -> vector<16xf32>
        %mul3A_238 = arith.constant 16 : i32
        %mul3A_239 = arith.muli %add3A_26, %mul3A_238 : i32
        %add3A_240 = arith.constant 9 : i32
        %add3A_241 = arith.addi %mul3A_239, %add3A_240 : i32
        %swap3A_242 = arith.index_cast %add3A_241 : i32 to index
        %swap3A_243 = arith.constant 0 : index
        %swap3A_244 = tpu.vector_load %arg7[%swap3A_242, %swap3A_243] {strides = array<i32>} : memref<640x16xf32, #tpu.memory_space<vmem>>, vector<16xf32>,
        tpu.vector_store %arg7[%swap3A_242, %swap3A_243], %gather3A_237 {strides = array<i32>} : memref<640x16xf32, #tpu.memory_space<vmem>>, vector<16xf32>,
        %broadcast_in_dim3A_245 = arith.constant 10 : i32
        %broadcast_in_dim3A_246 = vector.broadcast %broadcast_in_dim3A_245 : i32 to vector<16x1xi32>
        %gather3A_247 = vector.shape_cast %broadcast_in_dim3A_246 : vector<16x1xi32> to vector<16xi32>
        %gather3A_248 = tpu.dynamic_gather %add3A_136[%gather3A_247] in [0] : vector<16xf32>, vector<16xi32> -> vector<16xf32>
        %mul3A_249 = arith.constant 16 : i32
        %mul3A_250 = arith.muli %add3A_26, %mul3A_249 : i32
        %add3A_251 = arith.constant 10 : i32
        %add3A_252 = arith.addi %mul3A_250, %add3A_251 : i32
        %swap3A_253 = arith.index_cast %add3A_252 : i32 to index
        %swap3A_254 = arith.constant 0 : index
        %swap3A_255 = tpu.vector_load %arg7[%swap3A_253, %swap3A_254] {strides = array<i32>} : memref<640x16xf32, #tpu.memory_space<vmem>>, vector<16xf32>,
        tpu.vector_store %arg7[%swap3A_253, %swap3A_254], %gather3A_248 {strides = array<i32>} : memref<640x16xf32, #tpu.memory_space<vmem>>, vector<16xf32>,
        %broadcast_in_dim3A_256 = arith.constant 11 : i32
        %broadcast_in_dim3A_257 = vector.broadcast %broadcast_in_dim3A_256 : i32 to vector<16x1xi32>
        %gather3A_258 = vector.shape_cast %broadcast_in_dim3A_257 : vector<16x1xi32> to vector<16xi32>
        %gather3A_259 = tpu.dynamic_gather %add3A_136[%gather3A_258] in [0] : vector<16xf32>, vector<16xi32> -> vector<16xf32>
        %mul3A_260 = arith.constant 16 : i32
        %mul3A_261 = arith.muli %add3A_26, %mul3A_260 : i32
        %add3A_262 = arith.constant 11 : i32
        %add3A_263 = arith.addi %mul3A_261, %add3A_262 : i32
        %swap3A_264 = arith.index_cast %add3A_263 : i32 to index
        %swap3A_265 = arith.constant 0 : index
        %swap3A_266 = tpu.vector_load %arg7[%swap3A_264, %swap3A_265] {strides = array<i32>} : memref<640x16xf32, #tpu.memory_space<vmem>>, vector<16xf32>,
        tpu.vector_store %arg7[%swap3A_264, %swap3A_265], %gather3A_259 {strides = array<i32>} : memref<640x16xf32, #tpu.memory_space<vmem>>, vector<16xf32>,
        %broadcast_in_dim3A_267 = arith.constant 12 : i32
        %broadcast_in_dim3A_268 = vector.broadcast %broadcast_in_dim3A_267 : i32 to vector<16x1xi32>
        %gather3A_269 = vector.shape_cast %broadcast_in_dim3A_268 : vector<16x1xi32> to vector<16xi32>
        %gather3A_270 = tpu.dynamic_gather %add3A_136[%gather3A_269] in [0] : vector<16xf32>, vector<16xi32> -> vector<16xf32>
        %mul3A_271 = arith.constant 16 : i32
        %mul3A_272 = arith.muli %add3A_26, %mul3A_271 : i32
        %add3A_273 = arith.constant 12 : i32
        %add3A_274 = arith.addi %mul3A_272, %add3A_273 : i32
        %swap3A_275 = arith.index_cast %add3A_274 : i32 to index
        %swap3A_276 = arith.constant 0 : index
        %swap3A_277 = tpu.vector_load %arg7[%swap3A_275, %swap3A_276] {strides = array<i32>} : memref<640x16xf32, #tpu.memory_space<vmem>>, vector<16xf32>,
        tpu.vector_store %arg7[%swap3A_275, %swap3A_276], %gather3A_270 {strides = array<i32>} : memref<640x16xf32, #tpu.memory_space<vmem>>, vector<16xf32>,
        %broadcast_in_dim3A_278 = arith.constant 13 : i32
        %broadcast_in_dim3A_279 = vector.broadcast %broadcast_in_dim3A_278 : i32 to vector<16x1xi32>
        %gather3A_280 = vector.shape_cast %broadcast_in_dim3A_279 : vector<16x1xi32> to vector<16xi32>
        %gather3A_281 = tpu.dynamic_gather %add3A_136[%gather3A_280] in [0] : vector<16xf32>, vector<16xi32> -> vector<16xf32>
        %mul3A_282 = arith.constant 16 : i32
        %mul3A_283 = arith.muli %add3A_26, %mul3A_282 : i32
        %add3A_284 = arith.constant 13 : i32
        %add3A_285 = arith.addi %mul3A_283, %add3A_284 : i32
        %swap3A_286 = arith.index_cast %add3A_285 : i32 to index
        %swap3A_287 = arith.constant 0 : index
        %swap3A_288 = tpu.vector_load %arg7[%swap3A_286, %swap3A_287] {strides = array<i32>} : memref<640x16xf32, #tpu.memory_space<vmem>>, vector<16xf32>,
        tpu.vector_store %arg7[%swap3A_286, %swap3A_287], %gather3A_281 {strides = array<i32>} : memref<640x16xf32, #tpu.memory_space<vmem>>, vector<16xf32>,
        %broadcast_in_dim3A_289 = arith.constant 14 : i32
        %broadcast_in_dim3A_290 = vector.broadcast %broadcast_in_dim3A_289 : i32 to vector<16x1xi32>
        %gather3A_291 = vector.shape_cast %broadcast_in_dim3A_290 : vector<16x1xi32> to vector<16xi32>
        %gather3A_292 = tpu.dynamic_gather %add3A_136[%gather3A_291] in [0] : vector<16xf32>, vector<16xi32> -> vector<16xf32>
        %mul3A_293 = arith.constant 16 : i32
        %mul3A_294 = arith.muli %add3A_26, %mul3A_293 : i32
        %add3A_295 = arith.constant 14 : i32
        %add3A_296 = arith.addi %mul3A_294, %add3A_295 : i32
        %swap3A_297 = arith.index_cast %add3A_296 : i32 to index
        %swap3A_298 = arith.constant 0 : index
        %swap3A_299 = tpu.vector_load %arg7[%swap3A_297, %swap3A_298] {strides = array<i32>} : memref<640x16xf32, #tpu.memory_space<vmem>>, vector<16xf32>,
        tpu.vector_store %arg7[%swap3A_297, %swap3A_298], %gather3A_292 {strides = array<i32>} : memref<640x16xf32, #tpu.memory_space<vmem>>, vector<16xf32>,
        %broadcast_in_dim3A_300 = arith.constant 15 : i32
        %broadcast_in_dim3A_301 = vector.broadcast %broadcast_in_dim3A_300 : i32 to vector<16x1xi32>
        %gather3A_302 = vector.shape_cast %broadcast_in_dim3A_301 : vector<16x1xi32> to vector<16xi32>
        %gather3A_303 = tpu.dynamic_gather %add3A_136[%gather3A_302] in [0] : vector<16xf32>, vector<16xi32> -> vector<16xf32>
        %mul3A_304 = arith.constant 16 : i32
        %mul3A_305 = arith.muli %add3A_26, %mul3A_304 : i32
        %add3A_306 = arith.constant 15 : i32
        %add3A_307 = arith.addi %mul3A_305, %add3A_306 : i32
        %swap3A_308 = arith.index_cast %add3A_307 : i32 to index
        %swap3A_309 = arith.constant 0 : index
        %swap3A_310 = tpu.vector_load %arg7[%swap3A_308, %swap3A_309] {strides = array<i32>} : memref<640x16xf32, #tpu.memory_space<vmem>>, vector<16xf32>,
        tpu.vector_store %arg7[%swap3A_308, %swap3A_309], %gather3A_303 {strides = array<i32>} : memref<640x16xf32, #tpu.memory_space<vmem>>, vector<16xf32>,
      }
      %scan3A_21 = arith.constant 32 : i32
      "tpu.region"() ({
        %run_scoped3A = tpu.sem_alloc : memref<!tpu.dma_semaphore, #tpu.memory_space<semaphore_mem>>
        %dma_start3A = arith.constant 0 : i32
        %dma_start3A_22 = arith.constant 0 : i32
        %dma_start3A_23 = tpu.memref_slice %arg7[%dma_start3A, %dma_start3A_22] : memref<640x16xf32, #tpu.memory_space<vmem>> -> memref<512x16xf32, #tpu.memory_space<vmem>>
        %dma_start3A_24 = arith.constant 9600 : i32
        %dma_start3A_25 = arith.constant 0 : i32
        %dma_start3A_26 = tpu.memref_slice %arg3[%arg0, %dma_start3A_24, %dma_start3A_25] : memref<2x10112x16xf32, #tpu.memory_space<hbm>> -> memref<1x512x16xf32, #tpu.memory_space<hbm>>
        %dma_start3A_27 = tpu.memref_squeeze %dma_start3A_26 : memref<1x512x16xf32, #tpu.memory_space<hbm>> -> memref<512x16xf32, #tpu.memory_space<hbm>>
        %dma_start3A_28 = arith.constant 9600 : i32
        %dma_start3A_29 = arith.constant 0 : i32
        %dma_start3A_30 = tpu.memref_slice %arg3[%arg0, %dma_start3A_28, %dma_start3A_29] : memref<2x10112x16xf32, #tpu.memory_space<hbm>> -> memref<1x512x16xf32, #tpu.memory_space<hbm>>
        %dma_start3A_31 = tpu.memref_squeeze %dma_start3A_30 : memref<1x512x16xf32, #tpu.memory_space<hbm>> -> memref<512x16xf32, #tpu.memory_space<hbm>>
        %dma_start3A_32 = arith.constant 0 : i32
        %dma_start3A_33 = arith.constant 0 : i32
        %dma_start3A_34 = tpu.memref_slice %arg7[%dma_start3A_32, %dma_start3A_33] : memref<640x16xf32, #tpu.memory_space<vmem>> -> memref<512x16xf32, #tpu.memory_space<vmem>>
        tpu.enqueue_dma source(%dma_start3A_34 : memref<512x16xf32, #tpu.memory_space<vmem>>) target(%dma_start3A_31 : memref<512x16xf32, #tpu.memory_space<hbm>>) target_semaphore(%run_scoped3A : memref<!tpu.dma_semaphore, #tpu.memory_space<semaphore_mem>>)
        %dma_wait3A = arith.constant 0 : i32
        %dma_wait3A_35 = arith.constant 0 : i32
        %dma_wait3A_36 = tpu.memref_slice %arg7[%dma_wait3A, %dma_wait3A_35] : memref<640x16xf32, #tpu.memory_space<vmem>> -> memref<512x16xf32, #tpu.memory_space<vmem>>
        %dma_wait3A_37 = arith.constant 9600 : i32
        %dma_wait3A_38 = arith.constant 0 : i32
        %dma_wait3A_39 = tpu.memref_slice %arg3[%arg0, %dma_wait3A_37, %dma_wait3A_38] : memref<2x10112x16xf32, #tpu.memory_space<hbm>> -> memref<1x512x16xf32, #tpu.memory_space<hbm>>
        %dma_wait3A_40 = tpu.memref_squeeze %dma_wait3A_39 : memref<1x512x16xf32, #tpu.memory_space<hbm>> -> memref<512x16xf32, #tpu.memory_space<hbm>>
        %dma_wait3A_41 = arith.constant 9600 : i32
        %dma_wait3A_42 = arith.constant 0 : i32
        %dma_wait3A_43 = tpu.memref_slice %arg3[%arg0, %dma_wait3A_41, %dma_wait3A_42] : memref<2x10112x16xf32, #tpu.memory_space<hbm>> -> memref<1x512x16xf32, #tpu.memory_space<hbm>>
        %dma_wait3A_44 = tpu.memref_squeeze %dma_wait3A_43 : memref<1x512x16xf32, #tpu.memory_space<hbm>> -> memref<512x16xf32, #tpu.memory_space<hbm>>
        %dma_wait3A_45 = arith.constant 0 : i32
        %dma_wait3A_46 = arith.constant 0 : i32
        %dma_wait3A_47 = tpu.memref_slice %arg7[%dma_wait3A_45, %dma_wait3A_46] : memref<640x16xf32, #tpu.memory_space<vmem>> -> memref<512x16xf32, #tpu.memory_space<vmem>>
        tpu.wait_dma2 semaphore(%run_scoped3A : memref<!tpu.dma_semaphore, #tpu.memory_space<semaphore_mem>>) src(%dma_wait3A_47 : memref<512x16xf32, #tpu.memory_space<vmem>>) dst(%dma_wait3A_44 : memref<512x16xf32, #tpu.memory_space<hbm>>)
        tpu.yield
      }) : () -> ()
    } else {
    }
    return
  }
}

#map = affine_map<(d0, d1) -> (0, 0)>
#map1 = affine_map<(d0, d1) -> (0, 0, 0)>
module attributes {stable_mosaic.version = 14 : i64} {
  func.func @_sc_agg_body(%arg0: i32, %arg1: i32, %arg2: memref<10000x128xf32, #tpu.memory_space<hbm>>, %arg3: memref<32x80x128xi32, #tpu.memory_space<hbm>>, %arg4: memref<32x80x128xi32, #tpu.memory_space<hbm>>, %arg5: memref<632x128xf32, #tpu.memory_space<hbm>>, %arg6: memref<2x10112x128xf32, #tpu.memory_space<hbm>>, %arg7: memref<40x128xi32, #tpu.memory_space<vmem>>, %arg8: memref<40x128xi32, #tpu.memory_space<vmem>>, %arg9: memref<128x128xf32, #tpu.memory_space<vmem>>, %arg10: memref<128x128xf32, #tpu.memory_space<vmem>>, %arg11: memref<!tpu.dma_semaphore, #tpu.memory_space<semaphore_mem>>, %arg12: memref<!tpu.dma_semaphore, #tpu.memory_space<semaphore_mem>>, %arg13: memref<!tpu.dma_semaphore, #tpu.memory_space<semaphore_mem>>, %arg14: memref<!tpu.dma_semaphore, #tpu.memory_space<semaphore_mem>>, %arg15: memref<!tpu.dma_semaphore, #tpu.memory_space<semaphore_mem>>, %arg16: memref<10112x128xf32, #tpu.memory_space<vmem_shared>>) attributes {dimension_semantics = [#tpu.dimension_semantics<core_parallel>, #tpu.dimension_semantics<subcore_parallel>], iteration_bounds = array<i64: 2, 16>, scalar_prefetch = 0 : i64, scratch_operands = 10 : i64, tpu.core_type = #tpu.core_type<sc_vector_subcore>, window_params = [{transform_indices = #map}, {transform_indices = #map1}, {transform_indices = #map1}, {transform_indices = #map}, {transform_indices = #map1}]} {
    %mul3A = arith.constant 16 : i32
    %mul3A_0 = arith.muli %arg0, %mul3A : i32
    %add3A = arith.addi %mul3A_0, %arg1 : i32
    %mul3A_1 = arith.constant 632 : i32
    %mul3A_2 = arith.muli %arg1, %mul3A_1 : i32
    "tpu.region"() ({
      %run_scoped3A = tpu.sem_alloc : memref<!tpu.dma_semaphore, #tpu.memory_space<semaphore_mem>>
      %dma_start3A_135 = arith.constant 0 : i32
      %dma_start3A_136 = tpu.memref_slice %arg16[%mul3A_2, %dma_start3A_135] : memref<10112x128xf32, #tpu.memory_space<vmem_shared>> -> memref<632x128xf32, #tpu.memory_space<vmem_shared>>
      tpu.enqueue_dma source(%arg5 : memref<632x128xf32, #tpu.memory_space<hbm>>) target(%dma_start3A_136 : memref<632x128xf32, #tpu.memory_space<vmem_shared>>) target_semaphore(%run_scoped3A : memref<!tpu.dma_semaphore, #tpu.memory_space<semaphore_mem>>)
      %dma_wait3A_137 = arith.constant 0 : i32
      %dma_wait3A_138 = tpu.memref_slice %arg16[%mul3A_2, %dma_wait3A_137] : memref<10112x128xf32, #tpu.memory_space<vmem_shared>> -> memref<632x128xf32, #tpu.memory_space<vmem_shared>>
      tpu.wait_dma2 semaphore(%run_scoped3A : memref<!tpu.dma_semaphore, #tpu.memory_space<semaphore_mem>>) src(%arg5 : memref<632x128xf32, #tpu.memory_space<hbm>>) dst(%dma_wait3A_138 : memref<632x128xf32, #tpu.memory_space<vmem_shared>>)
      tpu.yield
    }) : () -> ()
    %barrier3A = arith.constant 0 : index
    tpu.barrier barrier_id(%barrier3A)
    "tpu.region"() ({
      %run_scoped3A = tpu.sem_alloc : memref<!tpu.dma_semaphore, #tpu.memory_space<semaphore_mem>>
      %dma_start3A_135 = arith.constant 0 : i32
      %dma_start3A_136 = arith.constant 0 : i32
      %dma_start3A_137 = tpu.memref_slice %arg3[%add3A, %dma_start3A_135, %dma_start3A_136] : memref<32x80x128xi32, #tpu.memory_space<hbm>> -> memref<1x40x128xi32, #tpu.memory_space<hbm>>
      %dma_start3A_138 = tpu.memref_squeeze %dma_start3A_137 : memref<1x40x128xi32, #tpu.memory_space<hbm>> -> memref<40x128xi32, #tpu.memory_space<hbm>>
      %dma_start3A_139 = arith.constant 0 : i32
      %dma_start3A_140 = arith.constant 0 : i32
      %dma_start3A_141 = tpu.memref_slice %arg3[%add3A, %dma_start3A_139, %dma_start3A_140] : memref<32x80x128xi32, #tpu.memory_space<hbm>> -> memref<1x40x128xi32, #tpu.memory_space<hbm>>
      %dma_start3A_142 = tpu.memref_squeeze %dma_start3A_141 : memref<1x40x128xi32, #tpu.memory_space<hbm>> -> memref<40x128xi32, #tpu.memory_space<hbm>>
      tpu.enqueue_dma source(%dma_start3A_142 : memref<40x128xi32, #tpu.memory_space<hbm>>) target(%arg7 : memref<40x128xi32, #tpu.memory_space<vmem>>) target_semaphore(%run_scoped3A : memref<!tpu.dma_semaphore, #tpu.memory_space<semaphore_mem>>)
      %dma_wait3A_143 = arith.constant 0 : i32
      %dma_wait3A_144 = arith.constant 0 : i32
      %dma_wait3A_145 = tpu.memref_slice %arg3[%add3A, %dma_wait3A_143, %dma_wait3A_144] : memref<32x80x128xi32, #tpu.memory_space<hbm>> -> memref<1x40x128xi32, #tpu.memory_space<hbm>>
      %dma_wait3A_146 = tpu.memref_squeeze %dma_wait3A_145 : memref<1x40x128xi32, #tpu.memory_space<hbm>> -> memref<40x128xi32, #tpu.memory_space<hbm>>
      %dma_wait3A_147 = arith.constant 0 : i32
      %dma_wait3A_148 = arith.constant 0 : i32
      %dma_wait3A_149 = tpu.memref_slice %arg3[%add3A, %dma_wait3A_147, %dma_wait3A_148] : memref<32x80x128xi32, #tpu.memory_space<hbm>> -> memref<1x40x128xi32, #tpu.memory_space<hbm>>
      %dma_wait3A_150 = tpu.memref_squeeze %dma_wait3A_149 : memref<1x40x128xi32, #tpu.memory_space<hbm>> -> memref<40x128xi32, #tpu.memory_space<hbm>>
      tpu.wait_dma2 semaphore(%run_scoped3A : memref<!tpu.dma_semaphore, #tpu.memory_space<semaphore_mem>>) src(%dma_wait3A_150 : memref<40x128xi32, #tpu.memory_space<hbm>>) dst(%arg7 : memref<40x128xi32, #tpu.memory_space<vmem>>)
      tpu.yield
    }) : () -> ()
    "tpu.region"() ({
      %run_scoped3A = tpu.sem_alloc : memref<!tpu.dma_semaphore, #tpu.memory_space<semaphore_mem>>
      %dma_start3A_135 = arith.constant 0 : i32
      %dma_start3A_136 = arith.constant 0 : i32
      %dma_start3A_137 = tpu.memref_slice %arg4[%add3A, %dma_start3A_135, %dma_start3A_136] : memref<32x80x128xi32, #tpu.memory_space<hbm>> -> memref<1x40x128xi32, #tpu.memory_space<hbm>>
      %dma_start3A_138 = tpu.memref_squeeze %dma_start3A_137 : memref<1x40x128xi32, #tpu.memory_space<hbm>> -> memref<40x128xi32, #tpu.memory_space<hbm>>
      %dma_start3A_139 = arith.constant 0 : i32
      %dma_start3A_140 = arith.constant 0 : i32
      %dma_start3A_141 = tpu.memref_slice %arg4[%add3A, %dma_start3A_139, %dma_start3A_140] : memref<32x80x128xi32, #tpu.memory_space<hbm>> -> memref<1x40x128xi32, #tpu.memory_space<hbm>>
      %dma_start3A_142 = tpu.memref_squeeze %dma_start3A_141 : memref<1x40x128xi32, #tpu.memory_space<hbm>> -> memref<40x128xi32, #tpu.memory_space<hbm>>
      tpu.enqueue_dma source(%dma_start3A_142 : memref<40x128xi32, #tpu.memory_space<hbm>>) target(%arg8 : memref<40x128xi32, #tpu.memory_space<vmem>>) target_semaphore(%run_scoped3A : memref<!tpu.dma_semaphore, #tpu.memory_space<semaphore_mem>>)
      %dma_wait3A_143 = arith.constant 0 : i32
      %dma_wait3A_144 = arith.constant 0 : i32
      %dma_wait3A_145 = tpu.memref_slice %arg4[%add3A, %dma_wait3A_143, %dma_wait3A_144] : memref<32x80x128xi32, #tpu.memory_space<hbm>> -> memref<1x40x128xi32, #tpu.memory_space<hbm>>
      %dma_wait3A_146 = tpu.memref_squeeze %dma_wait3A_145 : memref<1x40x128xi32, #tpu.memory_space<hbm>> -> memref<40x128xi32, #tpu.memory_space<hbm>>
      %dma_wait3A_147 = arith.constant 0 : i32
      %dma_wait3A_148 = arith.constant 0 : i32
      %dma_wait3A_149 = tpu.memref_slice %arg4[%add3A, %dma_wait3A_147, %dma_wait3A_148] : memref<32x80x128xi32, #tpu.memory_space<hbm>> -> memref<1x40x128xi32, #tpu.memory_space<hbm>>
      %dma_wait3A_150 = tpu.memref_squeeze %dma_wait3A_149 : memref<1x40x128xi32, #tpu.memory_space<hbm>> -> memref<40x128xi32, #tpu.memory_space<hbm>>
      tpu.wait_dma2 semaphore(%run_scoped3A : memref<!tpu.dma_semaphore, #tpu.memory_space<semaphore_mem>>) src(%dma_wait3A_150 : memref<40x128xi32, #tpu.memory_space<hbm>>) dst(%arg8 : memref<40x128xi32, #tpu.memory_space<vmem>>)
      tpu.yield
    }) : () -> ()
    %dma_start3A = arith.constant 0 : i32
    %dma_start3A_3 = arith.constant 0 : i32
    %dma_start3A_4 = tpu.memref_slice %arg7[%dma_start3A, %dma_start3A_3] : memref<40x128xi32, #tpu.memory_space<vmem>> -> memref<1x128xi32, #tpu.memory_space<vmem>>
    %dma_start3A_5 = tpu.memref_squeeze %dma_start3A_4 : memref<1x128xi32, #tpu.memory_space<vmem>> -> memref<128xi32, #tpu.memory_space<vmem>>
    %dma_start3A_6 = arith.constant 0 : i32
    %dma_start3A_7 = arith.constant 0 : i32
    %dma_start3A_8 = tpu.memref_slice %arg2[%dma_start3A_6, %dma_start3A_7] : memref<10000x128xf32, #tpu.memory_space<hbm>> -> memref<10000x128xf32, #tpu.memory_space<hbm>>
    tpu.enqueue_indirect_dma source(%dma_start3A_8 : memref<10000x128xf32, #tpu.memory_space<hbm>>) target(%arg9 : memref<128x128xf32, #tpu.memory_space<vmem>>) offsets(%dma_start3A_5 : memref<128xi32, #tpu.memory_space<vmem>>) semaphore(%arg11 : memref<!tpu.dma_semaphore, #tpu.memory_space<semaphore_mem>>)
    %dma_start3A_9 = arith.constant 1 : i32
    %dma_start3A_10 = arith.constant 0 : i32
    %dma_start3A_11 = tpu.memref_slice %arg7[%dma_start3A_9, %dma_start3A_10] : memref<40x128xi32, #tpu.memory_space<vmem>> -> memref<1x128xi32, #tpu.memory_space<vmem>>
    %dma_start3A_12 = tpu.memref_squeeze %dma_start3A_11 : memref<1x128xi32, #tpu.memory_space<vmem>> -> memref<128xi32, #tpu.memory_space<vmem>>
    %dma_start3A_13 = arith.constant 0 : i32
    %dma_start3A_14 = arith.constant 0 : i32
    %dma_start3A_15 = tpu.memref_slice %arg2[%dma_start3A_13, %dma_start3A_14] : memref<10000x128xf32, #tpu.memory_space<hbm>> -> memref<10000x128xf32, #tpu.memory_space<hbm>>
    tpu.enqueue_indirect_dma source(%dma_start3A_15 : memref<10000x128xf32, #tpu.memory_space<hbm>>) target(%arg10 : memref<128x128xf32, #tpu.memory_space<vmem>>) offsets(%dma_start3A_12 : memref<128xi32, #tpu.memory_space<vmem>>) semaphore(%arg12 : memref<!tpu.dma_semaphore, #tpu.memory_space<semaphore_mem>>)
    %scan3A = arith.constant 0 : i32
    %scan3A_16 = arith.constant 19 : i32
    %scan3A_17 = arith.addi %scan3A, %scan3A_16 : i32
    %scan3A_18 = arith.constant 1 : i32
    scf.for %scan3A_135 = %scan3A to %scan3A_17 step %scan3A_18  : i32 {
      %mul3A_136 = arith.constant 1 : i32
      %mul3A_137 = arith.muli %scan3A_135, %mul3A_136 : i32
      %add3A_138 = arith.constant 0 : i32
      %add3A_139 = arith.addi %add3A_138, %mul3A_137 : i32
      %mul3A_140 = arith.constant 2 : i32
      %mul3A_141 = arith.muli %add3A_139, %mul3A_140 : i32
      %add3A_142 = arith.constant 0 : i32
      %add3A_143 = arith.addi %mul3A_141, %add3A_142 : i32
      %dma_wait3A_144 = arith.constant 0 : i32
      %dma_wait3A_145 = tpu.memref_slice %arg7[%add3A_143, %dma_wait3A_144] : memref<40x128xi32, #tpu.memory_space<vmem>> -> memref<1x128xi32, #tpu.memory_space<vmem>>
      %dma_wait3A_146 = tpu.memref_squeeze %dma_wait3A_145 : memref<1x128xi32, #tpu.memory_space<vmem>> -> memref<128xi32, #tpu.memory_space<vmem>>
      %dma_wait3A_147 = arith.constant 0 : i32
      %dma_wait3A_148 = arith.constant 0 : i32
      %dma_wait3A_149 = tpu.memref_slice %arg2[%dma_wait3A_147, %dma_wait3A_148] : memref<10000x128xf32, #tpu.memory_space<hbm>> -> memref<10000x128xf32, #tpu.memory_space<hbm>>
      tpu.wait_indirect_dma semaphore(%arg11 : memref<!tpu.dma_semaphore, #tpu.memory_space<semaphore_mem>>) src(%dma_wait3A_149 : memref<10000x128xf32, #tpu.memory_space<hbm>>) dst(%arg9 : memref<128x128xf32, #tpu.memory_space<vmem>>)
      %dma_start3A_150 = arith.constant 0 : i32
      %dma_start3A_151 = tpu.memref_slice %arg8[%add3A_143, %dma_start3A_150] : memref<40x128xi32, #tpu.memory_space<vmem>> -> memref<1x128xi32, #tpu.memory_space<vmem>>
      %dma_start3A_152 = tpu.memref_squeeze %dma_start3A_151 : memref<1x128xi32, #tpu.memory_space<vmem>> -> memref<128xi32, #tpu.memory_space<vmem>>
      %dma_start3A_153 = arith.constant 0 : i32
      %dma_start3A_154 = arith.constant 0 : i32
      %dma_start3A_155 = tpu.memref_slice %arg16[%dma_start3A_153, %dma_start3A_154] : memref<10112x128xf32, #tpu.memory_space<vmem_shared>> -> memref<10112x128xf32, #tpu.memory_space<vmem_shared>>
      tpu.enqueue_indirect_dma source(%arg9 : memref<128x128xf32, #tpu.memory_space<vmem>>) target(%dma_start3A_155 : memref<10112x128xf32, #tpu.memory_space<vmem_shared>>) offsets(%dma_start3A_152 : memref<128xi32, #tpu.memory_space<vmem>>) semaphore(%arg13 : memref<!tpu.dma_semaphore, #tpu.memory_space<semaphore_mem>>) {add = true}
      %mul3A_156 = arith.constant 2 : i32
      %mul3A_157 = arith.muli %add3A_139, %mul3A_156 : i32
      %add3A_158 = arith.constant 1 : i32
      %add3A_159 = arith.addi %mul3A_157, %add3A_158 : i32
      %dma_wait3A_160 = arith.constant 0 : i32
      %dma_wait3A_161 = tpu.memref_slice %arg7[%add3A_159, %dma_wait3A_160] : memref<40x128xi32, #tpu.memory_space<vmem>> -> memref<1x128xi32, #tpu.memory_space<vmem>>
      %dma_wait3A_162 = tpu.memref_squeeze %dma_wait3A_161 : memref<1x128xi32, #tpu.memory_space<vmem>> -> memref<128xi32, #tpu.memory_space<vmem>>
      %dma_wait3A_163 = arith.constant 0 : i32
      %dma_wait3A_164 = arith.constant 0 : i32
      %dma_wait3A_165 = tpu.memref_slice %arg2[%dma_wait3A_163, %dma_wait3A_164] : memref<10000x128xf32, #tpu.memory_space<hbm>> -> memref<10000x128xf32, #tpu.memory_space<hbm>>
      tpu.wait_indirect_dma semaphore(%arg12 : memref<!tpu.dma_semaphore, #tpu.memory_space<semaphore_mem>>) src(%dma_wait3A_165 : memref<10000x128xf32, #tpu.memory_space<hbm>>) dst(%arg10 : memref<128x128xf32, #tpu.memory_space<vmem>>)
      %dma_start3A_166 = arith.constant 0 : i32
      %dma_start3A_167 = tpu.memref_slice %arg8[%add3A_159, %dma_start3A_166] : memref<40x128xi32, #tpu.memory_space<vmem>> -> memref<1x128xi32, #tpu.memory_space<vmem>>
      %dma_start3A_168 = tpu.memref_squeeze %dma_start3A_167 : memref<1x128xi32, #tpu.memory_space<vmem>> -> memref<128xi32, #tpu.memory_space<vmem>>
      %dma_start3A_169 = arith.constant 0 : i32
      %dma_start3A_170 = arith.constant 0 : i32
      %dma_start3A_171 = tpu.memref_slice %arg16[%dma_start3A_169, %dma_start3A_170] : memref<10112x128xf32, #tpu.memory_space<vmem_shared>> -> memref<10112x128xf32, #tpu.memory_space<vmem_shared>>
      tpu.enqueue_indirect_dma source(%arg10 : memref<128x128xf32, #tpu.memory_space<vmem>>) target(%dma_start3A_171 : memref<10112x128xf32, #tpu.memory_space<vmem_shared>>) offsets(%dma_start3A_168 : memref<128xi32, #tpu.memory_space<vmem>>) semaphore(%arg14 : memref<!tpu.dma_semaphore, #tpu.memory_space<semaphore_mem>>) {add = true}
      %mul3A_172 = arith.constant 2 : i32
      %mul3A_173 = arith.muli %add3A_139, %mul3A_172 : i32
      %add3A_174 = arith.constant 0 : i32
      %add3A_175 = arith.addi %mul3A_173, %add3A_174 : i32
      %dma_wait3A_176 = arith.constant 0 : i32
      %dma_wait3A_177 = tpu.memref_slice %arg8[%add3A_175, %dma_wait3A_176] : memref<40x128xi32, #tpu.memory_space<vmem>> -> memref<1x128xi32, #tpu.memory_space<vmem>>
      %dma_wait3A_178 = tpu.memref_squeeze %dma_wait3A_177 : memref<1x128xi32, #tpu.memory_space<vmem>> -> memref<128xi32, #tpu.memory_space<vmem>>
      %dma_wait3A_179 = arith.constant 0 : i32
      %dma_wait3A_180 = arith.constant 0 : i32
      %dma_wait3A_181 = tpu.memref_slice %arg16[%dma_wait3A_179, %dma_wait3A_180] : memref<10112x128xf32, #tpu.memory_space<vmem_shared>> -> memref<10112x128xf32, #tpu.memory_space<vmem_shared>>
      tpu.wait_indirect_dma semaphore(%arg13 : memref<!tpu.dma_semaphore, #tpu.memory_space<semaphore_mem>>) src(%arg9 : memref<128x128xf32, #tpu.memory_space<vmem>>) dst(%dma_wait3A_181 : memref<10112x128xf32, #tpu.memory_space<vmem_shared>>)
      %add3A_182 = arith.constant 2 : i32
      %add3A_183 = arith.addi %add3A_175, %add3A_182 : i32
      %dma_start3A_184 = arith.constant 0 : i32
      %dma_start3A_185 = tpu.memref_slice %arg7[%add3A_183, %dma_start3A_184] : memref<40x128xi32, #tpu.memory_space<vmem>> -> memref<1x128xi32, #tpu.memory_space<vmem>>
      %dma_start3A_186 = tpu.memref_squeeze %dma_start3A_185 : memref<1x128xi32, #tpu.memory_space<vmem>> -> memref<128xi32, #tpu.memory_space<vmem>>
      %dma_start3A_187 = arith.constant 0 : i32
      %dma_start3A_188 = arith.constant 0 : i32
      %dma_start3A_189 = tpu.memref_slice %arg2[%dma_start3A_187, %dma_start3A_188] : memref<10000x128xf32, #tpu.memory_space<hbm>> -> memref<10000x128xf32, #tpu.memory_space<hbm>>
      tpu.enqueue_indirect_dma source(%dma_start3A_189 : memref<10000x128xf32, #tpu.memory_space<hbm>>) target(%arg9 : memref<128x128xf32, #tpu.memory_space<vmem>>) offsets(%dma_start3A_186 : memref<128xi32, #tpu.memory_space<vmem>>) semaphore(%arg11 : memref<!tpu.dma_semaphore, #tpu.memory_space<semaphore_mem>>)
      %mul3A_190 = arith.constant 2 : i32
      %mul3A_191 = arith.muli %add3A_139, %mul3A_190 : i32
      %add3A_192 = arith.constant 1 : i32
      %add3A_193 = arith.addi %mul3A_191, %add3A_192 : i32
      %dma_wait3A_194 = arith.constant 0 : i32
      %dma_wait3A_195 = tpu.memref_slice %arg8[%add3A_193, %dma_wait3A_194] : memref<40x128xi32, #tpu.memory_space<vmem>> -> memref<1x128xi32, #tpu.memory_space<vmem>>
      %dma_wait3A_196 = tpu.memref_squeeze %dma_wait3A_195 : memref<1x128xi32, #tpu.memory_space<vmem>> -> memref<128xi32, #tpu.memory_space<vmem>>
      %dma_wait3A_197 = arith.constant 0 : i32
      %dma_wait3A_198 = arith.constant 0 : i32
      %dma_wait3A_199 = tpu.memref_slice %arg16[%dma_wait3A_197, %dma_wait3A_198] : memref<10112x128xf32, #tpu.memory_space<vmem_shared>> -> memref<10112x128xf32, #tpu.memory_space<vmem_shared>>
      tpu.wait_indirect_dma semaphore(%arg14 : memref<!tpu.dma_semaphore, #tpu.memory_space<semaphore_mem>>) src(%arg10 : memref<128x128xf32, #tpu.memory_space<vmem>>) dst(%dma_wait3A_199 : memref<10112x128xf32, #tpu.memory_space<vmem_shared>>)
      %add3A_200 = arith.constant 2 : i32
      %add3A_201 = arith.addi %add3A_193, %add3A_200 : i32
      %dma_start3A_202 = arith.constant 0 : i32
      %dma_start3A_203 = tpu.memref_slice %arg7[%add3A_201, %dma_start3A_202] : memref<40x128xi32, #tpu.memory_space<vmem>> -> memref<1x128xi32, #tpu.memory_space<vmem>>
      %dma_start3A_204 = tpu.memref_squeeze %dma_start3A_203 : memref<1x128xi32, #tpu.memory_space<vmem>> -> memref<128xi32, #tpu.memory_space<vmem>>
      %dma_start3A_205 = arith.constant 0 : i32
      %dma_start3A_206 = arith.constant 0 : i32
      %dma_start3A_207 = tpu.memref_slice %arg2[%dma_start3A_205, %dma_start3A_206] : memref<10000x128xf32, #tpu.memory_space<hbm>> -> memref<10000x128xf32, #tpu.memory_space<hbm>>
      tpu.enqueue_indirect_dma source(%dma_start3A_207 : memref<10000x128xf32, #tpu.memory_space<hbm>>) target(%arg10 : memref<128x128xf32, #tpu.memory_space<vmem>>) offsets(%dma_start3A_204 : memref<128xi32, #tpu.memory_space<vmem>>) semaphore(%arg12 : memref<!tpu.dma_semaphore, #tpu.memory_space<semaphore_mem>>)
    }
    %scan3A_19 = arith.constant 19 : i32
    %dma_wait3A = arith.constant 38 : i32
    %dma_wait3A_20 = arith.constant 0 : i32
    %dma_wait3A_21 = tpu.memref_slice %arg7[%dma_wait3A, %dma_wait3A_20] : memref<40x128xi32, #tpu.memory_space<vmem>> -> memref<1x128xi32, #tpu.memory_space<vmem>>
    %dma_wait3A_22 = tpu.memref_squeeze %dma_wait3A_21 : memref<1x128xi32, #tpu.memory_space<vmem>> -> memref<128xi32, #tpu.memory_space<vmem>>
    %dma_wait3A_23 = arith.constant 0 : i32
    %dma_wait3A_24 = arith.constant 0 : i32
    %dma_wait3A_25 = tpu.memref_slice %arg2[%dma_wait3A_23, %dma_wait3A_24] : memref<10000x128xf32, #tpu.memory_space<hbm>> -> memref<10000x128xf32, #tpu.memory_space<hbm>>
    tpu.wait_indirect_dma semaphore(%arg11 : memref<!tpu.dma_semaphore, #tpu.memory_space<semaphore_mem>>) src(%dma_wait3A_25 : memref<10000x128xf32, #tpu.memory_space<hbm>>) dst(%arg9 : memref<128x128xf32, #tpu.memory_space<vmem>>)
    %dma_start3A_26 = arith.constant 38 : i32
    %dma_start3A_27 = arith.constant 0 : i32
    %dma_start3A_28 = tpu.memref_slice %arg8[%dma_start3A_26, %dma_start3A_27] : memref<40x128xi32, #tpu.memory_space<vmem>> -> memref<1x128xi32, #tpu.memory_space<vmem>>
    %dma_start3A_29 = tpu.memref_squeeze %dma_start3A_28 : memref<1x128xi32, #tpu.memory_space<vmem>> -> memref<128xi32, #tpu.memory_space<vmem>>
    %dma_start3A_30 = arith.constant 0 : i32
    %dma_start3A_31 = arith.constant 0 : i32
    %dma_start3A_32 = tpu.memref_slice %arg16[%dma_start3A_30, %dma_start3A_31] : memref<10112x128xf32, #tpu.memory_space<vmem_shared>> -> memref<10112x128xf32, #tpu.memory_space<vmem_shared>>
    tpu.enqueue_indirect_dma source(%arg9 : memref<128x128xf32, #tpu.memory_space<vmem>>) target(%dma_start3A_32 : memref<10112x128xf32, #tpu.memory_space<vmem_shared>>) offsets(%dma_start3A_29 : memref<128xi32, #tpu.memory_space<vmem>>) semaphore(%arg13 : memref<!tpu.dma_semaphore, #tpu.memory_space<semaphore_mem>>) {add = true}
    %dma_wait3A_33 = arith.constant 39 : i32
    %dma_wait3A_34 = arith.constant 0 : i32
    %dma_wait3A_35 = tpu.memref_slice %arg7[%dma_wait3A_33, %dma_wait3A_34] : memref<40x128xi32, #tpu.memory_space<vmem>> -> memref<1x128xi32, #tpu.memory_space<vmem>>
    %dma_wait3A_36 = tpu.memref_squeeze %dma_wait3A_35 : memref<1x128xi32, #tpu.memory_space<vmem>> -> memref<128xi32, #tpu.memory_space<vmem>>
    %dma_wait3A_37 = arith.constant 0 : i32
    %dma_wait3A_38 = arith.constant 0 : i32
    %dma_wait3A_39 = tpu.memref_slice %arg2[%dma_wait3A_37, %dma_wait3A_38] : memref<10000x128xf32, #tpu.memory_space<hbm>> -> memref<10000x128xf32, #tpu.memory_space<hbm>>
    tpu.wait_indirect_dma semaphore(%arg12 : memref<!tpu.dma_semaphore, #tpu.memory_space<semaphore_mem>>) src(%dma_wait3A_39 : memref<10000x128xf32, #tpu.memory_space<hbm>>) dst(%arg10 : memref<128x128xf32, #tpu.memory_space<vmem>>)
    %dma_start3A_40 = arith.constant 39 : i32
    %dma_start3A_41 = arith.constant 0 : i32
    %dma_start3A_42 = tpu.memref_slice %arg8[%dma_start3A_40, %dma_start3A_41] : memref<40x128xi32, #tpu.memory_space<vmem>> -> memref<1x128xi32, #tpu.memory_space<vmem>>
    %dma_start3A_43 = tpu.memref_squeeze %dma_start3A_42 : memref<1x128xi32, #tpu.memory_space<vmem>> -> memref<128xi32, #tpu.memory_space<vmem>>
    %dma_start3A_44 = arith.constant 0 : i32
    %dma_start3A_45 = arith.constant 0 : i32
    %dma_start3A_46 = tpu.memref_slice %arg16[%dma_start3A_44, %dma_start3A_45] : memref<10112x128xf32, #tpu.memory_space<vmem_shared>> -> memref<10112x128xf32, #tpu.memory_space<vmem_shared>>
    tpu.enqueue_indirect_dma source(%arg10 : memref<128x128xf32, #tpu.memory_space<vmem>>) target(%dma_start3A_46 : memref<10112x128xf32, #tpu.memory_space<vmem_shared>>) offsets(%dma_start3A_43 : memref<128xi32, #tpu.memory_space<vmem>>) semaphore(%arg14 : memref<!tpu.dma_semaphore, #tpu.memory_space<semaphore_mem>>) {add = true}
    %dma_wait3A_47 = arith.constant 38 : i32
    %dma_wait3A_48 = arith.constant 0 : i32
    %dma_wait3A_49 = tpu.memref_slice %arg8[%dma_wait3A_47, %dma_wait3A_48] : memref<40x128xi32, #tpu.memory_space<vmem>> -> memref<1x128xi32, #tpu.memory_space<vmem>>
    %dma_wait3A_50 = tpu.memref_squeeze %dma_wait3A_49 : memref<1x128xi32, #tpu.memory_space<vmem>> -> memref<128xi32, #tpu.memory_space<vmem>>
    %dma_wait3A_51 = arith.constant 0 : i32
    %dma_wait3A_52 = arith.constant 0 : i32
    %dma_wait3A_53 = tpu.memref_slice %arg16[%dma_wait3A_51, %dma_wait3A_52] : memref<10112x128xf32, #tpu.memory_space<vmem_shared>> -> memref<10112x128xf32, #tpu.memory_space<vmem_shared>>
    tpu.wait_indirect_dma semaphore(%arg13 : memref<!tpu.dma_semaphore, #tpu.memory_space<semaphore_mem>>) src(%arg9 : memref<128x128xf32, #tpu.memory_space<vmem>>) dst(%dma_wait3A_53 : memref<10112x128xf32, #tpu.memory_space<vmem_shared>>)
    %dma_wait3A_54 = arith.constant 39 : i32
    %dma_wait3A_55 = arith.constant 0 : i32
    %dma_wait3A_56 = tpu.memref_slice %arg8[%dma_wait3A_54, %dma_wait3A_55] : memref<40x128xi32, #tpu.memory_space<vmem>> -> memref<1x128xi32, #tpu.memory_space<vmem>>
    %dma_wait3A_57 = tpu.memref_squeeze %dma_wait3A_56 : memref<1x128xi32, #tpu.memory_space<vmem>> -> memref<128xi32, #tpu.memory_space<vmem>>
    %dma_wait3A_58 = arith.constant 0 : i32
    %dma_wait3A_59 = arith.constant 0 : i32
    %dma_wait3A_60 = tpu.memref_slice %arg16[%dma_wait3A_58, %dma_wait3A_59] : memref<10112x128xf32, #tpu.memory_space<vmem_shared>> -> memref<10112x128xf32, #tpu.memory_space<vmem_shared>>
    tpu.wait_indirect_dma semaphore(%arg14 : memref<!tpu.dma_semaphore, #tpu.memory_space<semaphore_mem>>) src(%arg10 : memref<128x128xf32, #tpu.memory_space<vmem>>) dst(%dma_wait3A_60 : memref<10112x128xf32, #tpu.memory_space<vmem_shared>>)
    "tpu.region"() ({
      %run_scoped3A = tpu.sem_alloc : memref<!tpu.dma_semaphore, #tpu.memory_space<semaphore_mem>>
      %dma_start3A_135 = arith.constant 40 : i32
      %dma_start3A_136 = arith.constant 0 : i32
      %dma_start3A_137 = tpu.memref_slice %arg3[%add3A, %dma_start3A_135, %dma_start3A_136] : memref<32x80x128xi32, #tpu.memory_space<hbm>> -> memref<1x40x128xi32, #tpu.memory_space<hbm>>
      %dma_start3A_138 = tpu.memref_squeeze %dma_start3A_137 : memref<1x40x128xi32, #tpu.memory_space<hbm>> -> memref<40x128xi32, #tpu.memory_space<hbm>>
      %dma_start3A_139 = arith.constant 40 : i32
      %dma_start3A_140 = arith.constant 0 : i32
      %dma_start3A_141 = tpu.memref_slice %arg3[%add3A, %dma_start3A_139, %dma_start3A_140] : memref<32x80x128xi32, #tpu.memory_space<hbm>> -> memref<1x40x128xi32, #tpu.memory_space<hbm>>
      %dma_start3A_142 = tpu.memref_squeeze %dma_start3A_141 : memref<1x40x128xi32, #tpu.memory_space<hbm>> -> memref<40x128xi32, #tpu.memory_space<hbm>>
      tpu.enqueue_dma source(%dma_start3A_142 : memref<40x128xi32, #tpu.memory_space<hbm>>) target(%arg7 : memref<40x128xi32, #tpu.memory_space<vmem>>) target_semaphore(%run_scoped3A : memref<!tpu.dma_semaphore, #tpu.memory_space<semaphore_mem>>)
      %dma_wait3A_143 = arith.constant 40 : i32
      %dma_wait3A_144 = arith.constant 0 : i32
      %dma_wait3A_145 = tpu.memref_slice %arg3[%add3A, %dma_wait3A_143, %dma_wait3A_144] : memref<32x80x128xi32, #tpu.memory_space<hbm>> -> memref<1x40x128xi32, #tpu.memory_space<hbm>>
      %dma_wait3A_146 = tpu.memref_squeeze %dma_wait3A_145 : memref<1x40x128xi32, #tpu.memory_space<hbm>> -> memref<40x128xi32, #tpu.memory_space<hbm>>
      %dma_wait3A_147 = arith.constant 40 : i32
      %dma_wait3A_148 = arith.constant 0 : i32
      %dma_wait3A_149 = tpu.memref_slice %arg3[%add3A, %dma_wait3A_147, %dma_wait3A_148] : memref<32x80x128xi32, #tpu.memory_space<hbm>> -> memref<1x40x128xi32, #tpu.memory_space<hbm>>
      %dma_wait3A_150 = tpu.memref_squeeze %dma_wait3A_149 : memref<1x40x128xi32, #tpu.memory_space<hbm>> -> memref<40x128xi32, #tpu.memory_space<hbm>>
      tpu.wait_dma2 semaphore(%run_scoped3A : memref<!tpu.dma_semaphore, #tpu.memory_space<semaphore_mem>>) src(%dma_wait3A_150 : memref<40x128xi32, #tpu.memory_space<hbm>>) dst(%arg7 : memref<40x128xi32, #tpu.memory_space<vmem>>)
      tpu.yield
    }) : () -> ()
    "tpu.region"() ({
      %run_scoped3A = tpu.sem_alloc : memref<!tpu.dma_semaphore, #tpu.memory_space<semaphore_mem>>
      %dma_start3A_135 = arith.constant 40 : i32
      %dma_start3A_136 = arith.constant 0 : i32
      %dma_start3A_137 = tpu.memref_slice %arg4[%add3A, %dma_start3A_135, %dma_start3A_136] : memref<32x80x128xi32, #tpu.memory_space<hbm>> -> memref<1x40x128xi32, #tpu.memory_space<hbm>>
      %dma_start3A_138 = tpu.memref_squeeze %dma_start3A_137 : memref<1x40x128xi32, #tpu.memory_space<hbm>> -> memref<40x128xi32, #tpu.memory_space<hbm>>
      %dma_start3A_139 = arith.constant 40 : i32
      %dma_start3A_140 = arith.constant 0 : i32
      %dma_start3A_141 = tpu.memref_slice %arg4[%add3A, %dma_start3A_139, %dma_start3A_140] : memref<32x80x128xi32, #tpu.memory_space<hbm>> -> memref<1x40x128xi32, #tpu.memory_space<hbm>>
      %dma_start3A_142 = tpu.memref_squeeze %dma_start3A_141 : memref<1x40x128xi32, #tpu.memory_space<hbm>> -> memref<40x128xi32, #tpu.memory_space<hbm>>
      tpu.enqueue_dma source(%dma_start3A_142 : memref<40x128xi32, #tpu.memory_space<hbm>>) target(%arg8 : memref<40x128xi32, #tpu.memory_space<vmem>>) target_semaphore(%run_scoped3A : memref<!tpu.dma_semaphore, #tpu.memory_space<semaphore_mem>>)
      %dma_wait3A_143 = arith.constant 40 : i32
      %dma_wait3A_144 = arith.constant 0 : i32
      %dma_wait3A_145 = tpu.memref_slice %arg4[%add3A, %dma_wait3A_143, %dma_wait3A_144] : memref<32x80x128xi32, #tpu.memory_space<hbm>> -> memref<1x40x128xi32, #tpu.memory_space<hbm>>
      %dma_wait3A_146 = tpu.memref_squeeze %dma_wait3A_145 : memref<1x40x128xi32, #tpu.memory_space<hbm>> -> memref<40x128xi32, #tpu.memory_space<hbm>>
      %dma_wait3A_147 = arith.constant 40 : i32
      %dma_wait3A_148 = arith.constant 0 : i32
      %dma_wait3A_149 = tpu.memref_slice %arg4[%add3A, %dma_wait3A_147, %dma_wait3A_148] : memref<32x80x128xi32, #tpu.memory_space<hbm>> -> memref<1x40x128xi32, #tpu.memory_space<hbm>>
      %dma_wait3A_150 = tpu.memref_squeeze %dma_wait3A_149 : memref<1x40x128xi32, #tpu.memory_space<hbm>> -> memref<40x128xi32, #tpu.memory_space<hbm>>
      tpu.wait_dma2 semaphore(%run_scoped3A : memref<!tpu.dma_semaphore, #tpu.memory_space<semaphore_mem>>) src(%dma_wait3A_150 : memref<40x128xi32, #tpu.memory_space<hbm>>) dst(%arg8 : memref<40x128xi32, #tpu.memory_space<vmem>>)
      tpu.yield
    }) : () -> ()
    %dma_start3A_61 = arith.constant 0 : i32
    %dma_start3A_62 = arith.constant 0 : i32
    %dma_start3A_63 = tpu.memref_slice %arg7[%dma_start3A_61, %dma_start3A_62] : memref<40x128xi32, #tpu.memory_space<vmem>> -> memref<1x128xi32, #tpu.memory_space<vmem>>
    %dma_start3A_64 = tpu.memref_squeeze %dma_start3A_63 : memref<1x128xi32, #tpu.memory_space<vmem>> -> memref<128xi32, #tpu.memory_space<vmem>>
    %dma_start3A_65 = arith.constant 0 : i32
    %dma_start3A_66 = arith.constant 0 : i32
    %dma_start3A_67 = tpu.memref_slice %arg2[%dma_start3A_65, %dma_start3A_66] : memref<10000x128xf32, #tpu.memory_space<hbm>> -> memref<10000x128xf32, #tpu.memory_space<hbm>>
    tpu.enqueue_indirect_dma source(%dma_start3A_67 : memref<10000x128xf32, #tpu.memory_space<hbm>>) target(%arg9 : memref<128x128xf32, #tpu.memory_space<vmem>>) offsets(%dma_start3A_64 : memref<128xi32, #tpu.memory_space<vmem>>) semaphore(%arg11 : memref<!tpu.dma_semaphore, #tpu.memory_space<semaphore_mem>>)
    %dma_start3A_68 = arith.constant 1 : i32
    %dma_start3A_69 = arith.constant 0 : i32
    %dma_start3A_70 = tpu.memref_slice %arg7[%dma_start3A_68, %dma_start3A_69] : memref<40x128xi32, #tpu.memory_space<vmem>> -> memref<1x128xi32, #tpu.memory_space<vmem>>
    %dma_start3A_71 = tpu.memref_squeeze %dma_start3A_70 : memref<1x128xi32, #tpu.memory_space<vmem>> -> memref<128xi32, #tpu.memory_space<vmem>>
    %dma_start3A_72 = arith.constant 0 : i32
    %dma_start3A_73 = arith.constant 0 : i32
    %dma_start3A_74 = tpu.memref_slice %arg2[%dma_start3A_72, %dma_start3A_73] : memref<10000x128xf32, #tpu.memory_space<hbm>> -> memref<10000x128xf32, #tpu.memory_space<hbm>>
    tpu.enqueue_indirect_dma source(%dma_start3A_74 : memref<10000x128xf32, #tpu.memory_space<hbm>>) target(%arg10 : memref<128x128xf32, #tpu.memory_space<vmem>>) offsets(%dma_start3A_71 : memref<128xi32, #tpu.memory_space<vmem>>) semaphore(%arg12 : memref<!tpu.dma_semaphore, #tpu.memory_space<semaphore_mem>>)
    %scan3A_75 = arith.constant 0 : i32
    %scan3A_76 = arith.constant 19 : i32
    %scan3A_77 = arith.addi %scan3A_75, %scan3A_76 : i32
    %scan3A_78 = arith.constant 1 : i32
    scf.for %scan3A_135 = %scan3A_75 to %scan3A_77 step %scan3A_78  : i32 {
      %mul3A_136 = arith.constant 1 : i32
      %mul3A_137 = arith.muli %scan3A_135, %mul3A_136 : i32
      %add3A_138 = arith.constant 0 : i32
      %add3A_139 = arith.addi %add3A_138, %mul3A_137 : i32
      %mul3A_140 = arith.constant 2 : i32
      %mul3A_141 = arith.muli %add3A_139, %mul3A_140 : i32
      %add3A_142 = arith.constant 0 : i32
      %add3A_143 = arith.addi %mul3A_141, %add3A_142 : i32
      %dma_wait3A_144 = arith.constant 0 : i32
      %dma_wait3A_145 = tpu.memref_slice %arg7[%add3A_143, %dma_wait3A_144] : memref<40x128xi32, #tpu.memory_space<vmem>> -> memref<1x128xi32, #tpu.memory_space<vmem>>
      %dma_wait3A_146 = tpu.memref_squeeze %dma_wait3A_145 : memref<1x128xi32, #tpu.memory_space<vmem>> -> memref<128xi32, #tpu.memory_space<vmem>>
      %dma_wait3A_147 = arith.constant 0 : i32
      %dma_wait3A_148 = arith.constant 0 : i32
      %dma_wait3A_149 = tpu.memref_slice %arg2[%dma_wait3A_147, %dma_wait3A_148] : memref<10000x128xf32, #tpu.memory_space<hbm>> -> memref<10000x128xf32, #tpu.memory_space<hbm>>
      tpu.wait_indirect_dma semaphore(%arg11 : memref<!tpu.dma_semaphore, #tpu.memory_space<semaphore_mem>>) src(%dma_wait3A_149 : memref<10000x128xf32, #tpu.memory_space<hbm>>) dst(%arg9 : memref<128x128xf32, #tpu.memory_space<vmem>>)
      %dma_start3A_150 = arith.constant 0 : i32
      %dma_start3A_151 = tpu.memref_slice %arg8[%add3A_143, %dma_start3A_150] : memref<40x128xi32, #tpu.memory_space<vmem>> -> memref<1x128xi32, #tpu.memory_space<vmem>>
      %dma_start3A_152 = tpu.memref_squeeze %dma_start3A_151 : memref<1x128xi32, #tpu.memory_space<vmem>> -> memref<128xi32, #tpu.memory_space<vmem>>
      %dma_start3A_153 = arith.constant 0 : i32
      %dma_start3A_154 = arith.constant 0 : i32
      %dma_start3A_155 = tpu.memref_slice %arg16[%dma_start3A_153, %dma_start3A_154] : memref<10112x128xf32, #tpu.memory_space<vmem_shared>> -> memref<10112x128xf32, #tpu.memory_space<vmem_shared>>
      tpu.enqueue_indirect_dma source(%arg9 : memref<128x128xf32, #tpu.memory_space<vmem>>) target(%dma_start3A_155 : memref<10112x128xf32, #tpu.memory_space<vmem_shared>>) offsets(%dma_start3A_152 : memref<128xi32, #tpu.memory_space<vmem>>) semaphore(%arg13 : memref<!tpu.dma_semaphore, #tpu.memory_space<semaphore_mem>>) {add = true}
      %mul3A_156 = arith.constant 2 : i32
      %mul3A_157 = arith.muli %add3A_139, %mul3A_156 : i32
      %add3A_158 = arith.constant 1 : i32
      %add3A_159 = arith.addi %mul3A_157, %add3A_158 : i32
      %dma_wait3A_160 = arith.constant 0 : i32
      %dma_wait3A_161 = tpu.memref_slice %arg7[%add3A_159, %dma_wait3A_160] : memref<40x128xi32, #tpu.memory_space<vmem>> -> memref<1x128xi32, #tpu.memory_space<vmem>>
      %dma_wait3A_162 = tpu.memref_squeeze %dma_wait3A_161 : memref<1x128xi32, #tpu.memory_space<vmem>> -> memref<128xi32, #tpu.memory_space<vmem>>
      %dma_wait3A_163 = arith.constant 0 : i32
      %dma_wait3A_164 = arith.constant 0 : i32
      %dma_wait3A_165 = tpu.memref_slice %arg2[%dma_wait3A_163, %dma_wait3A_164] : memref<10000x128xf32, #tpu.memory_space<hbm>> -> memref<10000x128xf32, #tpu.memory_space<hbm>>
      tpu.wait_indirect_dma semaphore(%arg12 : memref<!tpu.dma_semaphore, #tpu.memory_space<semaphore_mem>>) src(%dma_wait3A_165 : memref<10000x128xf32, #tpu.memory_space<hbm>>) dst(%arg10 : memref<128x128xf32, #tpu.memory_space<vmem>>)
      %dma_start3A_166 = arith.constant 0 : i32
      %dma_start3A_167 = tpu.memref_slice %arg8[%add3A_159, %dma_start3A_166] : memref<40x128xi32, #tpu.memory_space<vmem>> -> memref<1x128xi32, #tpu.memory_space<vmem>>
      %dma_start3A_168 = tpu.memref_squeeze %dma_start3A_167 : memref<1x128xi32, #tpu.memory_space<vmem>> -> memref<128xi32, #tpu.memory_space<vmem>>
      %dma_start3A_169 = arith.constant 0 : i32
      %dma_start3A_170 = arith.constant 0 : i32
      %dma_start3A_171 = tpu.memref_slice %arg16[%dma_start3A_169, %dma_start3A_170] : memref<10112x128xf32, #tpu.memory_space<vmem_shared>> -> memref<10112x128xf32, #tpu.memory_space<vmem_shared>>
      tpu.enqueue_indirect_dma source(%arg10 : memref<128x128xf32, #tpu.memory_space<vmem>>) target(%dma_start3A_171 : memref<10112x128xf32, #tpu.memory_space<vmem_shared>>) offsets(%dma_start3A_168 : memref<128xi32, #tpu.memory_space<vmem>>) semaphore(%arg14 : memref<!tpu.dma_semaphore, #tpu.memory_space<semaphore_mem>>) {add = true}
      %mul3A_172 = arith.constant 2 : i32
      %mul3A_173 = arith.muli %add3A_139, %mul3A_172 : i32
      %add3A_174 = arith.constant 0 : i32
      %add3A_175 = arith.addi %mul3A_173, %add3A_174 : i32
      %dma_wait3A_176 = arith.constant 0 : i32
      %dma_wait3A_177 = tpu.memref_slice %arg8[%add3A_175, %dma_wait3A_176] : memref<40x128xi32, #tpu.memory_space<vmem>> -> memref<1x128xi32, #tpu.memory_space<vmem>>
      %dma_wait3A_178 = tpu.memref_squeeze %dma_wait3A_177 : memref<1x128xi32, #tpu.memory_space<vmem>> -> memref<128xi32, #tpu.memory_space<vmem>>
      %dma_wait3A_179 = arith.constant 0 : i32
      %dma_wait3A_180 = arith.constant 0 : i32
      %dma_wait3A_181 = tpu.memref_slice %arg16[%dma_wait3A_179, %dma_wait3A_180] : memref<10112x128xf32, #tpu.memory_space<vmem_shared>> -> memref<10112x128xf32, #tpu.memory_space<vmem_shared>>
      tpu.wait_indirect_dma semaphore(%arg13 : memref<!tpu.dma_semaphore, #tpu.memory_space<semaphore_mem>>) src(%arg9 : memref<128x128xf32, #tpu.memory_space<vmem>>) dst(%dma_wait3A_181 : memref<10112x128xf32, #tpu.memory_space<vmem_shared>>)
      %add3A_182 = arith.constant 2 : i32
      %add3A_183 = arith.addi %add3A_175, %add3A_182 : i32
      %dma_start3A_184 = arith.constant 0 : i32
      %dma_start3A_185 = tpu.memref_slice %arg7[%add3A_183, %dma_start3A_184] : memref<40x128xi32, #tpu.memory_space<vmem>> -> memref<1x128xi32, #tpu.memory_space<vmem>>
      %dma_start3A_186 = tpu.memref_squeeze %dma_start3A_185 : memref<1x128xi32, #tpu.memory_space<vmem>> -> memref<128xi32, #tpu.memory_space<vmem>>
      %dma_start3A_187 = arith.constant 0 : i32
      %dma_start3A_188 = arith.constant 0 : i32
      %dma_start3A_189 = tpu.memref_slice %arg2[%dma_start3A_187, %dma_start3A_188] : memref<10000x128xf32, #tpu.memory_space<hbm>> -> memref<10000x128xf32, #tpu.memory_space<hbm>>
      tpu.enqueue_indirect_dma source(%dma_start3A_189 : memref<10000x128xf32, #tpu.memory_space<hbm>>) target(%arg9 : memref<128x128xf32, #tpu.memory_space<vmem>>) offsets(%dma_start3A_186 : memref<128xi32, #tpu.memory_space<vmem>>) semaphore(%arg11 : memref<!tpu.dma_semaphore, #tpu.memory_space<semaphore_mem>>)
      %mul3A_190 = arith.constant 2 : i32
      %mul3A_191 = arith.muli %add3A_139, %mul3A_190 : i32
      %add3A_192 = arith.constant 1 : i32
      %add3A_193 = arith.addi %mul3A_191, %add3A_192 : i32
      %dma_wait3A_194 = arith.constant 0 : i32
      %dma_wait3A_195 = tpu.memref_slice %arg8[%add3A_193, %dma_wait3A_194] : memref<40x128xi32, #tpu.memory_space<vmem>> -> memref<1x128xi32, #tpu.memory_space<vmem>>
      %dma_wait3A_196 = tpu.memref_squeeze %dma_wait3A_195 : memref<1x128xi32, #tpu.memory_space<vmem>> -> memref<128xi32, #tpu.memory_space<vmem>>
      %dma_wait3A_197 = arith.constant 0 : i32
      %dma_wait3A_198 = arith.constant 0 : i32
      %dma_wait3A_199 = tpu.memref_slice %arg16[%dma_wait3A_197, %dma_wait3A_198] : memref<10112x128xf32, #tpu.memory_space<vmem_shared>> -> memref<10112x128xf32, #tpu.memory_space<vmem_shared>>
      tpu.wait_indirect_dma semaphore(%arg14 : memref<!tpu.dma_semaphore, #tpu.memory_space<semaphore_mem>>) src(%arg10 : memref<128x128xf32, #tpu.memory_space<vmem>>) dst(%dma_wait3A_199 : memref<10112x128xf32, #tpu.memory_space<vmem_shared>>)
      %add3A_200 = arith.constant 2 : i32
      %add3A_201 = arith.addi %add3A_193, %add3A_200 : i32
      %dma_start3A_202 = arith.constant 0 : i32
      %dma_start3A_203 = tpu.memref_slice %arg7[%add3A_201, %dma_start3A_202] : memref<40x128xi32, #tpu.memory_space<vmem>> -> memref<1x128xi32, #tpu.memory_space<vmem>>
      %dma_start3A_204 = tpu.memref_squeeze %dma_start3A_203 : memref<1x128xi32, #tpu.memory_space<vmem>> -> memref<128xi32, #tpu.memory_space<vmem>>
      %dma_start3A_205 = arith.constant 0 : i32
      %dma_start3A_206 = arith.constant 0 : i32
      %dma_start3A_207 = tpu.memref_slice %arg2[%dma_start3A_205, %dma_start3A_206] : memref<10000x128xf32, #tpu.memory_space<hbm>> -> memref<10000x128xf32, #tpu.memory_space<hbm>>
      tpu.enqueue_indirect_dma source(%dma_start3A_207 : memref<10000x128xf32, #tpu.memory_space<hbm>>) target(%arg10 : memref<128x128xf32, #tpu.memory_space<vmem>>) offsets(%dma_start3A_204 : memref<128xi32, #tpu.memory_space<vmem>>) semaphore(%arg12 : memref<!tpu.dma_semaphore, #tpu.memory_space<semaphore_mem>>)
    }
    %scan3A_79 = arith.constant 19 : i32
    %dma_wait3A_80 = arith.constant 38 : i32
    %dma_wait3A_81 = arith.constant 0 : i32
    %dma_wait3A_82 = tpu.memref_slice %arg7[%dma_wait3A_80, %dma_wait3A_81] : memref<40x128xi32, #tpu.memory_space<vmem>> -> memref<1x128xi32, #tpu.memory_space<vmem>>
    %dma_wait3A_83 = tpu.memref_squeeze %dma_wait3A_82 : memref<1x128xi32, #tpu.memory_space<vmem>> -> memref<128xi32, #tpu.memory_space<vmem>>
    %dma_wait3A_84 = arith.constant 0 : i32
    %dma_wait3A_85 = arith.constant 0 : i32
    %dma_wait3A_86 = tpu.memref_slice %arg2[%dma_wait3A_84, %dma_wait3A_85] : memref<10000x128xf32, #tpu.memory_space<hbm>> -> memref<10000x128xf32, #tpu.memory_space<hbm>>
    tpu.wait_indirect_dma semaphore(%arg11 : memref<!tpu.dma_semaphore, #tpu.memory_space<semaphore_mem>>) src(%dma_wait3A_86 : memref<10000x128xf32, #tpu.memory_space<hbm>>) dst(%arg9 : memref<128x128xf32, #tpu.memory_space<vmem>>)
    %dma_start3A_87 = arith.constant 38 : i32
    %dma_start3A_88 = arith.constant 0 : i32
    %dma_start3A_89 = tpu.memref_slice %arg8[%dma_start3A_87, %dma_start3A_88] : memref<40x128xi32, #tpu.memory_space<vmem>> -> memref<1x128xi32, #tpu.memory_space<vmem>>
    %dma_start3A_90 = tpu.memref_squeeze %dma_start3A_89 : memref<1x128xi32, #tpu.memory_space<vmem>> -> memref<128xi32, #tpu.memory_space<vmem>>
    %dma_start3A_91 = arith.constant 0 : i32
    %dma_start3A_92 = arith.constant 0 : i32
    %dma_start3A_93 = tpu.memref_slice %arg16[%dma_start3A_91, %dma_start3A_92] : memref<10112x128xf32, #tpu.memory_space<vmem_shared>> -> memref<10112x128xf32, #tpu.memory_space<vmem_shared>>
    tpu.enqueue_indirect_dma source(%arg9 : memref<128x128xf32, #tpu.memory_space<vmem>>) target(%dma_start3A_93 : memref<10112x128xf32, #tpu.memory_space<vmem_shared>>) offsets(%dma_start3A_90 : memref<128xi32, #tpu.memory_space<vmem>>) semaphore(%arg13 : memref<!tpu.dma_semaphore, #tpu.memory_space<semaphore_mem>>) {add = true}
    %dma_wait3A_94 = arith.constant 39 : i32
    %dma_wait3A_95 = arith.constant 0 : i32
    %dma_wait3A_96 = tpu.memref_slice %arg7[%dma_wait3A_94, %dma_wait3A_95] : memref<40x128xi32, #tpu.memory_space<vmem>> -> memref<1x128xi32, #tpu.memory_space<vmem>>
    %dma_wait3A_97 = tpu.memref_squeeze %dma_wait3A_96 : memref<1x128xi32, #tpu.memory_space<vmem>> -> memref<128xi32, #tpu.memory_space<vmem>>
    %dma_wait3A_98 = arith.constant 0 : i32
    %dma_wait3A_99 = arith.constant 0 : i32
    %dma_wait3A_100 = tpu.memref_slice %arg2[%dma_wait3A_98, %dma_wait3A_99] : memref<10000x128xf32, #tpu.memory_space<hbm>> -> memref<10000x128xf32, #tpu.memory_space<hbm>>
    tpu.wait_indirect_dma semaphore(%arg12 : memref<!tpu.dma_semaphore, #tpu.memory_space<semaphore_mem>>) src(%dma_wait3A_100 : memref<10000x128xf32, #tpu.memory_space<hbm>>) dst(%arg10 : memref<128x128xf32, #tpu.memory_space<vmem>>)
    %dma_start3A_101 = arith.constant 39 : i32
    %dma_start3A_102 = arith.constant 0 : i32
    %dma_start3A_103 = tpu.memref_slice %arg8[%dma_start3A_101, %dma_start3A_102] : memref<40x128xi32, #tpu.memory_space<vmem>> -> memref<1x128xi32, #tpu.memory_space<vmem>>
    %dma_start3A_104 = tpu.memref_squeeze %dma_start3A_103 : memref<1x128xi32, #tpu.memory_space<vmem>> -> memref<128xi32, #tpu.memory_space<vmem>>
    %dma_start3A_105 = arith.constant 0 : i32
    %dma_start3A_106 = arith.constant 0 : i32
    %dma_start3A_107 = tpu.memref_slice %arg16[%dma_start3A_105, %dma_start3A_106] : memref<10112x128xf32, #tpu.memory_space<vmem_shared>> -> memref<10112x128xf32, #tpu.memory_space<vmem_shared>>
    tpu.enqueue_indirect_dma source(%arg10 : memref<128x128xf32, #tpu.memory_space<vmem>>) target(%dma_start3A_107 : memref<10112x128xf32, #tpu.memory_space<vmem_shared>>) offsets(%dma_start3A_104 : memref<128xi32, #tpu.memory_space<vmem>>) semaphore(%arg14 : memref<!tpu.dma_semaphore, #tpu.memory_space<semaphore_mem>>) {add = true}
    %dma_wait3A_108 = arith.constant 38 : i32
    %dma_wait3A_109 = arith.constant 0 : i32
    %dma_wait3A_110 = tpu.memref_slice %arg8[%dma_wait3A_108, %dma_wait3A_109] : memref<40x128xi32, #tpu.memory_space<vmem>> -> memref<1x128xi32, #tpu.memory_space<vmem>>
    %dma_wait3A_111 = tpu.memref_squeeze %dma_wait3A_110 : memref<1x128xi32, #tpu.memory_space<vmem>> -> memref<128xi32, #tpu.memory_space<vmem>>
    %dma_wait3A_112 = arith.constant 0 : i32
    %dma_wait3A_113 = arith.constant 0 : i32
    %dma_wait3A_114 = tpu.memref_slice %arg16[%dma_wait3A_112, %dma_wait3A_113] : memref<10112x128xf32, #tpu.memory_space<vmem_shared>> -> memref<10112x128xf32, #tpu.memory_space<vmem_shared>>
    tpu.wait_indirect_dma semaphore(%arg13 : memref<!tpu.dma_semaphore, #tpu.memory_space<semaphore_mem>>) src(%arg9 : memref<128x128xf32, #tpu.memory_space<vmem>>) dst(%dma_wait3A_114 : memref<10112x128xf32, #tpu.memory_space<vmem_shared>>)
    %dma_wait3A_115 = arith.constant 39 : i32
    %dma_wait3A_116 = arith.constant 0 : i32
    %dma_wait3A_117 = tpu.memref_slice %arg8[%dma_wait3A_115, %dma_wait3A_116] : memref<40x128xi32, #tpu.memory_space<vmem>> -> memref<1x128xi32, #tpu.memory_space<vmem>>
    %dma_wait3A_118 = tpu.memref_squeeze %dma_wait3A_117 : memref<1x128xi32, #tpu.memory_space<vmem>> -> memref<128xi32, #tpu.memory_space<vmem>>
    %dma_wait3A_119 = arith.constant 0 : i32
    %dma_wait3A_120 = arith.constant 0 : i32
    %dma_wait3A_121 = tpu.memref_slice %arg16[%dma_wait3A_119, %dma_wait3A_120] : memref<10112x128xf32, #tpu.memory_space<vmem_shared>> -> memref<10112x128xf32, #tpu.memory_space<vmem_shared>>
    tpu.wait_indirect_dma semaphore(%arg14 : memref<!tpu.dma_semaphore, #tpu.memory_space<semaphore_mem>>) src(%arg10 : memref<128x128xf32, #tpu.memory_space<vmem>>) dst(%dma_wait3A_121 : memref<10112x128xf32, #tpu.memory_space<vmem_shared>>)
    %barrier3A_122 = arith.constant 0 : index
    tpu.barrier barrier_id(%barrier3A_122)
    %mul3A_123 = arith.constant 632 : i32
    %mul3A_124 = arith.muli %arg1, %mul3A_123 : i32
    %dma_start3A_125 = arith.constant 0 : i32
    %dma_start3A_126 = tpu.memref_slice %arg6[%arg0, %mul3A_124, %dma_start3A_125] : memref<2x10112x128xf32, #tpu.memory_space<hbm>> -> memref<1x632x128xf32, #tpu.memory_space<hbm>>
    %dma_start3A_127 = tpu.memref_squeeze %dma_start3A_126 : memref<1x632x128xf32, #tpu.memory_space<hbm>> -> memref<632x128xf32, #tpu.memory_space<hbm>>
    %dma_start3A_128 = arith.constant 0 : i32
    %dma_start3A_129 = tpu.memref_slice %arg16[%mul3A_124, %dma_start3A_128] : memref<10112x128xf32, #tpu.memory_space<vmem_shared>> -> memref<632x128xf32, #tpu.memory_space<vmem_shared>>
    tpu.enqueue_dma source(%dma_start3A_129 : memref<632x128xf32, #tpu.memory_space<vmem_shared>>) target(%dma_start3A_127 : memref<632x128xf32, #tpu.memory_space<hbm>>) target_semaphore(%arg15 : memref<!tpu.dma_semaphore, #tpu.memory_space<semaphore_mem>>)
    %dma_wait3A_130 = arith.constant 0 : i32
    %dma_wait3A_131 = tpu.memref_slice %arg6[%arg0, %mul3A_124, %dma_wait3A_130] : memref<2x10112x128xf32, #tpu.memory_space<hbm>> -> memref<1x632x128xf32, #tpu.memory_space<hbm>>
    %dma_wait3A_132 = tpu.memref_squeeze %dma_wait3A_131 : memref<1x632x128xf32, #tpu.memory_space<hbm>> -> memref<632x128xf32, #tpu.memory_space<hbm>>
    %dma_wait3A_133 = arith.constant 0 : i32
    %dma_wait3A_134 = tpu.memref_slice %arg16[%mul3A_124, %dma_wait3A_133] : memref<10112x128xf32, #tpu.memory_space<vmem_shared>> -> memref<632x128xf32, #tpu.memory_space<vmem_shared>>
    tpu.wait_dma2 semaphore(%arg15 : memref<!tpu.dma_semaphore, #tpu.memory_space<semaphore_mem>>) src(%dma_wait3A_134 : memref<632x128xf32, #tpu.memory_space<vmem_shared>>) dst(%dma_wait3A_132 : memref<632x128xf32, #tpu.memory_space<hbm>>)
    return
  }
}

#map = affine_map<(d0, d1) -> (0, 0)>
#map1 = affine_map<(d0, d1) -> (0, 0, 0)>
module attributes {stable_mosaic.version = 14 : i64} {
  func.func @_sc_agg_body(%arg0: i32, %arg1: i32, %arg2: memref<10000x128xf32, #tpu.memory_space<hbm>>, %arg3: memref<32x80x128xi32, #tpu.memory_space<hbm>>, %arg4: memref<32x80x128xi32, #tpu.memory_space<hbm>>, %arg5: memref<632x128xf32, #tpu.memory_space<hbm>>, %arg6: memref<2x10112x128xf32, #tpu.memory_space<hbm>>, %arg7: memref<40x128xi32, #tpu.memory_space<vmem>>, %arg8: memref<40x128xi32, #tpu.memory_space<vmem>>, %arg9: memref<128x128xf32, #tpu.memory_space<vmem>>, %arg10: memref<128x128xf32, #tpu.memory_space<vmem>>, %arg11: memref<!tpu.dma_semaphore, #tpu.memory_space<semaphore_mem>>, %arg12: memref<!tpu.dma_semaphore, #tpu.memory_space<semaphore_mem>>, %arg13: memref<!tpu.dma_semaphore, #tpu.memory_space<semaphore_mem>>, %arg14: memref<!tpu.dma_semaphore, #tpu.memory_space<semaphore_mem>>, %arg15: memref<!tpu.dma_semaphore, #tpu.memory_space<semaphore_mem>>, %arg16: memref<10112x128xf32, #tpu.memory_space<vmem_shared>>) attributes {dimension_semantics = [#tpu.dimension_semantics<core_parallel>, #tpu.dimension_semantics<subcore_parallel>], iteration_bounds = array<i64: 2, 16>, scalar_prefetch = 0 : i64, scratch_operands = 10 : i64, tpu.core_type = #tpu.core_type<sc_vector_subcore>, window_params = [{transform_indices = #map}, {transform_indices = #map1}, {transform_indices = #map1}, {transform_indices = #map}, {transform_indices = #map1}]} {
    %mul3A = arith.constant 16 : i32
    %mul3A_0 = arith.muli %arg0, %mul3A : i32
    %add3A = arith.addi %mul3A_0, %arg1 : i32
    %mul3A_1 = arith.constant 632 : i32
    %mul3A_2 = arith.muli %arg1, %mul3A_1 : i32
    "tpu.region"() ({
      %run_scoped3A = tpu.sem_alloc : memref<!tpu.dma_semaphore, #tpu.memory_space<semaphore_mem>>
      %dma_start3A_135 = arith.constant 0 : i32
      %dma_start3A_136 = tpu.memref_slice %arg16[%mul3A_2, %dma_start3A_135] : memref<10112x128xf32, #tpu.memory_space<vmem_shared>> -> memref<632x128xf32, #tpu.memory_space<vmem_shared>>
      tpu.enqueue_dma source(%arg5 : memref<632x128xf32, #tpu.memory_space<hbm>>) target(%dma_start3A_136 : memref<632x128xf32, #tpu.memory_space<vmem_shared>>) target_semaphore(%run_scoped3A : memref<!tpu.dma_semaphore, #tpu.memory_space<semaphore_mem>>)
      %dma_wait3A_137 = arith.constant 0 : i32
      %dma_wait3A_138 = tpu.memref_slice %arg16[%mul3A_2, %dma_wait3A_137] : memref<10112x128xf32, #tpu.memory_space<vmem_shared>> -> memref<632x128xf32, #tpu.memory_space<vmem_shared>>
      tpu.wait_dma2 semaphore(%run_scoped3A : memref<!tpu.dma_semaphore, #tpu.memory_space<semaphore_mem>>) src(%arg5 : memref<632x128xf32, #tpu.memory_space<hbm>>) dst(%dma_wait3A_138 : memref<632x128xf32, #tpu.memory_space<vmem_shared>>)
      tpu.yield
    }) : () -> ()
    %barrier3A = arith.constant 0 : index
    tpu.barrier barrier_id(%barrier3A)
    "tpu.region"() ({
      %run_scoped3A = tpu.sem_alloc : memref<!tpu.dma_semaphore, #tpu.memory_space<semaphore_mem>>
      %dma_start3A_135 = arith.constant 0 : i32
      %dma_start3A_136 = arith.constant 0 : i32
      %dma_start3A_137 = tpu.memref_slice %arg3[%add3A, %dma_start3A_135, %dma_start3A_136] : memref<32x80x128xi32, #tpu.memory_space<hbm>> -> memref<1x40x128xi32, #tpu.memory_space<hbm>>
      %dma_start3A_138 = tpu.memref_squeeze %dma_start3A_137 : memref<1x40x128xi32, #tpu.memory_space<hbm>> -> memref<40x128xi32, #tpu.memory_space<hbm>>
      %dma_start3A_139 = arith.constant 0 : i32
      %dma_start3A_140 = arith.constant 0 : i32
      %dma_start3A_141 = tpu.memref_slice %arg3[%add3A, %dma_start3A_139, %dma_start3A_140] : memref<32x80x128xi32, #tpu.memory_space<hbm>> -> memref<1x40x128xi32, #tpu.memory_space<hbm>>
      %dma_start3A_142 = tpu.memref_squeeze %dma_start3A_141 : memref<1x40x128xi32, #tpu.memory_space<hbm>> -> memref<40x128xi32, #tpu.memory_space<hbm>>
      tpu.enqueue_dma source(%dma_start3A_142 : memref<40x128xi32, #tpu.memory_space<hbm>>) target(%arg7 : memref<40x128xi32, #tpu.memory_space<vmem>>) target_semaphore(%run_scoped3A : memref<!tpu.dma_semaphore, #tpu.memory_space<semaphore_mem>>)
      %dma_wait3A_143 = arith.constant 0 : i32
      %dma_wait3A_144 = arith.constant 0 : i32
      %dma_wait3A_145 = tpu.memref_slice %arg3[%add3A, %dma_wait3A_143, %dma_wait3A_144] : memref<32x80x128xi32, #tpu.memory_space<hbm>> -> memref<1x40x128xi32, #tpu.memory_space<hbm>>
      %dma_wait3A_146 = tpu.memref_squeeze %dma_wait3A_145 : memref<1x40x128xi32, #tpu.memory_space<hbm>> -> memref<40x128xi32, #tpu.memory_space<hbm>>
      %dma_wait3A_147 = arith.constant 0 : i32
      %dma_wait3A_148 = arith.constant 0 : i32
      %dma_wait3A_149 = tpu.memref_slice %arg3[%add3A, %dma_wait3A_147, %dma_wait3A_148] : memref<32x80x128xi32, #tpu.memory_space<hbm>> -> memref<1x40x128xi32, #tpu.memory_space<hbm>>
      %dma_wait3A_150 = tpu.memref_squeeze %dma_wait3A_149 : memref<1x40x128xi32, #tpu.memory_space<hbm>> -> memref<40x128xi32, #tpu.memory_space<hbm>>
      tpu.wait_dma2 semaphore(%run_scoped3A : memref<!tpu.dma_semaphore, #tpu.memory_space<semaphore_mem>>) src(%dma_wait3A_150 : memref<40x128xi32, #tpu.memory_space<hbm>>) dst(%arg7 : memref<40x128xi32, #tpu.memory_space<vmem>>)
      tpu.yield
    }) : () -> ()
    "tpu.region"() ({
      %run_scoped3A = tpu.sem_alloc : memref<!tpu.dma_semaphore, #tpu.memory_space<semaphore_mem>>
      %dma_start3A_135 = arith.constant 0 : i32
      %dma_start3A_136 = arith.constant 0 : i32
      %dma_start3A_137 = tpu.memref_slice %arg4[%add3A, %dma_start3A_135, %dma_start3A_136] : memref<32x80x128xi32, #tpu.memory_space<hbm>> -> memref<1x40x128xi32, #tpu.memory_space<hbm>>
      %dma_start3A_138 = tpu.memref_squeeze %dma_start3A_137 : memref<1x40x128xi32, #tpu.memory_space<hbm>> -> memref<40x128xi32, #tpu.memory_space<hbm>>
      %dma_start3A_139 = arith.constant 0 : i32
      %dma_start3A_140 = arith.constant 0 : i32
      %dma_start3A_141 = tpu.memref_slice %arg4[%add3A, %dma_start3A_139, %dma_start3A_140] : memref<32x80x128xi32, #tpu.memory_space<hbm>> -> memref<1x40x128xi32, #tpu.memory_space<hbm>>
      %dma_start3A_142 = tpu.memref_squeeze %dma_start3A_141 : memref<1x40x128xi32, #tpu.memory_space<hbm>> -> memref<40x128xi32, #tpu.memory_space<hbm>>
      tpu.enqueue_dma source(%dma_start3A_142 : memref<40x128xi32, #tpu.memory_space<hbm>>) target(%arg8 : memref<40x128xi32, #tpu.memory_space<vmem>>) target_semaphore(%run_scoped3A : memref<!tpu.dma_semaphore, #tpu.memory_space<semaphore_mem>>)
      %dma_wait3A_143 = arith.constant 0 : i32
      %dma_wait3A_144 = arith.constant 0 : i32
      %dma_wait3A_145 = tpu.memref_slice %arg4[%add3A, %dma_wait3A_143, %dma_wait3A_144] : memref<32x80x128xi32, #tpu.memory_space<hbm>> -> memref<1x40x128xi32, #tpu.memory_space<hbm>>
      %dma_wait3A_146 = tpu.memref_squeeze %dma_wait3A_145 : memref<1x40x128xi32, #tpu.memory_space<hbm>> -> memref<40x128xi32, #tpu.memory_space<hbm>>
      %dma_wait3A_147 = arith.constant 0 : i32
      %dma_wait3A_148 = arith.constant 0 : i32
      %dma_wait3A_149 = tpu.memref_slice %arg4[%add3A, %dma_wait3A_147, %dma_wait3A_148] : memref<32x80x128xi32, #tpu.memory_space<hbm>> -> memref<1x40x128xi32, #tpu.memory_space<hbm>>
      %dma_wait3A_150 = tpu.memref_squeeze %dma_wait3A_149 : memref<1x40x128xi32, #tpu.memory_space<hbm>> -> memref<40x128xi32, #tpu.memory_space<hbm>>
      tpu.wait_dma2 semaphore(%run_scoped3A : memref<!tpu.dma_semaphore, #tpu.memory_space<semaphore_mem>>) src(%dma_wait3A_150 : memref<40x128xi32, #tpu.memory_space<hbm>>) dst(%arg8 : memref<40x128xi32, #tpu.memory_space<vmem>>)
      tpu.yield
    }) : () -> ()
    %dma_start3A = arith.constant 0 : i32
    %dma_start3A_3 = arith.constant 0 : i32
    %dma_start3A_4 = tpu.memref_slice %arg7[%dma_start3A, %dma_start3A_3] : memref<40x128xi32, #tpu.memory_space<vmem>> -> memref<1x128xi32, #tpu.memory_space<vmem>>
    %dma_start3A_5 = tpu.memref_squeeze %dma_start3A_4 : memref<1x128xi32, #tpu.memory_space<vmem>> -> memref<128xi32, #tpu.memory_space<vmem>>
    %dma_start3A_6 = arith.constant 0 : i32
    %dma_start3A_7 = arith.constant 0 : i32
    %dma_start3A_8 = tpu.memref_slice %arg2[%dma_start3A_6, %dma_start3A_7] : memref<10000x128xf32, #tpu.memory_space<hbm>> -> memref<10000x128xf32, #tpu.memory_space<hbm>>
    tpu.enqueue_indirect_dma source(%dma_start3A_8 : memref<10000x128xf32, #tpu.memory_space<hbm>>) target(%arg9 : memref<128x128xf32, #tpu.memory_space<vmem>>) offsets(%dma_start3A_5 : memref<128xi32, #tpu.memory_space<vmem>>) semaphore(%arg11 : memref<!tpu.dma_semaphore, #tpu.memory_space<semaphore_mem>>)
    %dma_start3A_9 = arith.constant 1 : i32
    %dma_start3A_10 = arith.constant 0 : i32
    %dma_start3A_11 = tpu.memref_slice %arg7[%dma_start3A_9, %dma_start3A_10] : memref<40x128xi32, #tpu.memory_space<vmem>> -> memref<1x128xi32, #tpu.memory_space<vmem>>
    %dma_start3A_12 = tpu.memref_squeeze %dma_start3A_11 : memref<1x128xi32, #tpu.memory_space<vmem>> -> memref<128xi32, #tpu.memory_space<vmem>>
    %dma_start3A_13 = arith.constant 0 : i32
    %dma_start3A_14 = arith.constant 0 : i32
    %dma_start3A_15 = tpu.memref_slice %arg2[%dma_start3A_13, %dma_start3A_14] : memref<10000x128xf32, #tpu.memory_space<hbm>> -> memref<10000x128xf32, #tpu.memory_space<hbm>>
    tpu.enqueue_indirect_dma source(%dma_start3A_15 : memref<10000x128xf32, #tpu.memory_space<hbm>>) target(%arg10 : memref<128x128xf32, #tpu.memory_space<vmem>>) offsets(%dma_start3A_12 : memref<128xi32, #tpu.memory_space<vmem>>) semaphore(%arg12 : memref<!tpu.dma_semaphore, #tpu.memory_space<semaphore_mem>>)
    %scan3A = arith.constant 0 : i32
    %scan3A_16 = arith.constant 19 : i32
    %scan3A_17 = arith.addi %scan3A, %scan3A_16 : i32
    %scan3A_18 = arith.constant 1 : i32
    scf.for %scan3A_135 = %scan3A to %scan3A_17 step %scan3A_18  : i32 {
      %mul3A_136 = arith.constant 1 : i32
      %mul3A_137 = arith.muli %scan3A_135, %mul3A_136 : i32
      %add3A_138 = arith.constant 0 : i32
      %add3A_139 = arith.addi %add3A_138, %mul3A_137 : i32
      %mul3A_140 = arith.constant 2 : i32
      %mul3A_141 = arith.muli %add3A_139, %mul3A_140 : i32
      %add3A_142 = arith.constant 0 : i32
      %add3A_143 = arith.addi %mul3A_141, %add3A_142 : i32
      %dma_wait3A_144 = arith.constant 0 : i32
      %dma_wait3A_145 = tpu.memref_slice %arg7[%add3A_143, %dma_wait3A_144] : memref<40x128xi32, #tpu.memory_space<vmem>> -> memref<1x128xi32, #tpu.memory_space<vmem>>
      %dma_wait3A_146 = tpu.memref_squeeze %dma_wait3A_145 : memref<1x128xi32, #tpu.memory_space<vmem>> -> memref<128xi32, #tpu.memory_space<vmem>>
      %dma_wait3A_147 = arith.constant 0 : i32
      %dma_wait3A_148 = arith.constant 0 : i32
      %dma_wait3A_149 = tpu.memref_slice %arg2[%dma_wait3A_147, %dma_wait3A_148] : memref<10000x128xf32, #tpu.memory_space<hbm>> -> memref<10000x128xf32, #tpu.memory_space<hbm>>
      tpu.wait_indirect_dma semaphore(%arg11 : memref<!tpu.dma_semaphore, #tpu.memory_space<semaphore_mem>>) src(%dma_wait3A_149 : memref<10000x128xf32, #tpu.memory_space<hbm>>) dst(%arg9 : memref<128x128xf32, #tpu.memory_space<vmem>>)
      %dma_start3A_150 = arith.constant 0 : i32
      %dma_start3A_151 = tpu.memref_slice %arg8[%add3A_143, %dma_start3A_150] : memref<40x128xi32, #tpu.memory_space<vmem>> -> memref<1x128xi32, #tpu.memory_space<vmem>>
      %dma_start3A_152 = tpu.memref_squeeze %dma_start3A_151 : memref<1x128xi32, #tpu.memory_space<vmem>> -> memref<128xi32, #tpu.memory_space<vmem>>
      %dma_start3A_153 = arith.constant 0 : i32
      %dma_start3A_154 = arith.constant 0 : i32
      %dma_start3A_155 = tpu.memref_slice %arg16[%dma_start3A_153, %dma_start3A_154] : memref<10112x128xf32, #tpu.memory_space<vmem_shared>> -> memref<10112x128xf32, #tpu.memory_space<vmem_shared>>
      tpu.enqueue_indirect_dma source(%arg9 : memref<128x128xf32, #tpu.memory_space<vmem>>) target(%dma_start3A_155 : memref<10112x128xf32, #tpu.memory_space<vmem_shared>>) offsets(%dma_start3A_152 : memref<128xi32, #tpu.memory_space<vmem>>) semaphore(%arg13 : memref<!tpu.dma_semaphore, #tpu.memory_space<semaphore_mem>>) {add = true}
      %mul3A_156 = arith.constant 2 : i32
      %mul3A_157 = arith.muli %add3A_139, %mul3A_156 : i32
      %add3A_158 = arith.constant 1 : i32
      %add3A_159 = arith.addi %mul3A_157, %add3A_158 : i32
      %dma_wait3A_160 = arith.constant 0 : i32
      %dma_wait3A_161 = tpu.memref_slice %arg7[%add3A_159, %dma_wait3A_160] : memref<40x128xi32, #tpu.memory_space<vmem>> -> memref<1x128xi32, #tpu.memory_space<vmem>>
      %dma_wait3A_162 = tpu.memref_squeeze %dma_wait3A_161 : memref<1x128xi32, #tpu.memory_space<vmem>> -> memref<128xi32, #tpu.memory_space<vmem>>
      %dma_wait3A_163 = arith.constant 0 : i32
      %dma_wait3A_164 = arith.constant 0 : i32
      %dma_wait3A_165 = tpu.memref_slice %arg2[%dma_wait3A_163, %dma_wait3A_164] : memref<10000x128xf32, #tpu.memory_space<hbm>> -> memref<10000x128xf32, #tpu.memory_space<hbm>>
      tpu.wait_indirect_dma semaphore(%arg12 : memref<!tpu.dma_semaphore, #tpu.memory_space<semaphore_mem>>) src(%dma_wait3A_165 : memref<10000x128xf32, #tpu.memory_space<hbm>>) dst(%arg10 : memref<128x128xf32, #tpu.memory_space<vmem>>)
      %dma_start3A_166 = arith.constant 0 : i32
      %dma_start3A_167 = tpu.memref_slice %arg8[%add3A_159, %dma_start3A_166] : memref<40x128xi32, #tpu.memory_space<vmem>> -> memref<1x128xi32, #tpu.memory_space<vmem>>
      %dma_start3A_168 = tpu.memref_squeeze %dma_start3A_167 : memref<1x128xi32, #tpu.memory_space<vmem>> -> memref<128xi32, #tpu.memory_space<vmem>>
      %dma_start3A_169 = arith.constant 0 : i32
      %dma_start3A_170 = arith.constant 0 : i32
      %dma_start3A_171 = tpu.memref_slice %arg16[%dma_start3A_169, %dma_start3A_170] : memref<10112x128xf32, #tpu.memory_space<vmem_shared>> -> memref<10112x128xf32, #tpu.memory_space<vmem_shared>>
      tpu.enqueue_indirect_dma source(%arg10 : memref<128x128xf32, #tpu.memory_space<vmem>>) target(%dma_start3A_171 : memref<10112x128xf32, #tpu.memory_space<vmem_shared>>) offsets(%dma_start3A_168 : memref<128xi32, #tpu.memory_space<vmem>>) semaphore(%arg14 : memref<!tpu.dma_semaphore, #tpu.memory_space<semaphore_mem>>) {add = true}
      %mul3A_172 = arith.constant 2 : i32
      %mul3A_173 = arith.muli %add3A_139, %mul3A_172 : i32
      %add3A_174 = arith.constant 0 : i32
      %add3A_175 = arith.addi %mul3A_173, %add3A_174 : i32
      %dma_wait3A_176 = arith.constant 0 : i32
      %dma_wait3A_177 = tpu.memref_slice %arg8[%add3A_175, %dma_wait3A_176] : memref<40x128xi32, #tpu.memory_space<vmem>> -> memref<1x128xi32, #tpu.memory_space<vmem>>
      %dma_wait3A_178 = tpu.memref_squeeze %dma_wait3A_177 : memref<1x128xi32, #tpu.memory_space<vmem>> -> memref<128xi32, #tpu.memory_space<vmem>>
      %dma_wait3A_179 = arith.constant 0 : i32
      %dma_wait3A_180 = arith.constant 0 : i32
      %dma_wait3A_181 = tpu.memref_slice %arg16[%dma_wait3A_179, %dma_wait3A_180] : memref<10112x128xf32, #tpu.memory_space<vmem_shared>> -> memref<10112x128xf32, #tpu.memory_space<vmem_shared>>
      tpu.wait_indirect_dma semaphore(%arg13 : memref<!tpu.dma_semaphore, #tpu.memory_space<semaphore_mem>>) src(%arg9 : memref<128x128xf32, #tpu.memory_space<vmem>>) dst(%dma_wait3A_181 : memref<10112x128xf32, #tpu.memory_space<vmem_shared>>)
      %add3A_182 = arith.constant 2 : i32
      %add3A_183 = arith.addi %add3A_175, %add3A_182 : i32
      %dma_start3A_184 = arith.constant 0 : i32
      %dma_start3A_185 = tpu.memref_slice %arg7[%add3A_183, %dma_start3A_184] : memref<40x128xi32, #tpu.memory_space<vmem>> -> memref<1x128xi32, #tpu.memory_space<vmem>>
      %dma_start3A_186 = tpu.memref_squeeze %dma_start3A_185 : memref<1x128xi32, #tpu.memory_space<vmem>> -> memref<128xi32, #tpu.memory_space<vmem>>
      %dma_start3A_187 = arith.constant 0 : i32
      %dma_start3A_188 = arith.constant 0 : i32
      %dma_start3A_189 = tpu.memref_slice %arg2[%dma_start3A_187, %dma_start3A_188] : memref<10000x128xf32, #tpu.memory_space<hbm>> -> memref<10000x128xf32, #tpu.memory_space<hbm>>
      tpu.enqueue_indirect_dma source(%dma_start3A_189 : memref<10000x128xf32, #tpu.memory_space<hbm>>) target(%arg9 : memref<128x128xf32, #tpu.memory_space<vmem>>) offsets(%dma_start3A_186 : memref<128xi32, #tpu.memory_space<vmem>>) semaphore(%arg11 : memref<!tpu.dma_semaphore, #tpu.memory_space<semaphore_mem>>)
      %mul3A_190 = arith.constant 2 : i32
      %mul3A_191 = arith.muli %add3A_139, %mul3A_190 : i32
      %add3A_192 = arith.constant 1 : i32
      %add3A_193 = arith.addi %mul3A_191, %add3A_192 : i32
      %dma_wait3A_194 = arith.constant 0 : i32
      %dma_wait3A_195 = tpu.memref_slice %arg8[%add3A_193, %dma_wait3A_194] : memref<40x128xi32, #tpu.memory_space<vmem>> -> memref<1x128xi32, #tpu.memory_space<vmem>>
      %dma_wait3A_196 = tpu.memref_squeeze %dma_wait3A_195 : memref<1x128xi32, #tpu.memory_space<vmem>> -> memref<128xi32, #tpu.memory_space<vmem>>
      %dma_wait3A_197 = arith.constant 0 : i32
      %dma_wait3A_198 = arith.constant 0 : i32
      %dma_wait3A_199 = tpu.memref_slice %arg16[%dma_wait3A_197, %dma_wait3A_198] : memref<10112x128xf32, #tpu.memory_space<vmem_shared>> -> memref<10112x128xf32, #tpu.memory_space<vmem_shared>>
      tpu.wait_indirect_dma semaphore(%arg14 : memref<!tpu.dma_semaphore, #tpu.memory_space<semaphore_mem>>) src(%arg10 : memref<128x128xf32, #tpu.memory_space<vmem>>) dst(%dma_wait3A_199 : memref<10112x128xf32, #tpu.memory_space<vmem_shared>>)
      %add3A_200 = arith.constant 2 : i32
      %add3A_201 = arith.addi %add3A_193, %add3A_200 : i32
      %dma_start3A_202 = arith.constant 0 : i32
      %dma_start3A_203 = tpu.memref_slice %arg7[%add3A_201, %dma_start3A_202] : memref<40x128xi32, #tpu.memory_space<vmem>> -> memref<1x128xi32, #tpu.memory_space<vmem>>
      %dma_start3A_204 = tpu.memref_squeeze %dma_start3A_203 : memref<1x128xi32, #tpu.memory_space<vmem>> -> memref<128xi32, #tpu.memory_space<vmem>>
      %dma_start3A_205 = arith.constant 0 : i32
      %dma_start3A_206 = arith.constant 0 : i32
      %dma_start3A_207 = tpu.memref_slice %arg2[%dma_start3A_205, %dma_start3A_206] : memref<10000x128xf32, #tpu.memory_space<hbm>> -> memref<10000x128xf32, #tpu.memory_space<hbm>>
      tpu.enqueue_indirect_dma source(%dma_start3A_207 : memref<10000x128xf32, #tpu.memory_space<hbm>>) target(%arg10 : memref<128x128xf32, #tpu.memory_space<vmem>>) offsets(%dma_start3A_204 : memref<128xi32, #tpu.memory_space<vmem>>) semaphore(%arg12 : memref<!tpu.dma_semaphore, #tpu.memory_space<semaphore_mem>>)
    }
    %scan3A_19 = arith.constant 19 : i32
    %dma_wait3A = arith.constant 38 : i32
    %dma_wait3A_20 = arith.constant 0 : i32
    %dma_wait3A_21 = tpu.memref_slice %arg7[%dma_wait3A, %dma_wait3A_20] : memref<40x128xi32, #tpu.memory_space<vmem>> -> memref<1x128xi32, #tpu.memory_space<vmem>>
    %dma_wait3A_22 = tpu.memref_squeeze %dma_wait3A_21 : memref<1x128xi32, #tpu.memory_space<vmem>> -> memref<128xi32, #tpu.memory_space<vmem>>
    %dma_wait3A_23 = arith.constant 0 : i32
    %dma_wait3A_24 = arith.constant 0 : i32
    %dma_wait3A_25 = tpu.memref_slice %arg2[%dma_wait3A_23, %dma_wait3A_24] : memref<10000x128xf32, #tpu.memory_space<hbm>> -> memref<10000x128xf32, #tpu.memory_space<hbm>>
    tpu.wait_indirect_dma semaphore(%arg11 : memref<!tpu.dma_semaphore, #tpu.memory_space<semaphore_mem>>) src(%dma_wait3A_25 : memref<10000x128xf32, #tpu.memory_space<hbm>>) dst(%arg9 : memref<128x128xf32, #tpu.memory_space<vmem>>)
    %dma_start3A_26 = arith.constant 38 : i32
    %dma_start3A_27 = arith.constant 0 : i32
    %dma_start3A_28 = tpu.memref_slice %arg8[%dma_start3A_26, %dma_start3A_27] : memref<40x128xi32, #tpu.memory_space<vmem>> -> memref<1x128xi32, #tpu.memory_space<vmem>>
    %dma_start3A_29 = tpu.memref_squeeze %dma_start3A_28 : memref<1x128xi32, #tpu.memory_space<vmem>> -> memref<128xi32, #tpu.memory_space<vmem>>
    %dma_start3A_30 = arith.constant 0 : i32
    %dma_start3A_31 = arith.constant 0 : i32
    %dma_start3A_32 = tpu.memref_slice %arg16[%dma_start3A_30, %dma_start3A_31] : memref<10112x128xf32, #tpu.memory_space<vmem_shared>> -> memref<10112x128xf32, #tpu.memory_space<vmem_shared>>
    tpu.enqueue_indirect_dma source(%arg9 : memref<128x128xf32, #tpu.memory_space<vmem>>) target(%dma_start3A_32 : memref<10112x128xf32, #tpu.memory_space<vmem_shared>>) offsets(%dma_start3A_29 : memref<128xi32, #tpu.memory_space<vmem>>) semaphore(%arg13 : memref<!tpu.dma_semaphore, #tpu.memory_space<semaphore_mem>>) {add = true}
    %dma_wait3A_33 = arith.constant 39 : i32
    %dma_wait3A_34 = arith.constant 0 : i32
    %dma_wait3A_35 = tpu.memref_slice %arg7[%dma_wait3A_33, %dma_wait3A_34] : memref<40x128xi32, #tpu.memory_space<vmem>> -> memref<1x128xi32, #tpu.memory_space<vmem>>
    %dma_wait3A_36 = tpu.memref_squeeze %dma_wait3A_35 : memref<1x128xi32, #tpu.memory_space<vmem>> -> memref<128xi32, #tpu.memory_space<vmem>>
    %dma_wait3A_37 = arith.constant 0 : i32
    %dma_wait3A_38 = arith.constant 0 : i32
    %dma_wait3A_39 = tpu.memref_slice %arg2[%dma_wait3A_37, %dma_wait3A_38] : memref<10000x128xf32, #tpu.memory_space<hbm>> -> memref<10000x128xf32, #tpu.memory_space<hbm>>
    tpu.wait_indirect_dma semaphore(%arg12 : memref<!tpu.dma_semaphore, #tpu.memory_space<semaphore_mem>>) src(%dma_wait3A_39 : memref<10000x128xf32, #tpu.memory_space<hbm>>) dst(%arg10 : memref<128x128xf32, #tpu.memory_space<vmem>>)
    %dma_start3A_40 = arith.constant 39 : i32
    %dma_start3A_41 = arith.constant 0 : i32
    %dma_start3A_42 = tpu.memref_slice %arg8[%dma_start3A_40, %dma_start3A_41] : memref<40x128xi32, #tpu.memory_space<vmem>> -> memref<1x128xi32, #tpu.memory_space<vmem>>
    %dma_start3A_43 = tpu.memref_squeeze %dma_start3A_42 : memref<1x128xi32, #tpu.memory_space<vmem>> -> memref<128xi32, #tpu.memory_space<vmem>>
    %dma_start3A_44 = arith.constant 0 : i32
    %dma_start3A_45 = arith.constant 0 : i32
    %dma_start3A_46 = tpu.memref_slice %arg16[%dma_start3A_44, %dma_start3A_45] : memref<10112x128xf32, #tpu.memory_space<vmem_shared>> -> memref<10112x128xf32, #tpu.memory_space<vmem_shared>>
    tpu.enqueue_indirect_dma source(%arg10 : memref<128x128xf32, #tpu.memory_space<vmem>>) target(%dma_start3A_46 : memref<10112x128xf32, #tpu.memory_space<vmem_shared>>) offsets(%dma_start3A_43 : memref<128xi32, #tpu.memory_space<vmem>>) semaphore(%arg14 : memref<!tpu.dma_semaphore, #tpu.memory_space<semaphore_mem>>) {add = true}
    %dma_wait3A_47 = arith.constant 38 : i32
    %dma_wait3A_48 = arith.constant 0 : i32
    %dma_wait3A_49 = tpu.memref_slice %arg8[%dma_wait3A_47, %dma_wait3A_48] : memref<40x128xi32, #tpu.memory_space<vmem>> -> memref<1x128xi32, #tpu.memory_space<vmem>>
    %dma_wait3A_50 = tpu.memref_squeeze %dma_wait3A_49 : memref<1x128xi32, #tpu.memory_space<vmem>> -> memref<128xi32, #tpu.memory_space<vmem>>
    %dma_wait3A_51 = arith.constant 0 : i32
    %dma_wait3A_52 = arith.constant 0 : i32
    %dma_wait3A_53 = tpu.memref_slice %arg16[%dma_wait3A_51, %dma_wait3A_52] : memref<10112x128xf32, #tpu.memory_space<vmem_shared>> -> memref<10112x128xf32, #tpu.memory_space<vmem_shared>>
    tpu.wait_indirect_dma semaphore(%arg13 : memref<!tpu.dma_semaphore, #tpu.memory_space<semaphore_mem>>) src(%arg9 : memref<128x128xf32, #tpu.memory_space<vmem>>) dst(%dma_wait3A_53 : memref<10112x128xf32, #tpu.memory_space<vmem_shared>>)
    %dma_wait3A_54 = arith.constant 39 : i32
    %dma_wait3A_55 = arith.constant 0 : i32
    %dma_wait3A_56 = tpu.memref_slice %arg8[%dma_wait3A_54, %dma_wait3A_55] : memref<40x128xi32, #tpu.memory_space<vmem>> -> memref<1x128xi32, #tpu.memory_space<vmem>>
    %dma_wait3A_57 = tpu.memref_squeeze %dma_wait3A_56 : memref<1x128xi32, #tpu.memory_space<vmem>> -> memref<128xi32, #tpu.memory_space<vmem>>
    %dma_wait3A_58 = arith.constant 0 : i32
    %dma_wait3A_59 = arith.constant 0 : i32
    %dma_wait3A_60 = tpu.memref_slice %arg16[%dma_wait3A_58, %dma_wait3A_59] : memref<10112x128xf32, #tpu.memory_space<vmem_shared>> -> memref<10112x128xf32, #tpu.memory_space<vmem_shared>>
    tpu.wait_indirect_dma semaphore(%arg14 : memref<!tpu.dma_semaphore, #tpu.memory_space<semaphore_mem>>) src(%arg10 : memref<128x128xf32, #tpu.memory_space<vmem>>) dst(%dma_wait3A_60 : memref<10112x128xf32, #tpu.memory_space<vmem_shared>>)
    "tpu.region"() ({
      %run_scoped3A = tpu.sem_alloc : memref<!tpu.dma_semaphore, #tpu.memory_space<semaphore_mem>>
      %dma_start3A_135 = arith.constant 40 : i32
      %dma_start3A_136 = arith.constant 0 : i32
      %dma_start3A_137 = tpu.memref_slice %arg3[%add3A, %dma_start3A_135, %dma_start3A_136] : memref<32x80x128xi32, #tpu.memory_space<hbm>> -> memref<1x40x128xi32, #tpu.memory_space<hbm>>
      %dma_start3A_138 = tpu.memref_squeeze %dma_start3A_137 : memref<1x40x128xi32, #tpu.memory_space<hbm>> -> memref<40x128xi32, #tpu.memory_space<hbm>>
      %dma_start3A_139 = arith.constant 40 : i32
      %dma_start3A_140 = arith.constant 0 : i32
      %dma_start3A_141 = tpu.memref_slice %arg3[%add3A, %dma_start3A_139, %dma_start3A_140] : memref<32x80x128xi32, #tpu.memory_space<hbm>> -> memref<1x40x128xi32, #tpu.memory_space<hbm>>
      %dma_start3A_142 = tpu.memref_squeeze %dma_start3A_141 : memref<1x40x128xi32, #tpu.memory_space<hbm>> -> memref<40x128xi32, #tpu.memory_space<hbm>>
      tpu.enqueue_dma source(%dma_start3A_142 : memref<40x128xi32, #tpu.memory_space<hbm>>) target(%arg7 : memref<40x128xi32, #tpu.memory_space<vmem>>) target_semaphore(%run_scoped3A : memref<!tpu.dma_semaphore, #tpu.memory_space<semaphore_mem>>)
      %dma_wait3A_143 = arith.constant 40 : i32
      %dma_wait3A_144 = arith.constant 0 : i32
      %dma_wait3A_145 = tpu.memref_slice %arg3[%add3A, %dma_wait3A_143, %dma_wait3A_144] : memref<32x80x128xi32, #tpu.memory_space<hbm>> -> memref<1x40x128xi32, #tpu.memory_space<hbm>>
      %dma_wait3A_146 = tpu.memref_squeeze %dma_wait3A_145 : memref<1x40x128xi32, #tpu.memory_space<hbm>> -> memref<40x128xi32, #tpu.memory_space<hbm>>
      %dma_wait3A_147 = arith.constant 40 : i32
      %dma_wait3A_148 = arith.constant 0 : i32
      %dma_wait3A_149 = tpu.memref_slice %arg3[%add3A, %dma_wait3A_147, %dma_wait3A_148] : memref<32x80x128xi32, #tpu.memory_space<hbm>> -> memref<1x40x128xi32, #tpu.memory_space<hbm>>
      %dma_wait3A_150 = tpu.memref_squeeze %dma_wait3A_149 : memref<1x40x128xi32, #tpu.memory_space<hbm>> -> memref<40x128xi32, #tpu.memory_space<hbm>>
      tpu.wait_dma2 semaphore(%run_scoped3A : memref<!tpu.dma_semaphore, #tpu.memory_space<semaphore_mem>>) src(%dma_wait3A_150 : memref<40x128xi32, #tpu.memory_space<hbm>>) dst(%arg7 : memref<40x128xi32, #tpu.memory_space<vmem>>)
      tpu.yield
    }) : () -> ()
    "tpu.region"() ({
      %run_scoped3A = tpu.sem_alloc : memref<!tpu.dma_semaphore, #tpu.memory_space<semaphore_mem>>
      %dma_start3A_135 = arith.constant 40 : i32
      %dma_start3A_136 = arith.constant 0 : i32
      %dma_start3A_137 = tpu.memref_slice %arg4[%add3A, %dma_start3A_135, %dma_start3A_136] : memref<32x80x128xi32, #tpu.memory_space<hbm>> -> memref<1x40x128xi32, #tpu.memory_space<hbm>>
      %dma_start3A_138 = tpu.memref_squeeze %dma_start3A_137 : memref<1x40x128xi32, #tpu.memory_space<hbm>> -> memref<40x128xi32, #tpu.memory_space<hbm>>
      %dma_start3A_139 = arith.constant 40 : i32
      %dma_start3A_140 = arith.constant 0 : i32
      %dma_start3A_141 = tpu.memref_slice %arg4[%add3A, %dma_start3A_139, %dma_start3A_140] : memref<32x80x128xi32, #tpu.memory_space<hbm>> -> memref<1x40x128xi32, #tpu.memory_space<hbm>>
      %dma_start3A_142 = tpu.memref_squeeze %dma_start3A_141 : memref<1x40x128xi32, #tpu.memory_space<hbm>> -> memref<40x128xi32, #tpu.memory_space<hbm>>
      tpu.enqueue_dma source(%dma_start3A_142 : memref<40x128xi32, #tpu.memory_space<hbm>>) target(%arg8 : memref<40x128xi32, #tpu.memory_space<vmem>>) target_semaphore(%run_scoped3A : memref<!tpu.dma_semaphore, #tpu.memory_space<semaphore_mem>>)
      %dma_wait3A_143 = arith.constant 40 : i32
      %dma_wait3A_144 = arith.constant 0 : i32
      %dma_wait3A_145 = tpu.memref_slice %arg4[%add3A, %dma_wait3A_143, %dma_wait3A_144] : memref<32x80x128xi32, #tpu.memory_space<hbm>> -> memref<1x40x128xi32, #tpu.memory_space<hbm>>
      %dma_wait3A_146 = tpu.memref_squeeze %dma_wait3A_145 : memref<1x40x128xi32, #tpu.memory_space<hbm>> -> memref<40x128xi32, #tpu.memory_space<hbm>>
      %dma_wait3A_147 = arith.constant 40 : i32
      %dma_wait3A_148 = arith.constant 0 : i32
      %dma_wait3A_149 = tpu.memref_slice %arg4[%add3A, %dma_wait3A_147, %dma_wait3A_148] : memref<32x80x128xi32, #tpu.memory_space<hbm>> -> memref<1x40x128xi32, #tpu.memory_space<hbm>>
      %dma_wait3A_150 = tpu.memref_squeeze %dma_wait3A_149 : memref<1x40x128xi32, #tpu.memory_space<hbm>> -> memref<40x128xi32, #tpu.memory_space<hbm>>
      tpu.wait_dma2 semaphore(%run_scoped3A : memref<!tpu.dma_semaphore, #tpu.memory_space<semaphore_mem>>) src(%dma_wait3A_150 : memref<40x128xi32, #tpu.memory_space<hbm>>) dst(%arg8 : memref<40x128xi32, #tpu.memory_space<vmem>>)
      tpu.yield
    }) : () -> ()
    %dma_start3A_61 = arith.constant 0 : i32
    %dma_start3A_62 = arith.constant 0 : i32
    %dma_start3A_63 = tpu.memref_slice %arg7[%dma_start3A_61, %dma_start3A_62] : memref<40x128xi32, #tpu.memory_space<vmem>> -> memref<1x128xi32, #tpu.memory_space<vmem>>
    %dma_start3A_64 = tpu.memref_squeeze %dma_start3A_63 : memref<1x128xi32, #tpu.memory_space<vmem>> -> memref<128xi32, #tpu.memory_space<vmem>>
    %dma_start3A_65 = arith.constant 0 : i32
    %dma_start3A_66 = arith.constant 0 : i32
    %dma_start3A_67 = tpu.memref_slice %arg2[%dma_start3A_65, %dma_start3A_66] : memref<10000x128xf32, #tpu.memory_space<hbm>> -> memref<10000x128xf32, #tpu.memory_space<hbm>>
    tpu.enqueue_indirect_dma source(%dma_start3A_67 : memref<10000x128xf32, #tpu.memory_space<hbm>>) target(%arg9 : memref<128x128xf32, #tpu.memory_space<vmem>>) offsets(%dma_start3A_64 : memref<128xi32, #tpu.memory_space<vmem>>) semaphore(%arg11 : memref<!tpu.dma_semaphore, #tpu.memory_space<semaphore_mem>>)
    %dma_start3A_68 = arith.constant 1 : i32
    %dma_start3A_69 = arith.constant 0 : i32
    %dma_start3A_70 = tpu.memref_slice %arg7[%dma_start3A_68, %dma_start3A_69] : memref<40x128xi32, #tpu.memory_space<vmem>> -> memref<1x128xi32, #tpu.memory_space<vmem>>
    %dma_start3A_71 = tpu.memref_squeeze %dma_start3A_70 : memref<1x128xi32, #tpu.memory_space<vmem>> -> memref<128xi32, #tpu.memory_space<vmem>>
    %dma_start3A_72 = arith.constant 0 : i32
    %dma_start3A_73 = arith.constant 0 : i32
    %dma_start3A_74 = tpu.memref_slice %arg2[%dma_start3A_72, %dma_start3A_73] : memref<10000x128xf32, #tpu.memory_space<hbm>> -> memref<10000x128xf32, #tpu.memory_space<hbm>>
    tpu.enqueue_indirect_dma source(%dma_start3A_74 : memref<10000x128xf32, #tpu.memory_space<hbm>>) target(%arg10 : memref<128x128xf32, #tpu.memory_space<vmem>>) offsets(%dma_start3A_71 : memref<128xi32, #tpu.memory_space<vmem>>) semaphore(%arg12 : memref<!tpu.dma_semaphore, #tpu.memory_space<semaphore_mem>>)
    %scan3A_75 = arith.constant 0 : i32
    %scan3A_76 = arith.constant 19 : i32
    %scan3A_77 = arith.addi %scan3A_75, %scan3A_76 : i32
    %scan3A_78 = arith.constant 1 : i32
    scf.for %scan3A_135 = %scan3A_75 to %scan3A_77 step %scan3A_78  : i32 {
      %mul3A_136 = arith.constant 1 : i32
      %mul3A_137 = arith.muli %scan3A_135, %mul3A_136 : i32
      %add3A_138 = arith.constant 0 : i32
      %add3A_139 = arith.addi %add3A_138, %mul3A_137 : i32
      %mul3A_140 = arith.constant 2 : i32
      %mul3A_141 = arith.muli %add3A_139, %mul3A_140 : i32
      %add3A_142 = arith.constant 0 : i32
      %add3A_143 = arith.addi %mul3A_141, %add3A_142 : i32
      %dma_wait3A_144 = arith.constant 0 : i32
      %dma_wait3A_145 = tpu.memref_slice %arg7[%add3A_143, %dma_wait3A_144] : memref<40x128xi32, #tpu.memory_space<vmem>> -> memref<1x128xi32, #tpu.memory_space<vmem>>
      %dma_wait3A_146 = tpu.memref_squeeze %dma_wait3A_145 : memref<1x128xi32, #tpu.memory_space<vmem>> -> memref<128xi32, #tpu.memory_space<vmem>>
      %dma_wait3A_147 = arith.constant 0 : i32
      %dma_wait3A_148 = arith.constant 0 : i32
      %dma_wait3A_149 = tpu.memref_slice %arg2[%dma_wait3A_147, %dma_wait3A_148] : memref<10000x128xf32, #tpu.memory_space<hbm>> -> memref<10000x128xf32, #tpu.memory_space<hbm>>
      tpu.wait_indirect_dma semaphore(%arg11 : memref<!tpu.dma_semaphore, #tpu.memory_space<semaphore_mem>>) src(%dma_wait3A_149 : memref<10000x128xf32, #tpu.memory_space<hbm>>) dst(%arg9 : memref<128x128xf32, #tpu.memory_space<vmem>>)
      %dma_start3A_150 = arith.constant 0 : i32
      %dma_start3A_151 = tpu.memref_slice %arg8[%add3A_143, %dma_start3A_150] : memref<40x128xi32, #tpu.memory_space<vmem>> -> memref<1x128xi32, #tpu.memory_space<vmem>>
      %dma_start3A_152 = tpu.memref_squeeze %dma_start3A_151 : memref<1x128xi32, #tpu.memory_space<vmem>> -> memref<128xi32, #tpu.memory_space<vmem>>
      %dma_start3A_153 = arith.constant 0 : i32
      %dma_start3A_154 = arith.constant 0 : i32
      %dma_start3A_155 = tpu.memref_slice %arg16[%dma_start3A_153, %dma_start3A_154] : memref<10112x128xf32, #tpu.memory_space<vmem_shared>> -> memref<10112x128xf32, #tpu.memory_space<vmem_shared>>
      tpu.enqueue_indirect_dma source(%arg9 : memref<128x128xf32, #tpu.memory_space<vmem>>) target(%dma_start3A_155 : memref<10112x128xf32, #tpu.memory_space<vmem_shared>>) offsets(%dma_start3A_152 : memref<128xi32, #tpu.memory_space<vmem>>) semaphore(%arg13 : memref<!tpu.dma_semaphore, #tpu.memory_space<semaphore_mem>>) {add = true}
      %mul3A_156 = arith.constant 2 : i32
      %mul3A_157 = arith.muli %add3A_139, %mul3A_156 : i32
      %add3A_158 = arith.constant 1 : i32
      %add3A_159 = arith.addi %mul3A_157, %add3A_158 : i32
      %dma_wait3A_160 = arith.constant 0 : i32
      %dma_wait3A_161 = tpu.memref_slice %arg7[%add3A_159, %dma_wait3A_160] : memref<40x128xi32, #tpu.memory_space<vmem>> -> memref<1x128xi32, #tpu.memory_space<vmem>>
      %dma_wait3A_162 = tpu.memref_squeeze %dma_wait3A_161 : memref<1x128xi32, #tpu.memory_space<vmem>> -> memref<128xi32, #tpu.memory_space<vmem>>
      %dma_wait3A_163 = arith.constant 0 : i32
      %dma_wait3A_164 = arith.constant 0 : i32
      %dma_wait3A_165 = tpu.memref_slice %arg2[%dma_wait3A_163, %dma_wait3A_164] : memref<10000x128xf32, #tpu.memory_space<hbm>> -> memref<10000x128xf32, #tpu.memory_space<hbm>>
      tpu.wait_indirect_dma semaphore(%arg12 : memref<!tpu.dma_semaphore, #tpu.memory_space<semaphore_mem>>) src(%dma_wait3A_165 : memref<10000x128xf32, #tpu.memory_space<hbm>>) dst(%arg10 : memref<128x128xf32, #tpu.memory_space<vmem>>)
      %dma_start3A_166 = arith.constant 0 : i32
      %dma_start3A_167 = tpu.memref_slice %arg8[%add3A_159, %dma_start3A_166] : memref<40x128xi32, #tpu.memory_space<vmem>> -> memref<1x128xi32, #tpu.memory_space<vmem>>
      %dma_start3A_168 = tpu.memref_squeeze %dma_start3A_167 : memref<1x128xi32, #tpu.memory_space<vmem>> -> memref<128xi32, #tpu.memory_space<vmem>>
      %dma_start3A_169 = arith.constant 0 : i32
      %dma_start3A_170 = arith.constant 0 : i32
      %dma_start3A_171 = tpu.memref_slice %arg16[%dma_start3A_169, %dma_start3A_170] : memref<10112x128xf32, #tpu.memory_space<vmem_shared>> -> memref<10112x128xf32, #tpu.memory_space<vmem_shared>>
      tpu.enqueue_indirect_dma source(%arg10 : memref<128x128xf32, #tpu.memory_space<vmem>>) target(%dma_start3A_171 : memref<10112x128xf32, #tpu.memory_space<vmem_shared>>) offsets(%dma_start3A_168 : memref<128xi32, #tpu.memory_space<vmem>>) semaphore(%arg14 : memref<!tpu.dma_semaphore, #tpu.memory_space<semaphore_mem>>) {add = true}
      %mul3A_172 = arith.constant 2 : i32
      %mul3A_173 = arith.muli %add3A_139, %mul3A_172 : i32
      %add3A_174 = arith.constant 0 : i32
      %add3A_175 = arith.addi %mul3A_173, %add3A_174 : i32
      %dma_wait3A_176 = arith.constant 0 : i32
      %dma_wait3A_177 = tpu.memref_slice %arg8[%add3A_175, %dma_wait3A_176] : memref<40x128xi32, #tpu.memory_space<vmem>> -> memref<1x128xi32, #tpu.memory_space<vmem>>
      %dma_wait3A_178 = tpu.memref_squeeze %dma_wait3A_177 : memref<1x128xi32, #tpu.memory_space<vmem>> -> memref<128xi32, #tpu.memory_space<vmem>>
      %dma_wait3A_179 = arith.constant 0 : i32
      %dma_wait3A_180 = arith.constant 0 : i32
      %dma_wait3A_181 = tpu.memref_slice %arg16[%dma_wait3A_179, %dma_wait3A_180] : memref<10112x128xf32, #tpu.memory_space<vmem_shared>> -> memref<10112x128xf32, #tpu.memory_space<vmem_shared>>
      tpu.wait_indirect_dma semaphore(%arg13 : memref<!tpu.dma_semaphore, #tpu.memory_space<semaphore_mem>>) src(%arg9 : memref<128x128xf32, #tpu.memory_space<vmem>>) dst(%dma_wait3A_181 : memref<10112x128xf32, #tpu.memory_space<vmem_shared>>)
      %add3A_182 = arith.constant 2 : i32
      %add3A_183 = arith.addi %add3A_175, %add3A_182 : i32
      %dma_start3A_184 = arith.constant 0 : i32
      %dma_start3A_185 = tpu.memref_slice %arg7[%add3A_183, %dma_start3A_184] : memref<40x128xi32, #tpu.memory_space<vmem>> -> memref<1x128xi32, #tpu.memory_space<vmem>>
      %dma_start3A_186 = tpu.memref_squeeze %dma_start3A_185 : memref<1x128xi32, #tpu.memory_space<vmem>> -> memref<128xi32, #tpu.memory_space<vmem>>
      %dma_start3A_187 = arith.constant 0 : i32
      %dma_start3A_188 = arith.constant 0 : i32
      %dma_start3A_189 = tpu.memref_slice %arg2[%dma_start3A_187, %dma_start3A_188] : memref<10000x128xf32, #tpu.memory_space<hbm>> -> memref<10000x128xf32, #tpu.memory_space<hbm>>
      tpu.enqueue_indirect_dma source(%dma_start3A_189 : memref<10000x128xf32, #tpu.memory_space<hbm>>) target(%arg9 : memref<128x128xf32, #tpu.memory_space<vmem>>) offsets(%dma_start3A_186 : memref<128xi32, #tpu.memory_space<vmem>>) semaphore(%arg11 : memref<!tpu.dma_semaphore, #tpu.memory_space<semaphore_mem>>)
      %mul3A_190 = arith.constant 2 : i32
      %mul3A_191 = arith.muli %add3A_139, %mul3A_190 : i32
      %add3A_192 = arith.constant 1 : i32
      %add3A_193 = arith.addi %mul3A_191, %add3A_192 : i32
      %dma_wait3A_194 = arith.constant 0 : i32
      %dma_wait3A_195 = tpu.memref_slice %arg8[%add3A_193, %dma_wait3A_194] : memref<40x128xi32, #tpu.memory_space<vmem>> -> memref<1x128xi32, #tpu.memory_space<vmem>>
      %dma_wait3A_196 = tpu.memref_squeeze %dma_wait3A_195 : memref<1x128xi32, #tpu.memory_space<vmem>> -> memref<128xi32, #tpu.memory_space<vmem>>
      %dma_wait3A_197 = arith.constant 0 : i32
      %dma_wait3A_198 = arith.constant 0 : i32
      %dma_wait3A_199 = tpu.memref_slice %arg16[%dma_wait3A_197, %dma_wait3A_198] : memref<10112x128xf32, #tpu.memory_space<vmem_shared>> -> memref<10112x128xf32, #tpu.memory_space<vmem_shared>>
      tpu.wait_indirect_dma semaphore(%arg14 : memref<!tpu.dma_semaphore, #tpu.memory_space<semaphore_mem>>) src(%arg10 : memref<128x128xf32, #tpu.memory_space<vmem>>) dst(%dma_wait3A_199 : memref<10112x128xf32, #tpu.memory_space<vmem_shared>>)
      %add3A_200 = arith.constant 2 : i32
      %add3A_201 = arith.addi %add3A_193, %add3A_200 : i32
      %dma_start3A_202 = arith.constant 0 : i32
      %dma_start3A_203 = tpu.memref_slice %arg7[%add3A_201, %dma_start3A_202] : memref<40x128xi32, #tpu.memory_space<vmem>> -> memref<1x128xi32, #tpu.memory_space<vmem>>
      %dma_start3A_204 = tpu.memref_squeeze %dma_start3A_203 : memref<1x128xi32, #tpu.memory_space<vmem>> -> memref<128xi32, #tpu.memory_space<vmem>>
      %dma_start3A_205 = arith.constant 0 : i32
      %dma_start3A_206 = arith.constant 0 : i32
      %dma_start3A_207 = tpu.memref_slice %arg2[%dma_start3A_205, %dma_start3A_206] : memref<10000x128xf32, #tpu.memory_space<hbm>> -> memref<10000x128xf32, #tpu.memory_space<hbm>>
      tpu.enqueue_indirect_dma source(%dma_start3A_207 : memref<10000x128xf32, #tpu.memory_space<hbm>>) target(%arg10 : memref<128x128xf32, #tpu.memory_space<vmem>>) offsets(%dma_start3A_204 : memref<128xi32, #tpu.memory_space<vmem>>) semaphore(%arg12 : memref<!tpu.dma_semaphore, #tpu.memory_space<semaphore_mem>>)
    }
    %scan3A_79 = arith.constant 19 : i32
    %dma_wait3A_80 = arith.constant 38 : i32
    %dma_wait3A_81 = arith.constant 0 : i32
    %dma_wait3A_82 = tpu.memref_slice %arg7[%dma_wait3A_80, %dma_wait3A_81] : memref<40x128xi32, #tpu.memory_space<vmem>> -> memref<1x128xi32, #tpu.memory_space<vmem>>
    %dma_wait3A_83 = tpu.memref_squeeze %dma_wait3A_82 : memref<1x128xi32, #tpu.memory_space<vmem>> -> memref<128xi32, #tpu.memory_space<vmem>>
    %dma_wait3A_84 = arith.constant 0 : i32
    %dma_wait3A_85 = arith.constant 0 : i32
    %dma_wait3A_86 = tpu.memref_slice %arg2[%dma_wait3A_84, %dma_wait3A_85] : memref<10000x128xf32, #tpu.memory_space<hbm>> -> memref<10000x128xf32, #tpu.memory_space<hbm>>
    tpu.wait_indirect_dma semaphore(%arg11 : memref<!tpu.dma_semaphore, #tpu.memory_space<semaphore_mem>>) src(%dma_wait3A_86 : memref<10000x128xf32, #tpu.memory_space<hbm>>) dst(%arg9 : memref<128x128xf32, #tpu.memory_space<vmem>>)
    %dma_start3A_87 = arith.constant 38 : i32
    %dma_start3A_88 = arith.constant 0 : i32
    %dma_start3A_89 = tpu.memref_slice %arg8[%dma_start3A_87, %dma_start3A_88] : memref<40x128xi32, #tpu.memory_space<vmem>> -> memref<1x128xi32, #tpu.memory_space<vmem>>
    %dma_start3A_90 = tpu.memref_squeeze %dma_start3A_89 : memref<1x128xi32, #tpu.memory_space<vmem>> -> memref<128xi32, #tpu.memory_space<vmem>>
    %dma_start3A_91 = arith.constant 0 : i32
    %dma_start3A_92 = arith.constant 0 : i32
    %dma_start3A_93 = tpu.memref_slice %arg16[%dma_start3A_91, %dma_start3A_92] : memref<10112x128xf32, #tpu.memory_space<vmem_shared>> -> memref<10112x128xf32, #tpu.memory_space<vmem_shared>>
    tpu.enqueue_indirect_dma source(%arg9 : memref<128x128xf32, #tpu.memory_space<vmem>>) target(%dma_start3A_93 : memref<10112x128xf32, #tpu.memory_space<vmem_shared>>) offsets(%dma_start3A_90 : memref<128xi32, #tpu.memory_space<vmem>>) semaphore(%arg13 : memref<!tpu.dma_semaphore, #tpu.memory_space<semaphore_mem>>) {add = true}
    %dma_wait3A_94 = arith.constant 39 : i32
    %dma_wait3A_95 = arith.constant 0 : i32
    %dma_wait3A_96 = tpu.memref_slice %arg7[%dma_wait3A_94, %dma_wait3A_95] : memref<40x128xi32, #tpu.memory_space<vmem>> -> memref<1x128xi32, #tpu.memory_space<vmem>>
    %dma_wait3A_97 = tpu.memref_squeeze %dma_wait3A_96 : memref<1x128xi32, #tpu.memory_space<vmem>> -> memref<128xi32, #tpu.memory_space<vmem>>
    %dma_wait3A_98 = arith.constant 0 : i32
    %dma_wait3A_99 = arith.constant 0 : i32
    %dma_wait3A_100 = tpu.memref_slice %arg2[%dma_wait3A_98, %dma_wait3A_99] : memref<10000x128xf32, #tpu.memory_space<hbm>> -> memref<10000x128xf32, #tpu.memory_space<hbm>>
    tpu.wait_indirect_dma semaphore(%arg12 : memref<!tpu.dma_semaphore, #tpu.memory_space<semaphore_mem>>) src(%dma_wait3A_100 : memref<10000x128xf32, #tpu.memory_space<hbm>>) dst(%arg10 : memref<128x128xf32, #tpu.memory_space<vmem>>)
    %dma_start3A_101 = arith.constant 39 : i32
    %dma_start3A_102 = arith.constant 0 : i32
    %dma_start3A_103 = tpu.memref_slice %arg8[%dma_start3A_101, %dma_start3A_102] : memref<40x128xi32, #tpu.memory_space<vmem>> -> memref<1x128xi32, #tpu.memory_space<vmem>>
    %dma_start3A_104 = tpu.memref_squeeze %dma_start3A_103 : memref<1x128xi32, #tpu.memory_space<vmem>> -> memref<128xi32, #tpu.memory_space<vmem>>
    %dma_start3A_105 = arith.constant 0 : i32
    %dma_start3A_106 = arith.constant 0 : i32
    %dma_start3A_107 = tpu.memref_slice %arg16[%dma_start3A_105, %dma_start3A_106] : memref<10112x128xf32, #tpu.memory_space<vmem_shared>> -> memref<10112x128xf32, #tpu.memory_space<vmem_shared>>
    tpu.enqueue_indirect_dma source(%arg10 : memref<128x128xf32, #tpu.memory_space<vmem>>) target(%dma_start3A_107 : memref<10112x128xf32, #tpu.memory_space<vmem_shared>>) offsets(%dma_start3A_104 : memref<128xi32, #tpu.memory_space<vmem>>) semaphore(%arg14 : memref<!tpu.dma_semaphore, #tpu.memory_space<semaphore_mem>>) {add = true}
    %dma_wait3A_108 = arith.constant 38 : i32
    %dma_wait3A_109 = arith.constant 0 : i32
    %dma_wait3A_110 = tpu.memref_slice %arg8[%dma_wait3A_108, %dma_wait3A_109] : memref<40x128xi32, #tpu.memory_space<vmem>> -> memref<1x128xi32, #tpu.memory_space<vmem>>
    %dma_wait3A_111 = tpu.memref_squeeze %dma_wait3A_110 : memref<1x128xi32, #tpu.memory_space<vmem>> -> memref<128xi32, #tpu.memory_space<vmem>>
    %dma_wait3A_112 = arith.constant 0 : i32
    %dma_wait3A_113 = arith.constant 0 : i32
    %dma_wait3A_114 = tpu.memref_slice %arg16[%dma_wait3A_112, %dma_wait3A_113] : memref<10112x128xf32, #tpu.memory_space<vmem_shared>> -> memref<10112x128xf32, #tpu.memory_space<vmem_shared>>
    tpu.wait_indirect_dma semaphore(%arg13 : memref<!tpu.dma_semaphore, #tpu.memory_space<semaphore_mem>>) src(%arg9 : memref<128x128xf32, #tpu.memory_space<vmem>>) dst(%dma_wait3A_114 : memref<10112x128xf32, #tpu.memory_space<vmem_shared>>)
    %dma_wait3A_115 = arith.constant 39 : i32
    %dma_wait3A_116 = arith.constant 0 : i32
    %dma_wait3A_117 = tpu.memref_slice %arg8[%dma_wait3A_115, %dma_wait3A_116] : memref<40x128xi32, #tpu.memory_space<vmem>> -> memref<1x128xi32, #tpu.memory_space<vmem>>
    %dma_wait3A_118 = tpu.memref_squeeze %dma_wait3A_117 : memref<1x128xi32, #tpu.memory_space<vmem>> -> memref<128xi32, #tpu.memory_space<vmem>>
    %dma_wait3A_119 = arith.constant 0 : i32
    %dma_wait3A_120 = arith.constant 0 : i32
    %dma_wait3A_121 = tpu.memref_slice %arg16[%dma_wait3A_119, %dma_wait3A_120] : memref<10112x128xf32, #tpu.memory_space<vmem_shared>> -> memref<10112x128xf32, #tpu.memory_space<vmem_shared>>
    tpu.wait_indirect_dma semaphore(%arg14 : memref<!tpu.dma_semaphore, #tpu.memory_space<semaphore_mem>>) src(%arg10 : memref<128x128xf32, #tpu.memory_space<vmem>>) dst(%dma_wait3A_121 : memref<10112x128xf32, #tpu.memory_space<vmem_shared>>)
    %barrier3A_122 = arith.constant 0 : index
    tpu.barrier barrier_id(%barrier3A_122)
    %mul3A_123 = arith.constant 632 : i32
    %mul3A_124 = arith.muli %arg1, %mul3A_123 : i32
    %dma_start3A_125 = arith.constant 0 : i32
    %dma_start3A_126 = tpu.memref_slice %arg6[%arg0, %mul3A_124, %dma_start3A_125] : memref<2x10112x128xf32, #tpu.memory_space<hbm>> -> memref<1x632x128xf32, #tpu.memory_space<hbm>>
    %dma_start3A_127 = tpu.memref_squeeze %dma_start3A_126 : memref<1x632x128xf32, #tpu.memory_space<hbm>> -> memref<632x128xf32, #tpu.memory_space<hbm>>
    %dma_start3A_128 = arith.constant 0 : i32
    %dma_start3A_129 = tpu.memref_slice %arg16[%mul3A_124, %dma_start3A_128] : memref<10112x128xf32, #tpu.memory_space<vmem_shared>> -> memref<632x128xf32, #tpu.memory_space<vmem_shared>>
    tpu.enqueue_dma source(%dma_start3A_129 : memref<632x128xf32, #tpu.memory_space<vmem_shared>>) target(%dma_start3A_127 : memref<632x128xf32, #tpu.memory_space<hbm>>) target_semaphore(%arg15 : memref<!tpu.dma_semaphore, #tpu.memory_space<semaphore_mem>>)
    %dma_wait3A_130 = arith.constant 0 : i32
    %dma_wait3A_131 = tpu.memref_slice %arg6[%arg0, %mul3A_124, %dma_wait3A_130] : memref<2x10112x128xf32, #tpu.memory_space<hbm>> -> memref<1x632x128xf32, #tpu.memory_space<hbm>>
    %dma_wait3A_132 = tpu.memref_squeeze %dma_wait3A_131 : memref<1x632x128xf32, #tpu.memory_space<hbm>> -> memref<632x128xf32, #tpu.memory_space<hbm>>
    %dma_wait3A_133 = arith.constant 0 : i32
    %dma_wait3A_134 = tpu.memref_slice %arg16[%mul3A_124, %dma_wait3A_133] : memref<10112x128xf32, #tpu.memory_space<vmem_shared>> -> memref<632x128xf32, #tpu.memory_space<vmem_shared>>
    tpu.wait_dma2 semaphore(%arg15 : memref<!tpu.dma_semaphore, #tpu.memory_space<semaphore_mem>>) src(%dma_wait3A_134 : memref<632x128xf32, #tpu.memory_space<vmem_shared>>) dst(%dma_wait3A_132 : memref<632x128xf32, #tpu.memory_space<hbm>>)
    return
  }
}

module attributes {stable_mosaic.version = 14 : i64} {
  func.func @_tc_prep_body(%arg0: i32, %arg1: memref<2000x128xf32, #tpu.memory_space<vmem>>, %arg2: memref<2x2000x16xf32, #tpu.memory_space<vmem>>, %arg3: memref<2000x128xf32, #tpu.memory_space<vmem>>, %arg4: memref<2000x16xf32, #tpu.memory_space<vmem>>) attributes {dimension_semantics = [#tpu.dimension_semantics<arbitrary>], iteration_bounds = array<i64: 5>, scalar_prefetch = 0 : i64, scratch_operands = 0 : i64, tpu.core_type = #tpu.core_type<tc>, window_params = [{transform_indices = @transform_0, window_bounds = array<i64: 2000, 128>}, {transform_indices = @transform_1, window_bounds = array<i64: 2, 2000, 16>}, {transform_indices = @transform_2, window_bounds = array<i64: 2000, 128>}, {transform_indices = @transform_3, window_bounds = array<i64: 2000, 16>}]} {
    %get3A = arith.constant 0 : index
    %get3A_0 = arith.constant 0 : index
    %get3A_1 = arith.constant 0 : index
    %get3A_2 = vector.load %arg2[%get3A, %get3A_0, %get3A_1] : memref<2x2000x16xf32, #tpu.memory_space<vmem>>, vector<1x2000x16xf32>
    %get3A_3 = vector.shape_cast %get3A_2 : vector<1x2000x16xf32> to vector<2000x16xf32>
    %get3A_4 = arith.constant 1 : index
    %get3A_5 = arith.constant 0 : index
    %get3A_6 = arith.constant 0 : index
    %get3A_7 = vector.load %arg2[%get3A_4, %get3A_5, %get3A_6] : memref<2x2000x16xf32, #tpu.memory_space<vmem>>, vector<1x2000x16xf32>
    %get3A_8 = vector.shape_cast %get3A_7 : vector<1x2000x16xf32> to vector<2000x16xf32>
    %add3A = arith.addf %get3A_3, %get3A_8 : vector<2000x16xf32>
    %add3A_9 = arith.constant 1.000000e+00 : f32
    %add3A_10 = vector.broadcast %add3A_9 : f32 to vector<2000x16xf32>
    %add3A_11 = arith.addf %add3A, %add3A_10 : vector<2000x16xf32>
    %sqrt3A = math.sqrt %add3A_11 : vector<2000x16xf32>
    %div3A = arith.constant 1.000000e+00 : f32
    %div3A_12 = vector.broadcast %div3A : f32 to vector<2000x16xf32>
    %div3A_13 = arith.divf %div3A_12, %sqrt3A : vector<2000x16xf32>
    %get3A_14 = arith.constant 0 : index
    %get3A_15 = arith.constant 0 : index
    %get3A_16 = vector.load %arg1[%get3A_14, %get3A_15] : memref<2000x128xf32, #tpu.memory_space<vmem>>, vector<2000x128xf32>
    %mul3A = arith.mulf %get3A_16, %get3A_16 : vector<2000x128xf32>
    %div3A_17 = arith.divf %mul3A, %get3A_16 : vector<2000x128xf32>
    %slice3A = vector.extract_strided_slice %div3A_13 {offsets = [0, 0], sizes = [2000, 1], strides = [1, 1]} : vector<2000x16xf32> to vector<2000x1xf32>
    %mul3A_18 = vector.broadcast %slice3A : vector<2000x1xf32> to vector<2000x128xf32>
    %mul3A_19 = arith.mulf %div3A_17, %mul3A_18 : vector<2000x128xf32>
    %swap3A = arith.constant 0 : index
    %swap3A_20 = arith.constant 0 : index
    %swap3A_21 = vector.load %arg3[%swap3A, %swap3A_20] : memref<2000x128xf32, #tpu.memory_space<vmem>>, vector<2000x128xf32>
    tpu.vector_store %arg3[%swap3A, %swap3A_20], %mul3A_19 {strides = array<i32>} : memref<2000x128xf32, #tpu.memory_space<vmem>>, vector<2000x128xf32>,
    %swap3A_22 = arith.constant 0 : index
    %swap3A_23 = arith.constant 0 : index
    %swap3A_24 = vector.load %arg4[%swap3A_22, %swap3A_23] : memref<2000x16xf32, #tpu.memory_space<vmem>>, vector<2000x16xf32>
    tpu.vector_store %arg4[%swap3A_22, %swap3A_23], %div3A_13 {strides = array<i32>} : memref<2000x16xf32, #tpu.memory_space<vmem>>, vector<2000x16xf32>,
    return
  }
  func.func @transform_0(%arg0: i32) -> (i32, i32) {
    %c0_i32 = arith.constant 0 : i32
    %c0_i32_0 = arith.constant 0 : i32
    return %arg0, %c0_i32 : i32, i32
  }
  func.func @transform_1(%arg0: i32) -> (i32, i32, i32) {
    %c0_i32 = arith.constant 0 : i32
    %c0_i32_0 = arith.constant 0 : i32
    %c0_i32_1 = arith.constant 0 : i32
    return %c0_i32, %arg0, %c0_i32_0 : i32, i32, i32
  }
  func.func @transform_2(%arg0: i32) -> (i32, i32) {
    %c0_i32 = arith.constant 0 : i32
    %c0_i32_0 = arith.constant 0 : i32
    return %arg0, %c0_i32 : i32, i32
  }
  func.func @transform_3(%arg0: i32) -> (i32, i32) {
    %c0_i32 = arith.constant 0 : i32
    %c0_i32_0 = arith.constant 0 : i32
    return %arg0, %c0_i32 : i32, i32
  }
}

module attributes {stable_mosaic.version = 14 : i64} {
  func.func @_tc_mid_body(%arg0: i32, %arg1: memref<2x2000x128xf32, #tpu.memory_space<vmem>>, %arg2: memref<2000x128xf32, #tpu.memory_space<vmem>>, %arg3: memref<2000x16xf32, #tpu.memory_space<vmem>>, %arg4: memref<128x256xf32, #tpu.memory_space<vmem>>, %arg5: memref<1x256xf32, #tpu.memory_space<vmem>>, %arg6: memref<256x128xf32, #tpu.memory_space<vmem>>, %arg7: memref<2000x128xf32, #tpu.memory_space<vmem>>) attributes {dimension_semantics = [#tpu.dimension_semantics<arbitrary>], iteration_bounds = array<i64: 5>, scalar_prefetch = 0 : i64, scratch_operands = 0 : i64, tpu.core_type = #tpu.core_type<tc>, window_params = [{transform_indices = @transform_0, window_bounds = array<i64: 2, 2000, 128>}, {transform_indices = @transform_1, window_bounds = array<i64: 2000, 128>}, {transform_indices = @transform_2, window_bounds = array<i64: 2000, 16>}, {pipeline_mode = #tpu.pipeline_mode<synchronous>, transform_indices = @transform_3, window_bounds = array<i64: 128, 256>}, {pipeline_mode = #tpu.pipeline_mode<synchronous>, transform_indices = @transform_4, window_bounds = array<i64: 1, 256>}, {pipeline_mode = #tpu.pipeline_mode<synchronous>, transform_indices = @transform_5, window_bounds = array<i64: 256, 128>}, {transform_indices = @transform_6, window_bounds = array<i64: 2000, 128>}]} {
    %get3A = arith.constant 0 : index
    %get3A_0 = arith.constant 0 : index
    %get3A_1 = vector.load %arg3[%get3A, %get3A_0] : memref<2000x16xf32, #tpu.memory_space<vmem>>, vector<2000x1xf32>
    %get3A_2 = arith.constant 0 : index
    %get3A_3 = arith.constant 0 : index
    %get3A_4 = arith.constant 0 : index
    %get3A_5 = vector.load %arg1[%get3A_2, %get3A_3, %get3A_4] : memref<2x2000x128xf32, #tpu.memory_space<vmem>>, vector<1x2000x128xf32>
    %get3A_6 = vector.shape_cast %get3A_5 : vector<1x2000x128xf32> to vector<2000x128xf32>
    %get3A_7 = arith.constant 1 : index
    %get3A_8 = arith.constant 0 : index
    %get3A_9 = arith.constant 0 : index
    %get3A_10 = vector.load %arg1[%get3A_7, %get3A_8, %get3A_9] : memref<2x2000x128xf32, #tpu.memory_space<vmem>>, vector<1x2000x128xf32>
    %get3A_11 = vector.shape_cast %get3A_10 : vector<1x2000x128xf32> to vector<2000x128xf32>
    %add3A = arith.addf %get3A_6, %get3A_11 : vector<2000x128xf32>
    %get3A_12 = arith.constant 0 : index
    %get3A_13 = arith.constant 0 : index
    %get3A_14 = vector.load %arg2[%get3A_12, %get3A_13] : memref<2000x128xf32, #tpu.memory_space<vmem>>, vector<2000x128xf32>
    %add3A_15 = arith.addf %add3A, %get3A_14 : vector<2000x128xf32>
    %mul3A = vector.broadcast %get3A_1 : vector<2000x1xf32> to vector<2000x128xf32>
    %mul3A_16 = arith.mulf %add3A_15, %mul3A : vector<2000x128xf32>
    %convert_element_type3A = arith.truncf %mul3A_16 : vector<2000x128xf32> to vector<2000x128xbf16>
    %get3A_17 = arith.constant 0 : index
    %get3A_18 = arith.constant 0 : index
    %get3A_19 = vector.load %arg4[%get3A_17, %get3A_18] : memref<128x256xf32, #tpu.memory_space<vmem>>, vector<128x256xf32>
    %convert_element_type3A_20 = arith.truncf %get3A_19 : vector<128x256xf32> to vector<128x256xbf16>
    %dot_general3A = arith.constant dense<0.000000e+00> : vector<2000x256xf32>
    %dot_general3A_21 = tpu.matmul %convert_element_type3A, %convert_element_type3A_20, %dot_general3A {dimension_numbers = #tpu.dot_dimension_numbers<[1], [0], [0], [1], [0, 0, 1, 1], [], []>, transpose_lhs_hint = false} : vector<2000x128xbf16>, vector<128x256xbf16>, vector<2000x256xf32> -> vector<2000x256xf32>
    %get3A_22 = arith.constant 0 : index
    %get3A_23 = arith.constant 0 : index
    %get3A_24 = vector.load %arg5[%get3A_22, %get3A_23] : memref<1x256xf32, #tpu.memory_space<vmem>>, vector<1x256xf32>
    %add3A_25 = vector.broadcast %get3A_24 : vector<1x256xf32> to vector<2000x256xf32>
    %add3A_26 = arith.addf %dot_general3A_21, %add3A_25 : vector<2000x256xf32>
    %max3A = arith.constant 0.000000e+00 : f32
    %max3A_27 = vector.broadcast %max3A : f32 to vector<2000x256xf32>
    %max3A_28 = arith.maximumf %add3A_26, %max3A_27 : vector<2000x256xf32>
    %convert_element_type3A_29 = arith.truncf %max3A_28 : vector<2000x256xf32> to vector<2000x256xbf16>
    %get3A_30 = arith.constant 0 : index
    %get3A_31 = arith.constant 0 : index
    %get3A_32 = vector.load %arg6[%get3A_30, %get3A_31] : memref<256x128xf32, #tpu.memory_space<vmem>>, vector<256x128xf32>
    %convert_element_type3A_33 = arith.truncf %get3A_32 : vector<256x128xf32> to vector<256x128xbf16>
    %dot_general3A_34 = arith.constant dense<0.000000e+00> : vector<2000x128xf32>
    %dot_general3A_35 = tpu.matmul %convert_element_type3A_29, %convert_element_type3A_33, %dot_general3A_34 {dimension_numbers = #tpu.dot_dimension_numbers<[1], [0], [0], [1], [0, 0, 1, 1], [], []>, transpose_lhs_hint = false} : vector<2000x256xbf16>, vector<256x128xbf16>, vector<2000x128xf32> -> vector<2000x128xf32>
    %mul3A_36 = vector.broadcast %get3A_1 : vector<2000x1xf32> to vector<2000x128xf32>
    %mul3A_37 = arith.mulf %dot_general3A_35, %mul3A_36 : vector<2000x128xf32>
    %swap3A = arith.constant 0 : index
    %swap3A_38 = arith.constant 0 : index
    %swap3A_39 = vector.load %arg7[%swap3A, %swap3A_38] : memref<2000x128xf32, #tpu.memory_space<vmem>>, vector<2000x128xf32>
    tpu.vector_store %arg7[%swap3A, %swap3A_38], %mul3A_37 {strides = array<i32>} : memref<2000x128xf32, #tpu.memory_space<vmem>>, vector<2000x128xf32>,
    return
  }
  func.func @transform_0(%arg0: i32) -> (i32, i32, i32) {
    %c0_i32 = arith.constant 0 : i32
    %c0_i32_0 = arith.constant 0 : i32
    %c0_i32_1 = arith.constant 0 : i32
    return %c0_i32, %arg0, %c0_i32_0 : i32, i32, i32
  }
  func.func @transform_1(%arg0: i32) -> (i32, i32) {
    %c0_i32 = arith.constant 0 : i32
    %c0_i32_0 = arith.constant 0 : i32
    return %arg0, %c0_i32 : i32, i32
  }
  func.func @transform_2(%arg0: i32) -> (i32, i32) {
    %c0_i32 = arith.constant 0 : i32
    %c0_i32_0 = arith.constant 0 : i32
    return %arg0, %c0_i32 : i32, i32
  }
  func.func @transform_3(%arg0: i32) -> (i32, i32) {
    %c0_i32 = arith.constant 0 : i32
    %c0_i32_0 = arith.constant 0 : i32
    %c0_i32_1 = arith.constant 0 : i32
    return %c0_i32, %c0_i32_0 : i32, i32
  }
  func.func @transform_4(%arg0: i32) -> (i32, i32) {
    %c0_i32 = arith.constant 0 : i32
    %c0_i32_0 = arith.constant 0 : i32
    %c0_i32_1 = arith.constant 0 : i32
    return %c0_i32, %c0_i32_0 : i32, i32
  }
  func.func @transform_5(%arg0: i32) -> (i32, i32) {
    %c0_i32 = arith.constant 0 : i32
    %c0_i32_0 = arith.constant 0 : i32
    %c0_i32_1 = arith.constant 0 : i32
    return %c0_i32, %c0_i32_0 : i32, i32
  }
  func.func @transform_6(%arg0: i32) -> (i32, i32) {
    %c0_i32 = arith.constant 0 : i32
    %c0_i32_0 = arith.constant 0 : i32
    return %arg0, %c0_i32 : i32, i32
  }
}

module attributes {stable_mosaic.version = 14 : i64} {
  func.func @_tc_final_body(%arg0: i32, %arg1: memref<2x2000x128xf32, #tpu.memory_space<vmem>>, %arg2: memref<2000x128xf32, #tpu.memory_space<vmem>>, %arg3: memref<2000x16xf32, #tpu.memory_space<vmem>>, %arg4: memref<1x128xf32, #tpu.memory_space<vmem>>, %arg5: memref<2000x128xf32, #tpu.memory_space<vmem>>) attributes {dimension_semantics = [#tpu.dimension_semantics<arbitrary>], iteration_bounds = array<i64: 5>, scalar_prefetch = 0 : i64, scratch_operands = 0 : i64, tpu.core_type = #tpu.core_type<tc>, window_params = [{transform_indices = @transform_0, window_bounds = array<i64: 2, 2000, 128>}, {transform_indices = @transform_1, window_bounds = array<i64: 2000, 128>}, {transform_indices = @transform_2, window_bounds = array<i64: 2000, 16>}, {pipeline_mode = #tpu.pipeline_mode<synchronous>, transform_indices = @transform_3, window_bounds = array<i64: 1, 128>}, {transform_indices = @transform_4, window_bounds = array<i64: 2000, 128>}]} {
    %get3A = arith.constant 0 : index
    %get3A_0 = arith.constant 0 : index
    %get3A_1 = vector.load %arg3[%get3A, %get3A_0] : memref<2000x16xf32, #tpu.memory_space<vmem>>, vector<2000x1xf32>
    %get3A_2 = arith.constant 0 : index
    %get3A_3 = arith.constant 0 : index
    %get3A_4 = arith.constant 0 : index
    %get3A_5 = vector.load %arg1[%get3A_2, %get3A_3, %get3A_4] : memref<2x2000x128xf32, #tpu.memory_space<vmem>>, vector<1x2000x128xf32>
    %get3A_6 = vector.shape_cast %get3A_5 : vector<1x2000x128xf32> to vector<2000x128xf32>
    %get3A_7 = arith.constant 1 : index
    %get3A_8 = arith.constant 0 : index
    %get3A_9 = arith.constant 0 : index
    %get3A_10 = vector.load %arg1[%get3A_7, %get3A_8, %get3A_9] : memref<2x2000x128xf32, #tpu.memory_space<vmem>>, vector<1x2000x128xf32>
    %get3A_11 = vector.shape_cast %get3A_10 : vector<1x2000x128xf32> to vector<2000x128xf32>
    %add3A = arith.addf %get3A_6, %get3A_11 : vector<2000x128xf32>
    %get3A_12 = arith.constant 0 : index
    %get3A_13 = arith.constant 0 : index
    %get3A_14 = vector.load %arg2[%get3A_12, %get3A_13] : memref<2000x128xf32, #tpu.memory_space<vmem>>, vector<2000x128xf32>
    %add3A_15 = arith.addf %add3A, %get3A_14 : vector<2000x128xf32>
    %mul3A = vector.broadcast %get3A_1 : vector<2000x1xf32> to vector<2000x128xf32>
    %mul3A_16 = arith.mulf %add3A_15, %mul3A : vector<2000x128xf32>
    %get3A_17 = arith.constant 0 : index
    %get3A_18 = arith.constant 0 : index
    %get3A_19 = vector.load %arg4[%get3A_17, %get3A_18] : memref<1x128xf32, #tpu.memory_space<vmem>>, vector<1x128xf32>
    %add3A_20 = vector.broadcast %get3A_19 : vector<1x128xf32> to vector<2000x128xf32>
    %add3A_21 = arith.addf %mul3A_16, %add3A_20 : vector<2000x128xf32>
    %swap3A = arith.constant 0 : index
    %swap3A_22 = arith.constant 0 : index
    %swap3A_23 = vector.load %arg5[%swap3A, %swap3A_22] : memref<2000x128xf32, #tpu.memory_space<vmem>>, vector<2000x128xf32>
    tpu.vector_store %arg5[%swap3A, %swap3A_22], %add3A_21 {strides = array<i32>} : memref<2000x128xf32, #tpu.memory_space<vmem>>, vector<2000x128xf32>,
    return
  }
  func.func @transform_0(%arg0: i32) -> (i32, i32, i32) {
    %c0_i32 = arith.constant 0 : i32
    %c0_i32_0 = arith.constant 0 : i32
    %c0_i32_1 = arith.constant 0 : i32
    return %c0_i32, %arg0, %c0_i32_0 : i32, i32, i32
  }
  func.func @transform_1(%arg0: i32) -> (i32, i32) {
    %c0_i32 = arith.constant 0 : i32
    %c0_i32_0 = arith.constant 0 : i32
    return %arg0, %c0_i32 : i32, i32
  }
  func.func @transform_2(%arg0: i32) -> (i32, i32) {
    %c0_i32 = arith.constant 0 : i32
    %c0_i32_0 = arith.constant 0 : i32
    return %arg0, %c0_i32 : i32, i32
  }
  func.func @transform_3(%arg0: i32) -> (i32, i32) {
    %c0_i32 = arith.constant 0 : i32
    %c0_i32_0 = arith.constant 0 : i32
    %c0_i32_1 = arith.constant 0 : i32
    return %c0_i32, %c0_i32_0 : i32, i32
  }
  func.func @transform_4(%arg0: i32) -> (i32, i32) {
    %c0_i32 = arith.constant 0 : i32
    %c0_i32_0 = arith.constant 0 : i32
    return %arg0, %c0_i32 : i32, i32
  }
}

</mosaic_0001>

<sc_bundles>
// kernel: kernel.11.cloned.1.call-start
scs
__scs_entry_jumppad:
0x0: {  	(pc) =	sbr.rel $0x88, $3  }
0x1: {  	(tag) =	ssettag $0x0;
	lr =	simm.s32 $0x1  }
0x2: {  	[smem:$0x3F9B] =	sst lr;
	_ =	strace $0xD0000000  }
0x3: {  	_ = 	snop  }
0x4: {  	_ = 	snop  }
0x5: {  	_ = 	snop  }
0x6: {  	_ = 	snop  }
0x7: {  	_ = 	snop  }
__scs_overlays_trampoline_lowered:
0x8: {  	[smem:$0x3FAA] =	sst s0  }
0x9: {  	[smem:$0x3FAB] =	sst s1  }
0xa: {  	[smem:$0x3FAC] =	sst s2  }
0xb: {  	[smem:$0x3FAD] =	sst s3  }
0xc: {  	[smem:$0x3FAE] =	sst s4  }
0xd: {  	[smem:$0x3FAF] =	sst s5  }
0xe: {  	[smem:$0x3FB0] =	sst s6  }
0xf: {  	[smem:$0x3FB1] =	sst s7  }
0x10: {  	[smem:$0x3FB2] =	sst s8  }
0x11: {  	[smem:$0x3FB3] =	sst s9;
	s0 =	simm.s32 @!p0 $0x0  }
0x12: {  	s1 =	sld [smem:$0x3F99];
	s0 =	simm.s32 @p0 $0x1  }
0x13: {  	[smem:$0x3FB4] =	sst s0;
	s0 =	simm.s32 @!p1 $0x0  }
0x14: {  	s2 =	sld [smem:$0x3F98];
	s0 =	simm.s32 @p1 $0x1  }
0x15: {  	[smem:$0x3FB5] =	sst s0;
	s0 =	simm.s32 @!p2 $0x0  }
0x16: {  	s3 =	sld [smem:$0x3FDB];
	s0 =	simm.s32 @p2 $0x1  }
0x17: {  	s4 =	simm.s32 $0x1BF5;
	[smem:$0x3FB7] =	sst s0  }
0x18: {  	s0 =	sld [smem:$0x3F9A];
	_ =	swait.ge [sflag:s4], $0x0  }
0x19: {  	s7 =	sld [smem:$0x3F9B]  }
0x1a: {  	s8 =	sadd.s32 $0xFFFFE003, lr  }
0x1b: {  	s9 =	sadd.s32 $0xFFFFFEF7, lr;
	s5 =	simm.s32 $0xFFFFFFFF;
	p2 =	slt.u32 s8, $0xFFFFF086  }
0x1c: {  	p1 =	slt.u32 s9, $0xF7A;
	s5 =	simm.s32 @!p2 $0x0  }
0x1d: {  	s5 =	simm.s32 @p1 $0x1;
	p0 =	seq.s32 s7, s2  }
0x1e: {  	s7 =	smul.u32 @!p0 $0xF7A, s2;
	p2 =	seq.s32 @!p0 s5, $0x0  }
0x1f: {  	s9 =	smul.u32 $0xF7A, s1;
	s8 =	simm.s32 @!p0 $0x1BF5;
	p2 =	por !p2, p0  }
0x20: {  	[sflag:s8] =	ssyncset.s32 @!p0 $0xFFFFF086;
	s6 =	sadd.s32 @!p0 s3, s7;
	s7 =	simm.s32 @!p0 $0x108  }
0x21: {  	s3 =	sadd.s32 s3, s9;
	s6 =	sadd.s32 @!p0 $0x88, s6;
	s7 =	simm.s32 @p2 $0x1082  }
0x22: {  	[simem:s7], [sflag:s8] =	dma.local @!p0 [hbm:s6], $0xF7A  }
0x23: {  	s9 =	sor.u32 $0xD0000000, s2;
	s6 =	simm.s32 $0x108;
	_ =	swait.ge @!p0 [sflag:s8], $0x0  }
0x24: {  	s3 =	sadd.s32 $0x88, s3;
	s6 =	simm.s32 @!p1 $0x1082;
	[sflag:s4] =	ssyncset.s32 $0xFFFFF086  }
0x25: {  	[simem:s6], [sflag:s4] =	dma.local [hbm:s3], $0xF7A  }
0x26: {  	[smem:$0x3F9B] =	sst s1;
	(tag) =	ssettag s2;
	_ =	strace s9  }
0x27: {  	s1 =	sld [smem:$0x3FAB]  }
0x28: {  	s2 =	sld [smem:$0x3FAC]  }
0x29: {  	s4 =	sld [smem:$0x3FAE]  }
0x2a: {  	p0 =	seq.s32 s5, $0x0;
	s5 =	sld [smem:$0x3FAF]  }
0x2b: {  	s6 =	sld [smem:$0x3FB0]  }
0x2c: {  	s7 =	sld [smem:$0x3FB1]  }
0x2d: {  	s3 =	simm.s32 $0x108;
	s8 =	sld [smem:$0x3FB2]  }
0x2e: {  	s3 =	simm.s32 @!p0 $0x1082;
	s9 =	sld [smem:$0x3FB3]  }
0x2f: {  	lr =	sadd.s32 s0, s3;
	s0 =	sld [smem:$0x3FAA]  }
0x30: {  	s3 =	sld [smem:$0x3FAD]  }
0x31: {  	[smem:$0x3FB6] =	sst s10  }
0x32: {  	s10 =	sld [smem:$0x3FB4];
	_ =	sdelay $0x3  }
0x33: {  	p0 =	seq.s32 s10, $0x1;
	s10 =	sld [smem:$0x3FB6];
	_ =	sdelay $0x3  }
0x34: {  	[smem:$0x3FB6] =	sst s10  }
0x35: {  	s10 =	sld [smem:$0x3FB5];
	_ =	sdelay $0x3  }
0x36: {  	p1 =	seq.s32 s10, $0x1;
	s10 =	sld [smem:$0x3FB6];
	_ =	sdelay $0x3  }
0x37: {  	[smem:$0x3FB6] =	sst s10  }
0x38: {  	s10 =	sld [smem:$0x3FB7]  }
0x39: {  	_ = 	snop;
	(pc) =	sbr.ind lr, $3  }
0x3a: {  	_ = 	snop  }
0x3b: {  	_ = 	snop  }
0x3c: {  	p2 =	seq.s32 s10, $0x1;
	s10 =	sld [smem:$0x3FB6]  }
0x3d: {  	_ =	shalt  }
0x3e: {  	_ =	shalt  }
0x3f: {  	_ =	shalt  }
0x40: {  	_ =	shalt  }
0x41: {  	_ =	shalt  }
0x42: {  	_ =	shalt  }
0x43: {  	_ =	shalt  }
0x44: {  	_ =	shalt  }
0x45: {  	_ =	shalt  }
0x46: {  	_ =	shalt  }
0x47: {  	_ =	shalt  }
0x48: {  	_ =	shalt  }
0x49: {  	_ =	shalt  }
0x4a: {  	_ =	shalt  }
0x4b: {  	_ =	shalt  }
0x4c: {  	_ =	shalt  }
0x4d: {  	_ =	shalt  }
0x4e: {  	_ =	shalt  }
0x4f: {  	_ =	shalt  }
0x50: {  	_ =	shalt  }
0x51: {  	_ =	shalt  }
0x52: {  	_ =	shalt  }
0x53: {  	_ =	shalt  }
0x54: {  	_ =	shalt  }
0x55: {  	_ =	shalt  }
0x56: {  	_ =	shalt  }
0x57: {  	_ =	shalt  }
0x58: {  	_ =	shalt  }
0x59: {  	_ =	shalt  }
0x5a: {  	_ =	shalt  }
0x5b: {  	_ =	shalt  }
0x5c: {  	_ =	shalt  }
0x5d: {  	_ =	shalt  }
0x5e: {  	_ =	shalt  }
0x5f: {  	_ =	shalt  }
0x60: {  	_ =	shalt  }
0x61: {  	_ =	shalt  }
0x62: {  	_ =	shalt  }
0x63: {  	_ =	shalt  }
0x64: {  	_ =	shalt  }
0x65: {  	_ =	shalt  }
0x66: {  	_ =	shalt  }
0x67: {  	_ =	shalt  }
0x68: {  	_ =	shalt  }
0x69: {  	_ =	shalt  }
0x6a: {  	_ =	shalt  }
0x6b: {  	_ =	shalt  }
0x6c: {  	_ =	shalt  }
0x6d: {  	_ =	shalt  }
0x6e: {  	_ =	shalt  }
0x6f: {  	_ =	shalt  }
0x70: {  	_ =	shalt  }
0x71: {  	_ =	shalt  }
0x72: {  	_ =	shalt  }
0x73: {  	_ =	shalt  }
0x74: {  	_ =	shalt  }
0x75: {  	_ =	shalt  }
0x76: {  	_ =	shalt  }
0x77: {  	_ =	shalt  }
0x78: {  	_ =	shalt  }
0x79: {  	_ =	shalt  }
0x7a: {  	_ =	shalt  }
0x7b: {  	_ =	shalt  }
0x7c: {  	_ =	shalt  }
0x7d: {  	_ =	shalt  }
0x7e: {  	_ =	shalt  }
0x7f: {  	_ =	shalt  }
0x80: {  	_ =	shalt  }
0x81: {  	_ =	shalt  }
0x82: {  	_ =	shalt  }
0x83: {  	_ =	shalt  }
0x84: {  	_ =	shalt  }
0x85: {  	_ =	shalt  }
0x86: {  	_ =	shalt  }
0x87: {  	_ =	shalt  }
.Lfunc_end0:
.L_simem_size_0:
called_computation.1_lowered:
.L_overlay_start_0:
0x88: {  	s2 =	sld [smem:$0x3FD9]  }
0x89: {  	s3 =	sld [smem:$0x3FFE];
	_ =	sdelay $0x1  }
0x8a: {  	s1 =	srdreg.scid  }
0x8b: {  	s0 =	sand.u32 $0x1, s1  }
0x8c: {  	s17 =	sshll.u32 s0, $0xA;
	s2 =	sadd.s32 s3, s2  }
0x8d: {  	s2 =	sadd.s32 s2, s17  }
0x8e: {  	[smem:$0x3FC2] =	sst s2  }
0x8f: {  	_ = 	snop  }
0x90: {  	s2 =	sld [smem:$0x3FD0];
	(tm) =	ssettm $0x1  }
0x91: {  	s18 =	sld [smem:$0x3FFB];
	_ =	sdelay $0x3  }
0x92: {  	_ =	strace s18  }
0x93: {  	s3 =	sld [smem:$0x3FFC];
	_ =	sdelay $0x3  }
0x94: {  	_ =	strace s3  }
0x95: {  	s3 =	sld [smem:$0x3FFD];
	_ =	sdelay $0x3  }
0x96: {  	_ =	strace s3  }
0x97: {  	_ =	strace $0x8FFFFFFF  }
0x98: {  	s19 =	sld [smem:$0x3FDB];
	_ =	sdelay $0x1  }
0x99: {  	s4 =	simm.s32 $_scs_section_size  }
0x9a: {  	s5 =	simm.s32 $_size__tile_overlayer_lowered;
	s6 =	simm.s32 $_tile_overlayer_lowered  }
0x9b: {  	s22 =	simm.s32 $0x1BFF;
	s21 =	sshll.u32 s6, $0x1;
	s3 =	sadd.s32 s4, s19  }
0x9c: {  	s7 =	simm.s32 $0x0;
	s20 =	sshll.u32 s5, $0x1;
	s5 =	sadd.s32 s21, s3  }
0x9d: {  	[timem:s7], [sflag:s22] =	dma.local [hbm:s5], s20  }
0x9e: {  	_ =	swait.ge [sflag:s22], s20  }
0x9f: {  	s4 =	ssub.s32 $0x0, s20;
	[sflag:s22] =	ssyncset.done $0x0  }
0xa0: {  	[sflag:s22] =	ssyncadd.s32 s4;
	_ =	sdelay $0x1  }
0xa1: {  	s23 =	simm.s32 $0x1B8B  }
0xa2: {  	_ =	swait.ge [sflag:s23], $0x1  }
0xa3: {  	[sflag:s23] =	ssyncset.done $0x0  }
0xa4: {  	s25 =	simm.s32 $0x1B8E;
	s24 =	sld [smem:$0x3FFE];
	[sflag:s23] =	ssyncadd.s32 $0xFFFFFFFF  }
0xa5: {  	s26 =	simm.s32 $execute0_lowered;
	[smem:$0x3FD2] =	sst s25  }
0xa6: {  	s5 =	sshll.u32 s26, $0x1;
	_ =	strace $0x80000049;
	[dreg:$0x1] =	wrdreg $0xFFFFFFFF  }
0xa7: {  	s28 =	simm.s32 $_size_execute0_lowered;
	s3 =	sadd.s32 s3, s5;
	[dreg:$0x0] =	wrdreg $0x0  }
0xa8: {  	s5 =	sshll.u32 s28, $0x1;
	[dreg:$0x2] =	wrdreg s3  }
0xa9: {  	[dreg:$0x3] =	wrdreg s5  }
0xaa: {  	[dreg:$0x4] =	wrdreg $0xC0  }
0xab: {  	_ =	task [dreg:s7], $0x5FFFF  }
0xac: {  	[dreg:$0x1] =	wrdreg $0xFFFFFFFF  }
0xad: {  	[dreg:$0x0] =	wrdreg $0x60  }
0xae: {  	[dreg:$0x2] =	wrdreg s2  }
0xaf: {  	[dreg:$0x3] =	wrdreg s24  }
0xb0: {  	[dreg:$0x4] =	wrdreg $0xA8000  }
0xb1: {  	[dreg:$0x5] =	wrdreg $0x9  }
0xb2: {  	_ =	task.clear_ibuf [dreg:s7], $0x6FFFF;
	_ =	strace $0x90000049  }
0xb3: {  	s29 =	simm.s32 $0x9;
	_ =	strace $0x8000004B  }
0xb4: {  	_ =	swait.ge [sflag:s29], $0x1  }
0xb5: {  	[sflag:s29] =	ssyncadd.s32 $0xFFFFFFFF  }
0xb6: {  	_ =	strace $0x9000004B  }
0xb7: {  	_ =	sfence  }
0xb8: {  	s30 =	sld [smem:$0x0];
	_ =	sdelay $0x2  }
0xb9: {  	s31 =	sshll.u32 s1, $0xD;
	s1 =	sshrl.u32 s1, $0x2  }
0xba: {  	s3 =	sand.u32 $0x4000, s31;
	s1 =	sadd.s32 s1, s30  }
0xbb: {  	s0 =	sor.u32 s3, s0;
	s1 =	sshll.u32 s1, $0x11  }
0xbc: {  	s0 =	sor.u32 s1, s0  }
0xbd: {  	s0 =	sadd.s32 $0x8F2B, s0  }
0xbe: {  	[sflag:s0] =	ssyncadd.remote.s32 $0x1  }
0xbf: {  	_ =	sfence.sel $0xFFFF  }
0xc0: {  	[dreg:$0x0] =	wrdreg $0xFFFFFFFF;
	(pc) =	sbr.abs _section_cstart, $3  }
0xc1: {  	[dreg:$0x1] =	wrdreg $0xFFFFFFFF  }
0xc2: {  	_ =	task.clear_ibuf [dreg:s7], $0x2FFFF;
	_ =	strace $0x9FFFFFFF  }
0xc3: {  	(tm) =	ssettm $0x7FFFFFFF  }
tec
execute0_lowered:
.L_overlay_start_1:
0x0: {  	(tag) =	ssettag $0x1  }
0x1: {  	s1 =	rddreg [dreg:$0x0]  }
0x2: {  	s6 =	rddreg [dreg:$0x1]  }
0x3: {  	s2 =	rddreg [dreg:$0x2]  }
0x4: {  	s3 =	srdreg.scid;
	s0 =	rddreg [dreg:$0x3];
	s4 =	simm.s32 $0x0  }
0x5: {  	s16 =	simm.s32 $0x1400;
	s17 =	simm.s32 $0x80;
	s18 =	simm.s32 $0x2800  }
0x6: {  	s19 =	simm.s32 $0x6800;
	s20 =	simm.s32 $0x1;
	s21 =	simm.s32 $0x2  }
0x7: {  	s22 =	simm.s32 $0x3;
	s23 =	simm.s32 $0x4;
	s24 =	simm.s32 $0x2700  }
0x8: {  	s25 =	simm.s32 $0x2780;
	s7 =	sand.u32 $0x1, s3;
	s3 =	stileid.u32  }
0x9: {  	s28 =	simm.s32 $0x0;
	[smem:$0x7FF] =	sst s4;
	s5 =	smul.u32 $0x13C000, s7  }
0xa: {  	s10 =	sadd.s32 $0xCC00, s6;
	s11 =	sadd.s32 $0x2C00, s6;
	s8 =	smul.u32 $0x13C00, s3  }
0xb: {  	_ =	strace $0x8000004A;
	s9 =	sshll.u32 s7, $0x4;
	s7 =	ssub.s32 $0x2, s7  }
0xc: {  	s12 =	smul.u32 $0x4F000, s3;
	s9 =	sor.u32 s3, s9;
	s26 =	sshrl.u32 s7, $0x1  }
0xd: {  	s8 =	sadd.s32 s8, s5;
	s5 =	sadd.s32 $0x16C00, s6;
	s29 =	smul.u32 $0x2800, s9  }
0xe: {  	s14 =	ssub.s32 s7, s26;
	s30 =	sshrl.u32 s12, $0x2;
	s8 =	sshrl.u32 s8, $0x3  }
0xf: {  	s26 =	simm.s32 $0x5;
	s13 =	sadd.s32 s8, s6;
	s6 =	sshll.u32 s3, $0x6  }
0x10: {  	s15 =	sadd.s32 s30, s2;
	s31 =	sshrl.u32 s29, $0x3;
	s7 =	sor.u32 $0x1C06, s6  }
0x11: {  	s8 =	sadd.s32 s10, s31;
	s9 =	sadd.s32 s11, s31;
	s12 =	sadd.s32 $0x280, s31  }
0x12: {  	s10 =	sadd.s32 s10, s12;
	s11 =	sadd.s32 s11, s12;
	s12 =	sadd.s32 $0x19400, s13  }
0x13: {  	s13 =	smax.u32 s14, $0x1;
	s14 =	sshrl.u32 s15, $0x3;
	s15 =	simm.s32 $0x6  }
.LBB2_1:
0x14: {  	[spmem:s14], [sflag:s7] =	dma.local [hbm:s5], $0x2780  }
0x15: {  	_ =	swait.ge [sflag:s15], $0x2780  }
0x16: {  	[sflag:s15] =	ssyncset.done $0x0  }
0x17: {  	[sflag:s15] =	ssyncadd.s32 $0xFFFFD880  }
0x18: {  	[bflag:$0x0] =	sbarrier.arrive $0xFFFF  }
0x19: {  	[tilespmem:s4], [sflag:$0x6] =	stream.linear.gather [hbm4b:s8+s4], $0x1400, $0x38;
	[tilespmem:$0x1E400] =	vst v63  }
0x1a: {  	_ =	swait.ge [sflag:s15], $0x1400  }
0x1b: {  	[sflag:s15] =	ssyncset.done $0x0  }
0x1c: {  	[sflag:s15] =	ssyncadd.s32 $0xFFFFEC00  }
0x1d: {  	[tilespmem:s16], [sflag:$0x6] =	stream.linear.gather [hbm4b:s9+s4], $0x1400, $0x38;
	[tilespmem:$0x1E400] =	vst v63  }
0x1e: {  	_ =	swait.ge [sflag:s15], $0x1400  }
0x1f: {  	[sflag:s15] =	ssyncset.done $0x0  }
0x20: {  	[sflag:s15] =	ssyncadd.s32 $0xFFFFEC00  }
0x21: {  	[tilespmem:s18], [sflag:$0x1] =	stream.indirect.gather [hbm4b:s1+s17], $0x80, s4, s17, $0xb8;
	[tilespmem:$0x1E400] =	vst v63  }
0x22: {  	_ = 	snop  }
0x23: {  	[tilespmem:s19], [sflag:$0x2] =	stream.indirect.gather [hbm4b:s1+s17], $0x80, s17, s17, $0xb8;
	[tilespmem:$0x1E400] =	vst v63  }
0x24: {  	_ =	swait.ge [sflag:s20], $0x4000  }
0x25: {  	[sflag:s20] =	ssyncset.done $0x0  }
0x26: {  	s29 =	simm.s32 $0x1400;
	[sflag:s20] =	ssyncadd.s32 $0xFFFFC000  }
0x27: {  	[spmem:s2] =	stream.indirect.scatter.add.f32 [tilespmem:s18], [sflag:$0x3], $0x80, s29, s17, $0xb8;
	[tilespmem:$0x1E400] =	vst v63  }
0x28: {  	_ =	swait.ge [sflag:s21], $0x4000  }
0x29: {  	[sflag:s21] =	ssyncset.done $0x0  }
0x2a: {  	s29 =	simm.s32 $0x1480;
	[sflag:s21] =	ssyncadd.s32 $0xFFFFC000  }
0x2b: {  	[spmem:s2] =	stream.indirect.scatter.add.f32 [tilespmem:s19], [sflag:$0x4], $0x80, s29, s17, $0xb8;
	[tilespmem:$0x1E400] =	vst v63  }
0x2c: {  	_ =	swait.ge [sflag:s22], $0x4000  }
0x2d: {  	[sflag:s22] =	ssyncset.done $0x0  }
0x2e: {  	s29 =	simm.s32 $0x100;
	[sflag:s22] =	ssyncadd.s32 $0xFFFFC000  }
0x2f: {  	[tilespmem:s18], [sflag:$0x1] =	stream.indirect.gather [hbm4b:s1+s17], $0x80, s29, s17, $0xb8;
	[tilespmem:$0x1E400] =	vst v63  }
0x30: {  	_ =	swait.ge [sflag:s23], $0x4000  }
0x31: {  	[sflag:s23] =	ssyncset.done $0x0  }
0x32: {  	s30 =	simm.s32 $0x180;
	s29 =	simm.s32 $0x400;
	[sflag:s23] =	ssyncadd.s32 $0xFFFFC000  }
.LBB2_2:
0x33: {  	[tilespmem:s19], [sflag:$0x2] =	stream.indirect.gather [hbm4b:s1+s17], $0x80, s30, s17, $0xb8;
	[tilespmem:$0x1E400] =	vst v63  }
0x34: {  	s30 =	smov.u32 s29  }
0x35: {  	p0 =	sne.s32 s29, $0x4800;
	s29 =	sadd.s32 $0x400, s29;
	_ =	swait.ge [sflag:s20], $0x4000  }
0x36: {  	s30 =	sshra.s32 s30, $0x2;
	[sflag:s20] =	ssyncset.done $0x0  }
0x37: {  	s31 =	sadd.s32 $0x1400, s30;
	[sflag:s20] =	ssyncadd.s32 $0xFFFFC000  }
0x38: {  	[spmem:s2] =	stream.indirect.scatter.add.f32 [tilespmem:s18], [sflag:$0x3], $0x80, s31, s17, $0xb8;
	[tilespmem:$0x1E400] =	vst v63  }
0x39: {  	_ =	swait.ge [sflag:s21], $0x4000  }
0x3a: {  	[sflag:s21] =	ssyncset.done $0x0  }
0x3b: {  	s31 =	sadd.s32 $0x1480, s30;
	[sflag:s21] =	ssyncadd.s32 $0xFFFFC000  }
0x3c: {  	[spmem:s2] =	stream.indirect.scatter.add.f32 [tilespmem:s19], [sflag:$0x4], $0x80, s31, s17, $0xb8;
	[tilespmem:$0x1E400] =	vst v63  }
0x3d: {  	_ =	swait.ge [sflag:s22], $0x4000  }
0x3e: {  	[sflag:s22] =	ssyncset.done $0x0  }
.Ltmp0:
0x3f: {  	s31 =	sadd.s32 $0x100, s30;
	[sflag:s22] =	ssyncadd.s32 $0xFFFFC000;
	(pc) =	sbr.rel @p0 .LBB2_2-.Ltmp0, $4  }
0x40: {  	[tilespmem:s18], [sflag:$0x1] =	stream.indirect.gather [hbm4b:s1+s17], $0x80, s31, s17, $0xb8;
	[tilespmem:$0x1E400] =	vst v63  }
0x41: {  	_ =	swait.ge [sflag:s23], $0x4000  }
0x42: {  	[sflag:s23] =	ssyncset.done $0x0  }
0x43: {  	s30 =	sadd.s32 $0x180, s30;
	[sflag:s23] =	ssyncadd.s32 $0xFFFFC000  }
0x44: {  	[tilespmem:s19], [sflag:$0x2] =	stream.indirect.gather [hbm4b:s1+s17], $0x80, s30, s17, $0xb8;
	[tilespmem:$0x1E400] =	vst v63  }
0x45: {  	_ =	swait.ge [sflag:s20], $0x4000  }
0x46: {  	[sflag:s20] =	ssyncset.done $0x0  }
0x47: {  	[sflag:s20] =	ssyncadd.s32 $0xFFFFC000  }
0x48: {  	[spmem:s2] =	stream.indirect.scatter.add.f32 [tilespmem:s18], [sflag:$0x3], $0x80, s24, s17, $0xb8;
	[tilespmem:$0x1E400] =	vst v63  }
0x49: {  	_ =	swait.ge [sflag:s21], $0x4000  }
0x4a: {  	[sflag:s21] =	ssyncset.done $0x0  }
0x4b: {  	[sflag:s21] =	ssyncadd.s32 $0xFFFFC000  }
0x4c: {  	[spmem:s2] =	stream.indirect.scatter.add.f32 [tilespmem:s19], [sflag:$0x4], $0x80, s25, s17, $0xb8;
	[tilespmem:$0x1E400] =	vst v63  }
0x4d: {  	_ =	swait.ge [sflag:s22], $0x4000  }
0x4e: {  	[sflag:s22] =	ssyncset.done $0x0  }
0x4f: {  	[sflag:s22] =	ssyncadd.s32 $0xFFFFC000  }
0x50: {  	_ =	swait.ge [sflag:s23], $0x4000  }
0x51: {  	[sflag:s23] =	ssyncset.done $0x0  }
0x52: {  	s29 =	simm.s32 $0x0;
	[sflag:s23] =	ssyncadd.s32 $0xFFFFC000  }
0x53: {  	[tilespmem:s29], [sflag:$0x6] =	stream.linear.gather [hbm4b:s10+s29], $0x1400, $0x38;
	[tilespmem:$0x1E400] =	vst v63  }
0x54: {  	_ =	swait.ge [sflag:s15], $0x1400  }
0x55: {  	[sflag:s15] =	ssyncset.done $0x0  }
0x56: {  	[sflag:s15] =	ssyncadd.s32 $0xFFFFEC00  }
0x57: {  	[tilespmem:s16], [sflag:$0x6] =	stream.linear.gather [hbm4b:s11+s29], $0x1400, $0x38;
	[tilespmem:$0x1E400] =	vst v63  }
0x58: {  	_ =	swait.ge [sflag:s15], $0x1400  }
0x59: {  	[sflag:s15] =	ssyncset.done $0x0  }
0x5a: {  	[sflag:s15] =	ssyncadd.s32 $0xFFFFEC00  }
0x5b: {  	[tilespmem:s18], [sflag:$0x1] =	stream.indirect.gather [hbm4b:s1+s17], $0x80, s29, s17, $0xb8;
	[tilespmem:$0x1E400] =	vst v63  }
0x5c: {  	_ = 	snop  }
0x5d: {  	[tilespmem:s19], [sflag:$0x2] =	stream.indirect.gather [hbm4b:s1+s17], $0x80, s17, s17, $0xb8;
	[tilespmem:$0x1E400] =	vst v63  }
0x5e: {  	_ =	swait.ge [sflag:s20], $0x4000  }
0x5f: {  	[sflag:s20] =	ssyncset.done $0x0  }
0x60: {  	s29 =	simm.s32 $0x1400;
	[sflag:s20] =	ssyncadd.s32 $0xFFFFC000  }
0x61: {  	[spmem:s2] =	stream.indirect.scatter.add.f32 [tilespmem:s18], [sflag:$0x3], $0x80, s29, s17, $0xb8;
	[tilespmem:$0x1E400] =	vst v63  }
0x62: {  	_ =	swait.ge [sflag:s21], $0x4000  }
0x63: {  	[sflag:s21] =	ssyncset.done $0x0  }
0x64: {  	s29 =	simm.s32 $0x1480;
	[sflag:s21] =	ssyncadd.s32 $0xFFFFC000  }
0x65: {  	[spmem:s2] =	stream.indirect.scatter.add.f32 [tilespmem:s19], [sflag:$0x4], $0x80, s29, s17, $0xb8;
	[tilespmem:$0x1E400] =	vst v63  }
0x66: {  	_ =	swait.ge [sflag:s22], $0x4000  }
0x67: {  	[sflag:s22] =	ssyncset.done $0x0  }
0x68: {  	s29 =	simm.s32 $0x100;
	[sflag:s22] =	ssyncadd.s32 $0xFFFFC000  }
0x69: {  	[tilespmem:s18], [sflag:$0x1] =	stream.indirect.gather [hbm4b:s1+s17], $0x80, s29, s17, $0xb8;
	[tilespmem:$0x1E400] =	vst v63  }
0x6a: {  	_ =	swait.ge [sflag:s23], $0x4000  }
0x6b: {  	[sflag:s23] =	ssyncset.done $0x0  }
0x6c: {  	s30 =	simm.s32 $0x180;
	s29 =	simm.s32 $0x400;
	[sflag:s23] =	ssyncadd.s32 $0xFFFFC000  }
.LBB2_4:
0x6d: {  	[tilespmem:s19], [sflag:$0x2] =	stream.indirect.gather [hbm4b:s1+s17], $0x80, s30, s17, $0xb8;
	[tilespmem:$0x1E400] =	vst v63  }
0x6e: {  	s30 =	smov.u32 s29  }
0x6f: {  	p0 =	sne.s32 s29, $0x4800;
	s29 =	sadd.s32 $0x400, s29;
	_ =	swait.ge [sflag:s20], $0x4000  }
0x70: {  	s30 =	sshra.s32 s30, $0x2;
	[sflag:s20] =	ssyncset.done $0x0  }
0x71: {  	s31 =	sadd.s32 $0x1400, s30;
	[sflag:s20] =	ssyncadd.s32 $0xFFFFC000  }
0x72: {  	[spmem:s2] =	stream.indirect.scatter.add.f32 [tilespmem:s18], [sflag:$0x3], $0x80, s31, s17, $0xb8;
	[tilespmem:$0x1E400] =	vst v63  }
0x73: {  	_ =	swait.ge [sflag:s21], $0x4000  }
0x74: {  	[sflag:s21] =	ssyncset.done $0x0  }
0x75: {  	s31 =	sadd.s32 $0x1480, s30;
	[sflag:s21] =	ssyncadd.s32 $0xFFFFC000  }
0x76: {  	[spmem:s2] =	stream.indirect.scatter.add.f32 [tilespmem:s19], [sflag:$0x4], $0x80, s31, s17, $0xb8;
	[tilespmem:$0x1E400] =	vst v63  }
0x77: {  	_ =	swait.ge [sflag:s22], $0x4000  }
0x78: {  	[sflag:s22] =	ssyncset.done $0x0  }
.Ltmp1:
0x79: {  	s31 =	sadd.s32 $0x100, s30;
	[sflag:s22] =	ssyncadd.s32 $0xFFFFC000;
	(pc) =	sbr.rel @p0 .LBB2_4-.Ltmp1, $4  }
0x7a: {  	[tilespmem:s18], [sflag:$0x1] =	stream.indirect.gather [hbm4b:s1+s17], $0x80, s31, s17, $0xb8;
	[tilespmem:$0x1E400] =	vst v63  }
0x7b: {  	_ =	swait.ge [sflag:s23], $0x4000  }
0x7c: {  	[sflag:s23] =	ssyncset.done $0x0  }
0x7d: {  	s30 =	sadd.s32 $0x180, s30;
	[sflag:s23] =	ssyncadd.s32 $0xFFFFC000  }
0x7e: {  	[tilespmem:s19], [sflag:$0x2] =	stream.indirect.gather [hbm4b:s1+s17], $0x80, s30, s17, $0xb8;
	[tilespmem:$0x1E400] =	vst v63  }
0x7f: {  	_ =	swait.ge [sflag:s20], $0x4000  }
0x80: {  	[sflag:s20] =	ssyncset.done $0x0  }
0x81: {  	[sflag:s20] =	ssyncadd.s32 $0xFFFFC000  }
0x82: {  	[spmem:s2] =	stream.indirect.scatter.add.f32 [tilespmem:s18], [sflag:$0x3], $0x80, s24, s17, $0xb8;
	[tilespmem:$0x1E400] =	vst v63  }
0x83: {  	_ =	swait.ge [sflag:s21], $0x4000  }
0x84: {  	[sflag:s21] =	ssyncset.done $0x0  }
0x85: {  	[sflag:s21] =	ssyncadd.s32 $0xFFFFC000  }
0x86: {  	[spmem:s2] =	stream.indirect.scatter.add.f32 [tilespmem:s19], [sflag:$0x4], $0x80, s25, s17, $0xb8;
	[tilespmem:$0x1E400] =	vst v63  }
0x87: {  	_ =	swait.ge [sflag:s22], $0x4000  }
0x88: {  	[sflag:s22] =	ssyncset.done $0x0  }
0x89: {  	[sflag:s22] =	ssyncadd.s32 $0xFFFFC000  }
0x8a: {  	_ =	swait.ge [sflag:s23], $0x4000  }
0x8b: {  	s28 =	sadd.s32 $0x1, s28;
	[sflag:s23] =	ssyncset.done $0x0  }
0x8c: {  	p0 =	sne.s32 s28, s13;
	[sflag:s23] =	ssyncadd.s32 $0xFFFFC000  }
.Ltmp2:
0x8d: {  	s29 =	sor.u32 $0x1C05, s6;
	[bflag:$0x0] =	sbarrier.arrive $0xFFFF;
	(pc) =	sbr.rel @p0 .LBB2_1-.Ltmp2, $4  }
0x8e: {  	[hbm:s12], [sflag:s29] =	dma.local [spmem:s14], $0x2780  }
0x8f: {  	_ =	swait.ge [sflag:s26], $0x2780  }
0x90: {  	[sflag:s26] =	ssyncset.done $0x0  }
0x91: {  	[sflag:s26] =	ssyncadd.s32 $0xFFFFD880  }
0x92: {  	_ =	sfence.sel $0x180000  }
0x93: {  	[bflag:$0x0] =	sbarrier.arrive $0xFFFF  }
0x94: {  	p0 =	sne.s32 s3, $0x0;
	_ =	strace $0x9000004A  }
0x95: {  	s0 =	sadd.s32 @!p0 $0x100000, s0;
	[bflag:$0x2] =	sbarrier.arrive $0xFFFF  }
0x96: {  	[sflag:s0] =	ssyncadd.tile.s32 @!p0 $0x1;
	_ =	shalt  }
.Lfunc_end2:
_tile_overlayer_lowered:
.L_overlay_start_2:
0x97: {  	(tag) =	ssettag $0x2  }
0x98: {  	s0 =	rddreg [dreg:$0x0];
	s2 =	stileid.u32  }
0x99: {  	s1 =	rddreg [dreg:$0x1];
	p0 =	sne.s32 s2, $0x0  }
0x9a: {  	s3 =	rddreg [dreg:$0x2];
	[bflag:$0x3] =	sbarrier.arrive $0xFFFF;
	s2 =	simm.s32 @!p0 $0x1C06  }
0x9b: {  	[timem:s3], [sflag:s2] =	dma.local @!p0 [hbm:s0], s1  }
0x9c: {  	s0 =	simm.s32 @!p0 $0x6  }
0x9d: {  	_ =	swait.ge @!p0 [sflag:s0], s1  }
0x9e: {  	s1 =	ssub.s32 @!p0 $0x0, s1;
	[sflag:s0] =	ssyncset.done @!p0 $0x0  }
0x9f: {  	[sflag:s0] =	ssyncadd.s32 @!p0 s1  }
0xa0: {  	[bflag:$0x3] =	sbarrier.arrive $0xFFFF  }
0xa1: {  	_ =	shalt  }

// kernel: kernel.14.cloned.1.call-start
scs
__scs_entry_jumppad:
0x0: {  	(pc) =	sbr.rel $0x88, $3  }
0x1: {  	(tag) =	ssettag $0x0;
	lr =	simm.s32 $0x1  }
0x2: {  	[smem:$0x3F9B] =	sst lr;
	_ =	strace $0xD0000000  }
0x3: {  	_ = 	snop  }
0x4: {  	_ = 	snop  }
0x5: {  	_ = 	snop  }
0x6: {  	_ = 	snop  }
0x7: {  	_ = 	snop  }
__scs_overlays_trampoline_lowered:
0x8: {  	[smem:$0x3FAA] =	sst s0  }
0x9: {  	[smem:$0x3FAB] =	sst s1  }
0xa: {  	[smem:$0x3FAC] =	sst s2  }
0xb: {  	[smem:$0x3FAD] =	sst s3  }
0xc: {  	[smem:$0x3FAE] =	sst s4  }
0xd: {  	[smem:$0x3FAF] =	sst s5  }
0xe: {  	[smem:$0x3FB0] =	sst s6  }
0xf: {  	[smem:$0x3FB1] =	sst s7  }
0x10: {  	[smem:$0x3FB2] =	sst s8  }
0x11: {  	[smem:$0x3FB3] =	sst s9;
	s0 =	simm.s32 @!p0 $0x0  }
0x12: {  	s1 =	sld [smem:$0x3F99];
	s0 =	simm.s32 @p0 $0x1  }
0x13: {  	[smem:$0x3FB4] =	sst s0;
	s0 =	simm.s32 @!p1 $0x0  }
0x14: {  	s2 =	sld [smem:$0x3F98];
	s0 =	simm.s32 @p1 $0x1  }
0x15: {  	[smem:$0x3FB5] =	sst s0;
	s0 =	simm.s32 @!p2 $0x0  }
0x16: {  	s3 =	sld [smem:$0x3FDB];
	s0 =	simm.s32 @p2 $0x1  }
0x17: {  	s4 =	simm.s32 $0x1BF5;
	[smem:$0x3FB7] =	sst s0  }
0x18: {  	s0 =	sld [smem:$0x3F9A];
	_ =	swait.ge [sflag:s4], $0x0  }
0x19: {  	s7 =	sld [smem:$0x3F9B]  }
0x1a: {  	s8 =	sadd.s32 $0xFFFFE003, lr  }
0x1b: {  	s9 =	sadd.s32 $0xFFFFFEF7, lr;
	s5 =	simm.s32 $0xFFFFFFFF;
	p2 =	slt.u32 s8, $0xFFFFF086  }
0x1c: {  	p1 =	slt.u32 s9, $0xF7A;
	s5 =	simm.s32 @!p2 $0x0  }
0x1d: {  	s5 =	simm.s32 @p1 $0x1;
	p0 =	seq.s32 s7, s2  }
0x1e: {  	s7 =	smul.u32 @!p0 $0xF7A, s2;
	p2 =	seq.s32 @!p0 s5, $0x0  }
0x1f: {  	s9 =	smul.u32 $0xF7A, s1;
	s8 =	simm.s32 @!p0 $0x1BF5;
	p2 =	por !p2, p0  }
0x20: {  	[sflag:s8] =	ssyncset.s32 @!p0 $0xFFFFF086;
	s6 =	sadd.s32 @!p0 s3, s7;
	s7 =	simm.s32 @!p0 $0x108  }
0x21: {  	s3 =	sadd.s32 s3, s9;
	s6 =	sadd.s32 @!p0 $0x88, s6;
	s7 =	simm.s32 @p2 $0x1082  }
0x22: {  	[simem:s7], [sflag:s8] =	dma.local @!p0 [hbm:s6], $0xF7A  }
0x23: {  	s9 =	sor.u32 $0xD0000000, s2;
	s6 =	simm.s32 $0x108;
	_ =	swait.ge @!p0 [sflag:s8], $0x0  }
0x24: {  	s3 =	sadd.s32 $0x88, s3;
	s6 =	simm.s32 @!p1 $0x1082;
	[sflag:s4] =	ssyncset.s32 $0xFFFFF086  }
0x25: {  	[simem:s6], [sflag:s4] =	dma.local [hbm:s3], $0xF7A  }
0x26: {  	[smem:$0x3F9B] =	sst s1;
	(tag) =	ssettag s2;
	_ =	strace s9  }
0x27: {  	s1 =	sld [smem:$0x3FAB]  }
0x28: {  	s2 =	sld [smem:$0x3FAC]  }
0x29: {  	s4 =	sld [smem:$0x3FAE]  }
0x2a: {  	p0 =	seq.s32 s5, $0x0;
	s5 =	sld [smem:$0x3FAF]  }
0x2b: {  	s6 =	sld [smem:$0x3FB0]  }
0x2c: {  	s7 =	sld [smem:$0x3FB1]  }
0x2d: {  	s3 =	simm.s32 $0x108;
	s8 =	sld [smem:$0x3FB2]  }
0x2e: {  	s3 =	simm.s32 @!p0 $0x1082;
	s9 =	sld [smem:$0x3FB3]  }
0x2f: {  	lr =	sadd.s32 s0, s3;
	s0 =	sld [smem:$0x3FAA]  }
0x30: {  	s3 =	sld [smem:$0x3FAD]  }
0x31: {  	[smem:$0x3FB6] =	sst s10  }
0x32: {  	s10 =	sld [smem:$0x3FB4];
	_ =	sdelay $0x3  }
0x33: {  	p0 =	seq.s32 s10, $0x1;
	s10 =	sld [smem:$0x3FB6];
	_ =	sdelay $0x3  }
0x34: {  	[smem:$0x3FB6] =	sst s10  }
0x35: {  	s10 =	sld [smem:$0x3FB5];
	_ =	sdelay $0x3  }
0x36: {  	p1 =	seq.s32 s10, $0x1;
	s10 =	sld [smem:$0x3FB6];
	_ =	sdelay $0x3  }
0x37: {  	[smem:$0x3FB6] =	sst s10  }
0x38: {  	s10 =	sld [smem:$0x3FB7]  }
0x39: {  	_ = 	snop;
	(pc) =	sbr.ind lr, $3  }
0x3a: {  	_ = 	snop  }
0x3b: {  	_ = 	snop  }
0x3c: {  	p2 =	seq.s32 s10, $0x1;
	s10 =	sld [smem:$0x3FB6]  }
0x3d: {  	_ =	shalt  }
0x3e: {  	_ =	shalt  }
0x3f: {  	_ =	shalt  }
0x40: {  	_ =	shalt  }
0x41: {  	_ =	shalt  }
0x42: {  	_ =	shalt  }
0x43: {  	_ =	shalt  }
0x44: {  	_ =	shalt  }
0x45: {  	_ =	shalt  }
0x46: {  	_ =	shalt  }
0x47: {  	_ =	shalt  }
0x48: {  	_ =	shalt  }
0x49: {  	_ =	shalt  }
0x4a: {  	_ =	shalt  }
0x4b: {  	_ =	shalt  }
0x4c: {  	_ =	shalt  }
0x4d: {  	_ =	shalt  }
0x4e: {  	_ =	shalt  }
0x4f: {  	_ =	shalt  }
0x50: {  	_ =	shalt  }
0x51: {  	_ =	shalt  }
0x52: {  	_ =	shalt  }
0x53: {  	_ =	shalt  }
0x54: {  	_ =	shalt  }
0x55: {  	_ =	shalt  }
0x56: {  	_ =	shalt  }
0x57: {  	_ =	shalt  }
0x58: {  	_ =	shalt  }
0x59: {  	_ =	shalt  }
0x5a: {  	_ =	shalt  }
0x5b: {  	_ =	shalt  }
0x5c: {  	_ =	shalt  }
0x5d: {  	_ =	shalt  }
0x5e: {  	_ =	shalt  }
0x5f: {  	_ =	shalt  }
0x60: {  	_ =	shalt  }
0x61: {  	_ =	shalt  }
0x62: {  	_ =	shalt  }
0x63: {  	_ =	shalt  }
0x64: {  	_ =	shalt  }
0x65: {  	_ =	shalt  }
0x66: {  	_ =	shalt  }
0x67: {  	_ =	shalt  }
0x68: {  	_ =	shalt  }
0x69: {  	_ =	shalt  }
0x6a: {  	_ =	shalt  }
0x6b: {  	_ =	shalt  }
0x6c: {  	_ =	shalt  }
0x6d: {  	_ =	shalt  }
0x6e: {  	_ =	shalt  }
0x6f: {  	_ =	shalt  }
0x70: {  	_ =	shalt  }
0x71: {  	_ =	shalt  }
0x72: {  	_ =	shalt  }
0x73: {  	_ =	shalt  }
0x74: {  	_ =	shalt  }
0x75: {  	_ =	shalt  }
0x76: {  	_ =	shalt  }
0x77: {  	_ =	shalt  }
0x78: {  	_ =	shalt  }
0x79: {  	_ =	shalt  }
0x7a: {  	_ =	shalt  }
0x7b: {  	_ =	shalt  }
0x7c: {  	_ =	shalt  }
0x7d: {  	_ =	shalt  }
0x7e: {  	_ =	shalt  }
0x7f: {  	_ =	shalt  }
0x80: {  	_ =	shalt  }
0x81: {  	_ =	shalt  }
0x82: {  	_ =	shalt  }
0x83: {  	_ =	shalt  }
0x84: {  	_ =	shalt  }
0x85: {  	_ =	shalt  }
0x86: {  	_ =	shalt  }
0x87: {  	_ =	shalt  }
.Lfunc_end0:
.L_simem_size_0:
called_computation.2_lowered:
.L_overlay_start_0:
0x88: {  	s2 =	sld [smem:$0x3FD9]  }
0x89: {  	s3 =	sld [smem:$0x3FFE];
	_ =	sdelay $0x1  }
0x8a: {  	s1 =	srdreg.scid  }
0x8b: {  	s0 =	sand.u32 $0x1, s1  }
0x8c: {  	s17 =	sshll.u32 s0, $0xA;
	s2 =	sadd.s32 s3, s2  }
0x8d: {  	s2 =	sadd.s32 s2, s17  }
0x8e: {  	[smem:$0x3FC2] =	sst s2  }
0x8f: {  	_ = 	snop  }
0x90: {  	s2 =	sld [smem:$0x3FD0];
	(tm) =	ssettm $0x1  }
0x91: {  	s18 =	sld [smem:$0x3FFB];
	_ =	sdelay $0x3  }
0x92: {  	_ =	strace s18  }
0x93: {  	s3 =	sld [smem:$0x3FFC];
	_ =	sdelay $0x3  }
0x94: {  	_ =	strace s3  }
0x95: {  	s3 =	sld [smem:$0x3FFD];
	_ =	sdelay $0x3  }
0x96: {  	_ =	strace s3  }
0x97: {  	_ =	strace $0x8FFFFFFF  }
0x98: {  	s19 =	sld [smem:$0x3FDB];
	_ =	sdelay $0x1  }
0x99: {  	s4 =	simm.s32 $_scs_section_size  }
0x9a: {  	s5 =	simm.s32 $_size__tile_overlayer_lowered;
	s6 =	simm.s32 $_tile_overlayer_lowered  }
0x9b: {  	s22 =	simm.s32 $0x1BFF;
	s21 =	sshll.u32 s6, $0x1;
	s3 =	sadd.s32 s4, s19  }
0x9c: {  	s7 =	simm.s32 $0x0;
	s20 =	sshll.u32 s5, $0x1;
	s5 =	sadd.s32 s21, s3  }
0x9d: {  	[timem:s7], [sflag:s22] =	dma.local [hbm:s5], s20  }
0x9e: {  	_ =	swait.ge [sflag:s22], s20  }
0x9f: {  	s4 =	ssub.s32 $0x0, s20;
	[sflag:s22] =	ssyncset.done $0x0  }
0xa0: {  	[sflag:s22] =	ssyncadd.s32 s4;
	_ =	sdelay $0x1  }
0xa1: {  	s23 =	simm.s32 $0x1B8B  }
0xa2: {  	_ =	swait.ge [sflag:s23], $0x1  }
0xa3: {  	[sflag:s23] =	ssyncset.done $0x0  }
0xa4: {  	s25 =	simm.s32 $0x1B8E;
	s24 =	sld [smem:$0x3FFE];
	[sflag:s23] =	ssyncadd.s32 $0xFFFFFFFF  }
0xa5: {  	s26 =	simm.s32 $execute0_lowered;
	[smem:$0x3FD2] =	sst s25  }
0xa6: {  	s5 =	sshll.u32 s26, $0x1;
	_ =	strace $0x8000004C;
	[dreg:$0x1] =	wrdreg $0xFFFFFFFF  }
0xa7: {  	s28 =	simm.s32 $_size_execute0_lowered;
	s3 =	sadd.s32 s3, s5;
	[dreg:$0x0] =	wrdreg $0x0  }
0xa8: {  	s5 =	sshll.u32 s28, $0x1;
	[dreg:$0x2] =	wrdreg s3  }
0xa9: {  	[dreg:$0x3] =	wrdreg s5  }
0xaa: {  	[dreg:$0x4] =	wrdreg $0xC0  }
0xab: {  	_ =	task [dreg:s7], $0x5FFFF  }
0xac: {  	[dreg:$0x1] =	wrdreg $0xFFFFFFFF  }
0xad: {  	[dreg:$0x0] =	wrdreg $0x60  }
0xae: {  	[dreg:$0x2] =	wrdreg s2  }
0xaf: {  	[dreg:$0x3] =	wrdreg s24  }
0xb0: {  	[dreg:$0x4] =	wrdreg $0xA8000  }
0xb1: {  	[dreg:$0x5] =	wrdreg $0x9  }
0xb2: {  	_ =	task.clear_ibuf [dreg:s7], $0x6FFFF;
	_ =	strace $0x9000004C  }
0xb3: {  	s29 =	simm.s32 $0x9;
	_ =	strace $0x8000004E  }
0xb4: {  	_ =	swait.ge [sflag:s29], $0x1  }
0xb5: {  	[sflag:s29] =	ssyncadd.s32 $0xFFFFFFFF  }
0xb6: {  	_ =	strace $0x9000004E  }
0xb7: {  	_ =	sfence  }
0xb8: {  	s30 =	sld [smem:$0x0];
	_ =	sdelay $0x2  }
0xb9: {  	s31 =	sshll.u32 s1, $0xD;
	s1 =	sshrl.u32 s1, $0x2  }
0xba: {  	s3 =	sand.u32 $0x4000, s31;
	s1 =	sadd.s32 s1, s30  }
0xbb: {  	s0 =	sor.u32 s3, s0;
	s1 =	sshll.u32 s1, $0x11  }
0xbc: {  	s0 =	sor.u32 s1, s0  }
0xbd: {  	s0 =	sadd.s32 $0x8F2B, s0  }
0xbe: {  	[sflag:s0] =	ssyncadd.remote.s32 $0x1  }
0xbf: {  	_ =	sfence.sel $0xFFFF  }
0xc0: {  	[dreg:$0x0] =	wrdreg $0xFFFFFFFF;
	(pc) =	sbr.abs _section_cstart, $3  }
0xc1: {  	[dreg:$0x1] =	wrdreg $0xFFFFFFFF  }
0xc2: {  	_ =	task.clear_ibuf [dreg:s7], $0x2FFFF;
	_ =	strace $0x9FFFFFFF  }
0xc3: {  	(tm) =	ssettm $0x7FFFFFFF  }
tec
execute0_lowered:
.L_overlay_start_1:
0x0: {  	(tag) =	ssettag $0x1  }
0x1: {  	s1 =	rddreg [dreg:$0x0]  }
0x2: {  	s6 =	rddreg [dreg:$0x1]  }
0x3: {  	s2 =	rddreg [dreg:$0x2]  }
0x4: {  	s3 =	srdreg.scid;
	s0 =	rddreg [dreg:$0x3];
	s4 =	simm.s32 $0x0  }
0x5: {  	s16 =	simm.s32 $0x1400;
	s17 =	simm.s32 $0x80;
	s18 =	simm.s32 $0x2800  }
0x6: {  	s19 =	simm.s32 $0x6800;
	s20 =	simm.s32 $0x1;
	s21 =	simm.s32 $0x2  }
0x7: {  	s22 =	simm.s32 $0x3;
	s23 =	simm.s32 $0x4;
	s24 =	simm.s32 $0x2700  }
0x8: {  	s25 =	simm.s32 $0x2780;
	s7 =	sand.u32 $0x1, s3;
	s3 =	stileid.u32  }
0x9: {  	s28 =	simm.s32 $0x0;
	[smem:$0x7FF] =	sst s4;
	s5 =	smul.u32 $0x13C000, s7  }
0xa: {  	s10 =	sadd.s32 $0xCC00, s6;
	s11 =	sadd.s32 $0x2C00, s6;
	s8 =	smul.u32 $0x13C00, s3  }
0xb: {  	_ =	strace $0x8000004D;
	s9 =	sshll.u32 s7, $0x4;
	s7 =	ssub.s32 $0x2, s7  }
0xc: {  	s12 =	smul.u32 $0x4F000, s3;
	s9 =	sor.u32 s3, s9;
	s26 =	sshrl.u32 s7, $0x1  }
0xd: {  	s8 =	sadd.s32 s8, s5;
	s5 =	sadd.s32 $0x16C00, s6;
	s29 =	smul.u32 $0x2800, s9  }
0xe: {  	s14 =	ssub.s32 s7, s26;
	s30 =	sshrl.u32 s12, $0x2;
	s8 =	sshrl.u32 s8, $0x3  }
0xf: {  	s26 =	simm.s32 $0x5;
	s13 =	sadd.s32 s8, s6;
	s6 =	sshll.u32 s3, $0x6  }
0x10: {  	s15 =	sadd.s32 s30, s2;
	s31 =	sshrl.u32 s29, $0x3;
	s7 =	sor.u32 $0x1C06, s6  }
0x11: {  	s8 =	sadd.s32 s10, s31;
	s9 =	sadd.s32 s11, s31;
	s12 =	sadd.s32 $0x280, s31  }
0x12: {  	s10 =	sadd.s32 s10, s12;
	s11 =	sadd.s32 s11, s12;
	s12 =	sadd.s32 $0x19400, s13  }
0x13: {  	s13 =	smax.u32 s14, $0x1;
	s14 =	sshrl.u32 s15, $0x3;
	s15 =	simm.s32 $0x6  }
.LBB2_1:
0x14: {  	[spmem:s14], [sflag:s7] =	dma.local [hbm:s5], $0x2780  }
0x15: {  	_ =	swait.ge [sflag:s15], $0x2780  }
0x16: {  	[sflag:s15] =	ssyncset.done $0x0  }
0x17: {  	[sflag:s15] =	ssyncadd.s32 $0xFFFFD880  }
0x18: {  	[bflag:$0x0] =	sbarrier.arrive $0xFFFF  }
0x19: {  	[tilespmem:s4], [sflag:$0x6] =	stream.linear.gather [hbm4b:s8+s4], $0x1400, $0x38;
	[tilespmem:$0x1E400] =	vst v63  }
0x1a: {  	_ =	swait.ge [sflag:s15], $0x1400  }
0x1b: {  	[sflag:s15] =	ssyncset.done $0x0  }
0x1c: {  	[sflag:s15] =	ssyncadd.s32 $0xFFFFEC00  }
0x1d: {  	[tilespmem:s16], [sflag:$0x6] =	stream.linear.gather [hbm4b:s9+s4], $0x1400, $0x38;
	[tilespmem:$0x1E400] =	vst v63  }
0x1e: {  	_ =	swait.ge [sflag:s15], $0x1400  }
0x1f: {  	[sflag:s15] =	ssyncset.done $0x0  }
0x20: {  	[sflag:s15] =	ssyncadd.s32 $0xFFFFEC00  }
0x21: {  	[tilespmem:s18], [sflag:$0x1] =	stream.indirect.gather [hbm4b:s1+s17], $0x80, s4, s17, $0xb8;
	[tilespmem:$0x1E400] =	vst v63  }
0x22: {  	_ = 	snop  }
0x23: {  	[tilespmem:s19], [sflag:$0x2] =	stream.indirect.gather [hbm4b:s1+s17], $0x80, s17, s17, $0xb8;
	[tilespmem:$0x1E400] =	vst v63  }
0x24: {  	_ =	swait.ge [sflag:s20], $0x4000  }
0x25: {  	[sflag:s20] =	ssyncset.done $0x0  }
0x26: {  	s29 =	simm.s32 $0x1400;
	[sflag:s20] =	ssyncadd.s32 $0xFFFFC000  }
0x27: {  	[spmem:s2] =	stream.indirect.scatter.add.f32 [tilespmem:s18], [sflag:$0x3], $0x80, s29, s17, $0xb8;
	[tilespmem:$0x1E400] =	vst v63  }
0x28: {  	_ =	swait.ge [sflag:s21], $0x4000  }
0x29: {  	[sflag:s21] =	ssyncset.done $0x0  }
0x2a: {  	s29 =	simm.s32 $0x1480;
	[sflag:s21] =	ssyncadd.s32 $0xFFFFC000  }
0x2b: {  	[spmem:s2] =	stream.indirect.scatter.add.f32 [tilespmem:s19], [sflag:$0x4], $0x80, s29, s17, $0xb8;
	[tilespmem:$0x1E400] =	vst v63  }
0x2c: {  	_ =	swait.ge [sflag:s22], $0x4000  }
0x2d: {  	[sflag:s22] =	ssyncset.done $0x0  }
0x2e: {  	s29 =	simm.s32 $0x100;
	[sflag:s22] =	ssyncadd.s32 $0xFFFFC000  }
0x2f: {  	[tilespmem:s18], [sflag:$0x1] =	stream.indirect.gather [hbm4b:s1+s17], $0x80, s29, s17, $0xb8;
	[tilespmem:$0x1E400] =	vst v63  }
0x30: {  	_ =	swait.ge [sflag:s23], $0x4000  }
0x31: {  	[sflag:s23] =	ssyncset.done $0x0  }
0x32: {  	s30 =	simm.s32 $0x180;
	s29 =	simm.s32 $0x400;
	[sflag:s23] =	ssyncadd.s32 $0xFFFFC000  }
.LBB2_2:
0x33: {  	[tilespmem:s19], [sflag:$0x2] =	stream.indirect.gather [hbm4b:s1+s17], $0x80, s30, s17, $0xb8;
	[tilespmem:$0x1E400] =	vst v63  }
0x34: {  	s30 =	smov.u32 s29  }
0x35: {  	p0 =	sne.s32 s29, $0x4800;
	s29 =	sadd.s32 $0x400, s29;
	_ =	swait.ge [sflag:s20], $0x4000  }
0x36: {  	s30 =	sshra.s32 s30, $0x2;
	[sflag:s20] =	ssyncset.done $0x0  }
0x37: {  	s31 =	sadd.s32 $0x1400, s30;
	[sflag:s20] =	ssyncadd.s32 $0xFFFFC000  }
0x38: {  	[spmem:s2] =	stream.indirect.scatter.add.f32 [tilespmem:s18], [sflag:$0x3], $0x80, s31, s17, $0xb8;
	[tilespmem:$0x1E400] =	vst v63  }
0x39: {  	_ =	swait.ge [sflag:s21], $0x4000  }
0x3a: {  	[sflag:s21] =	ssyncset.done $0x0  }
0x3b: {  	s31 =	sadd.s32 $0x1480, s30;
	[sflag:s21] =	ssyncadd.s32 $0xFFFFC000  }
0x3c: {  	[spmem:s2] =	stream.indirect.scatter.add.f32 [tilespmem:s19], [sflag:$0x4], $0x80, s31, s17, $0xb8;
	[tilespmem:$0x1E400] =	vst v63  }
0x3d: {  	_ =	swait.ge [sflag:s22], $0x4000  }
0x3e: {  	[sflag:s22] =	ssyncset.done $0x0  }
.Ltmp0:
0x3f: {  	s31 =	sadd.s32 $0x100, s30;
	[sflag:s22] =	ssyncadd.s32 $0xFFFFC000;
	(pc) =	sbr.rel @p0 .LBB2_2-.Ltmp0, $4  }
0x40: {  	[tilespmem:s18], [sflag:$0x1] =	stream.indirect.gather [hbm4b:s1+s17], $0x80, s31, s17, $0xb8;
	[tilespmem:$0x1E400] =	vst v63  }
0x41: {  	_ =	swait.ge [sflag:s23], $0x4000  }
0x42: {  	[sflag:s23] =	ssyncset.done $0x0  }
0x43: {  	s30 =	sadd.s32 $0x180, s30;
	[sflag:s23] =	ssyncadd.s32 $0xFFFFC000  }
0x44: {  	[tilespmem:s19], [sflag:$0x2] =	stream.indirect.gather [hbm4b:s1+s17], $0x80, s30, s17, $0xb8;
	[tilespmem:$0x1E400] =	vst v63  }
0x45: {  	_ =	swait.ge [sflag:s20], $0x4000  }
0x46: {  	[sflag:s20] =	ssyncset.done $0x0  }
0x47: {  	[sflag:s20] =	ssyncadd.s32 $0xFFFFC000  }
0x48: {  	[spmem:s2] =	stream.indirect.scatter.add.f32 [tilespmem:s18], [sflag:$0x3], $0x80, s24, s17, $0xb8;
	[tilespmem:$0x1E400] =	vst v63  }
0x49: {  	_ =	swait.ge [sflag:s21], $0x4000  }
0x4a: {  	[sflag:s21] =	ssyncset.done $0x0  }
0x4b: {  	[sflag:s21] =	ssyncadd.s32 $0xFFFFC000  }
0x4c: {  	[spmem:s2] =	stream.indirect.scatter.add.f32 [tilespmem:s19], [sflag:$0x4], $0x80, s25, s17, $0xb8;
	[tilespmem:$0x1E400] =	vst v63  }
0x4d: {  	_ =	swait.ge [sflag:s22], $0x4000  }
0x4e: {  	[sflag:s22] =	ssyncset.done $0x0  }
0x4f: {  	[sflag:s22] =	ssyncadd.s32 $0xFFFFC000  }
0x50: {  	_ =	swait.ge [sflag:s23], $0x4000  }
0x51: {  	[sflag:s23] =	ssyncset.done $0x0  }
0x52: {  	s29 =	simm.s32 $0x0;
	[sflag:s23] =	ssyncadd.s32 $0xFFFFC000  }
0x53: {  	[tilespmem:s29], [sflag:$0x6] =	stream.linear.gather [hbm4b:s10+s29], $0x1400, $0x38;
	[tilespmem:$0x1E400] =	vst v63  }
0x54: {  	_ =	swait.ge [sflag:s15], $0x1400  }
0x55: {  	[sflag:s15] =	ssyncset.done $0x0  }
0x56: {  	[sflag:s15] =	ssyncadd.s32 $0xFFFFEC00  }
0x57: {  	[tilespmem:s16], [sflag:$0x6] =	stream.linear.gather [hbm4b:s11+s29], $0x1400, $0x38;
	[tilespmem:$0x1E400] =	vst v63  }
0x58: {  	_ =	swait.ge [sflag:s15], $0x1400  }
0x59: {  	[sflag:s15] =	ssyncset.done $0x0  }
0x5a: {  	[sflag:s15] =	ssyncadd.s32 $0xFFFFEC00  }
0x5b: {  	[tilespmem:s18], [sflag:$0x1] =	stream.indirect.gather [hbm4b:s1+s17], $0x80, s29, s17, $0xb8;
	[tilespmem:$0x1E400] =	vst v63  }
0x5c: {  	_ = 	snop  }
0x5d: {  	[tilespmem:s19], [sflag:$0x2] =	stream.indirect.gather [hbm4b:s1+s17], $0x80, s17, s17, $0xb8;
	[tilespmem:$0x1E400] =	vst v63  }
0x5e: {  	_ =	swait.ge [sflag:s20], $0x4000  }
0x5f: {  	[sflag:s20] =	ssyncset.done $0x0  }
0x60: {  	s29 =	simm.s32 $0x1400;
	[sflag:s20] =	ssyncadd.s32 $0xFFFFC000  }
0x61: {  	[spmem:s2] =	stream.indirect.scatter.add.f32 [tilespmem:s18], [sflag:$0x3], $0x80, s29, s17, $0xb8;
	[tilespmem:$0x1E400] =	vst v63  }
0x62: {  	_ =	swait.ge [sflag:s21], $0x4000  }
0x63: {  	[sflag:s21] =	ssyncset.done $0x0  }
0x64: {  	s29 =	simm.s32 $0x1480;
	[sflag:s21] =	ssyncadd.s32 $0xFFFFC000  }
0x65: {  	[spmem:s2] =	stream.indirect.scatter.add.f32 [tilespmem:s19], [sflag:$0x4], $0x80, s29, s17, $0xb8;
	[tilespmem:$0x1E400] =	vst v63  }
0x66: {  	_ =	swait.ge [sflag:s22], $0x4000  }
0x67: {  	[sflag:s22] =	ssyncset.done $0x0  }
0x68: {  	s29 =	simm.s32 $0x100;
	[sflag:s22] =	ssyncadd.s32 $0xFFFFC000  }
0x69: {  	[tilespmem:s18], [sflag:$0x1] =	stream.indirect.gather [hbm4b:s1+s17], $0x80, s29, s17, $0xb8;
	[tilespmem:$0x1E400] =	vst v63  }
0x6a: {  	_ =	swait.ge [sflag:s23], $0x4000  }
0x6b: {  	[sflag:s23] =	ssyncset.done $0x0  }
0x6c: {  	s30 =	simm.s32 $0x180;
	s29 =	simm.s32 $0x400;
	[sflag:s23] =	ssyncadd.s32 $0xFFFFC000  }
.LBB2_4:
0x6d: {  	[tilespmem:s19], [sflag:$0x2] =	stream.indirect.gather [hbm4b:s1+s17], $0x80, s30, s17, $0xb8;
	[tilespmem:$0x1E400] =	vst v63  }
0x6e: {  	s30 =	smov.u32 s29  }
0x6f: {  	p0 =	sne.s32 s29, $0x4800;
	s29 =	sadd.s32 $0x400, s29;
	_ =	swait.ge [sflag:s20], $0x4000  }
0x70: {  	s30 =	sshra.s32 s30, $0x2;
	[sflag:s20] =	ssyncset.done $0x0  }
0x71: {  	s31 =	sadd.s32 $0x1400, s30;
	[sflag:s20] =	ssyncadd.s32 $0xFFFFC000  }
0x72: {  	[spmem:s2] =	stream.indirect.scatter.add.f32 [tilespmem:s18], [sflag:$0x3], $0x80, s31, s17, $0xb8;
	[tilespmem:$0x1E400] =	vst v63  }
0x73: {  	_ =	swait.ge [sflag:s21], $0x4000  }
0x74: {  	[sflag:s21] =	ssyncset.done $0x0  }
0x75: {  	s31 =	sadd.s32 $0x1480, s30;
	[sflag:s21] =	ssyncadd.s32 $0xFFFFC000  }
0x76: {  	[spmem:s2] =	stream.indirect.scatter.add.f32 [tilespmem:s19], [sflag:$0x4], $0x80, s31, s17, $0xb8;
	[tilespmem:$0x1E400] =	vst v63  }
0x77: {  	_ =	swait.ge [sflag:s22], $0x4000  }
0x78: {  	[sflag:s22] =	ssyncset.done $0x0  }
.Ltmp1:
0x79: {  	s31 =	sadd.s32 $0x100, s30;
	[sflag:s22] =	ssyncadd.s32 $0xFFFFC000;
	(pc) =	sbr.rel @p0 .LBB2_4-.Ltmp1, $4  }
0x7a: {  	[tilespmem:s18], [sflag:$0x1] =	stream.indirect.gather [hbm4b:s1+s17], $0x80, s31, s17, $0xb8;
	[tilespmem:$0x1E400] =	vst v63  }
0x7b: {  	_ =	swait.ge [sflag:s23], $0x4000  }
0x7c: {  	[sflag:s23] =	ssyncset.done $0x0  }
0x7d: {  	s30 =	sadd.s32 $0x180, s30;
	[sflag:s23] =	ssyncadd.s32 $0xFFFFC000  }
0x7e: {  	[tilespmem:s19], [sflag:$0x2] =	stream.indirect.gather [hbm4b:s1+s17], $0x80, s30, s17, $0xb8;
	[tilespmem:$0x1E400] =	vst v63  }
0x7f: {  	_ =	swait.ge [sflag:s20], $0x4000  }
0x80: {  	[sflag:s20] =	ssyncset.done $0x0  }
0x81: {  	[sflag:s20] =	ssyncadd.s32 $0xFFFFC000  }
0x82: {  	[spmem:s2] =	stream.indirect.scatter.add.f32 [tilespmem:s18], [sflag:$0x3], $0x80, s24, s17, $0xb8;
	[tilespmem:$0x1E400] =	vst v63  }
0x83: {  	_ =	swait.ge [sflag:s21], $0x4000  }
0x84: {  	[sflag:s21] =	ssyncset.done $0x0  }
0x85: {  	[sflag:s21] =	ssyncadd.s32 $0xFFFFC000  }
0x86: {  	[spmem:s2] =	stream.indirect.scatter.add.f32 [tilespmem:s19], [sflag:$0x4], $0x80, s25, s17, $0xb8;
	[tilespmem:$0x1E400] =	vst v63  }
0x87: {  	_ =	swait.ge [sflag:s22], $0x4000  }
0x88: {  	[sflag:s22] =	ssyncset.done $0x0  }
0x89: {  	[sflag:s22] =	ssyncadd.s32 $0xFFFFC000  }
0x8a: {  	_ =	swait.ge [sflag:s23], $0x4000  }
0x8b: {  	s28 =	sadd.s32 $0x1, s28;
	[sflag:s23] =	ssyncset.done $0x0  }
0x8c: {  	p0 =	sne.s32 s28, s13;
	[sflag:s23] =	ssyncadd.s32 $0xFFFFC000  }
.Ltmp2:
0x8d: {  	s29 =	sor.u32 $0x1C05, s6;
	[bflag:$0x0] =	sbarrier.arrive $0xFFFF;
	(pc) =	sbr.rel @p0 .LBB2_1-.Ltmp2, $4  }
0x8e: {  	[hbm:s12], [sflag:s29] =	dma.local [spmem:s14], $0x2780  }
0x8f: {  	_ =	swait.ge [sflag:s26], $0x2780  }
0x90: {  	[sflag:s26] =	ssyncset.done $0x0  }
0x91: {  	[sflag:s26] =	ssyncadd.s32 $0xFFFFD880  }
0x92: {  	_ =	sfence.sel $0x180000  }
0x93: {  	[bflag:$0x0] =	sbarrier.arrive $0xFFFF  }
0x94: {  	p0 =	sne.s32 s3, $0x0;
	_ =	strace $0x9000004D  }
0x95: {  	s0 =	sadd.s32 @!p0 $0x100000, s0;
	[bflag:$0x2] =	sbarrier.arrive $0xFFFF  }
0x96: {  	[sflag:s0] =	ssyncadd.tile.s32 @!p0 $0x1;
	_ =	shalt  }
.Lfunc_end2:
_tile_overlayer_lowered:
.L_overlay_start_2:
0x97: {  	(tag) =	ssettag $0x2  }
0x98: {  	s0 =	rddreg [dreg:$0x0];
	s2 =	stileid.u32  }
0x99: {  	s1 =	rddreg [dreg:$0x1];
	p0 =	sne.s32 s2, $0x0  }
0x9a: {  	s3 =	rddreg [dreg:$0x2];
	[bflag:$0x3] =	sbarrier.arrive $0xFFFF;
	s2 =	simm.s32 @!p0 $0x1C06  }
0x9b: {  	[timem:s3], [sflag:s2] =	dma.local @!p0 [hbm:s0], s1  }
0x9c: {  	s0 =	simm.s32 @!p0 $0x6  }
0x9d: {  	_ =	swait.ge @!p0 [sflag:s0], s1  }
0x9e: {  	s1 =	ssub.s32 @!p0 $0x0, s1;
	[sflag:s0] =	ssyncset.done @!p0 $0x0  }
0x9f: {  	[sflag:s0] =	ssyncadd.s32 @!p0 s1  }
0xa0: {  	[bflag:$0x3] =	sbarrier.arrive $0xFFFF  }
0xa1: {  	_ =	shalt  }

// kernel: kernel.8.cloned.1.call-start
scs
__scs_entry_jumppad:
0x0: {  	(pc) =	sbr.rel $0x88, $3  }
0x1: {  	(tag) =	ssettag $0x0;
	lr =	simm.s32 $0x1  }
0x2: {  	[smem:$0x3F9B] =	sst lr;
	_ =	strace $0xD0000000  }
0x3: {  	_ = 	snop  }
0x4: {  	_ = 	snop  }
0x5: {  	_ = 	snop  }
0x6: {  	_ = 	snop  }
0x7: {  	_ = 	snop  }
__scs_overlays_trampoline_lowered:
0x8: {  	[smem:$0x3FAA] =	sst s0  }
0x9: {  	[smem:$0x3FAB] =	sst s1  }
0xa: {  	[smem:$0x3FAC] =	sst s2  }
0xb: {  	[smem:$0x3FAD] =	sst s3  }
0xc: {  	[smem:$0x3FAE] =	sst s4  }
0xd: {  	[smem:$0x3FAF] =	sst s5  }
0xe: {  	[smem:$0x3FB0] =	sst s6  }
0xf: {  	[smem:$0x3FB1] =	sst s7  }
0x10: {  	[smem:$0x3FB2] =	sst s8  }
0x11: {  	[smem:$0x3FB3] =	sst s9;
	s0 =	simm.s32 @!p0 $0x0  }
0x12: {  	s1 =	sld [smem:$0x3F99];
	s0 =	simm.s32 @p0 $0x1  }
0x13: {  	[smem:$0x3FB4] =	sst s0;
	s0 =	simm.s32 @!p1 $0x0  }
0x14: {  	s2 =	sld [smem:$0x3F98];
	s0 =	simm.s32 @p1 $0x1  }
0x15: {  	[smem:$0x3FB5] =	sst s0;
	s0 =	simm.s32 @!p2 $0x0  }
0x16: {  	s3 =	sld [smem:$0x3FDB];
	s0 =	simm.s32 @p2 $0x1  }
0x17: {  	s4 =	simm.s32 $0x1BF5;
	[smem:$0x3FB7] =	sst s0  }
0x18: {  	s0 =	sld [smem:$0x3F9A];
	_ =	swait.ge [sflag:s4], $0x0  }
0x19: {  	s7 =	sld [smem:$0x3F9B]  }
0x1a: {  	s8 =	sadd.s32 $0xFFFFE003, lr  }
0x1b: {  	s9 =	sadd.s32 $0xFFFFFEF7, lr;
	s5 =	simm.s32 $0xFFFFFFFF;
	p2 =	slt.u32 s8, $0xFFFFF086  }
0x1c: {  	p1 =	slt.u32 s9, $0xF7A;
	s5 =	simm.s32 @!p2 $0x0  }
0x1d: {  	s5 =	simm.s32 @p1 $0x1;
	p0 =	seq.s32 s7, s2  }
0x1e: {  	s7 =	smul.u32 @!p0 $0xF7A, s2;
	p2 =	seq.s32 @!p0 s5, $0x0  }
0x1f: {  	s9 =	smul.u32 $0xF7A, s1;
	s8 =	simm.s32 @!p0 $0x1BF5;
	p2 =	por !p2, p0  }
0x20: {  	[sflag:s8] =	ssyncset.s32 @!p0 $0xFFFFF086;
	s6 =	sadd.s32 @!p0 s3, s7;
	s7 =	simm.s32 @!p0 $0x108  }
0x21: {  	s3 =	sadd.s32 s3, s9;
	s6 =	sadd.s32 @!p0 $0x88, s6;
	s7 =	simm.s32 @p2 $0x1082  }
0x22: {  	[simem:s7], [sflag:s8] =	dma.local @!p0 [hbm:s6], $0xF7A  }
0x23: {  	s9 =	sor.u32 $0xD0000000, s2;
	s6 =	simm.s32 $0x108;
	_ =	swait.ge @!p0 [sflag:s8], $0x0  }
0x24: {  	s3 =	sadd.s32 $0x88, s3;
	s6 =	simm.s32 @!p1 $0x1082;
	[sflag:s4] =	ssyncset.s32 $0xFFFFF086  }
0x25: {  	[simem:s6], [sflag:s4] =	dma.local [hbm:s3], $0xF7A  }
0x26: {  	[smem:$0x3F9B] =	sst s1;
	(tag) =	ssettag s2;
	_ =	strace s9  }
0x27: {  	s1 =	sld [smem:$0x3FAB]  }
0x28: {  	s2 =	sld [smem:$0x3FAC]  }
0x29: {  	s4 =	sld [smem:$0x3FAE]  }
0x2a: {  	p0 =	seq.s32 s5, $0x0;
	s5 =	sld [smem:$0x3FAF]  }
0x2b: {  	s6 =	sld [smem:$0x3FB0]  }
0x2c: {  	s7 =	sld [smem:$0x3FB1]  }
0x2d: {  	s3 =	simm.s32 $0x108;
	s8 =	sld [smem:$0x3FB2]  }
0x2e: {  	s3 =	simm.s32 @!p0 $0x1082;
	s9 =	sld [smem:$0x3FB3]  }
0x2f: {  	lr =	sadd.s32 s0, s3;
	s0 =	sld [smem:$0x3FAA]  }
0x30: {  	s3 =	sld [smem:$0x3FAD]  }
0x31: {  	[smem:$0x3FB6] =	sst s10  }
0x32: {  	s10 =	sld [smem:$0x3FB4];
	_ =	sdelay $0x3  }
0x33: {  	p0 =	seq.s32 s10, $0x1;
	s10 =	sld [smem:$0x3FB6];
	_ =	sdelay $0x3  }
0x34: {  	[smem:$0x3FB6] =	sst s10  }
0x35: {  	s10 =	sld [smem:$0x3FB5];
	_ =	sdelay $0x3  }
0x36: {  	p1 =	seq.s32 s10, $0x1;
	s10 =	sld [smem:$0x3FB6];
	_ =	sdelay $0x3  }
0x37: {  	[smem:$0x3FB6] =	sst s10  }
0x38: {  	s10 =	sld [smem:$0x3FB7]  }
0x39: {  	_ = 	snop;
	(pc) =	sbr.ind lr, $3  }
0x3a: {  	_ = 	snop  }
0x3b: {  	_ = 	snop  }
0x3c: {  	p2 =	seq.s32 s10, $0x1;
	s10 =	sld [smem:$0x3FB6]  }
0x3d: {  	_ =	shalt  }
0x3e: {  	_ =	shalt  }
0x3f: {  	_ =	shalt  }
0x40: {  	_ =	shalt  }
0x41: {  	_ =	shalt  }
0x42: {  	_ =	shalt  }
0x43: {  	_ =	shalt  }
0x44: {  	_ =	shalt  }
0x45: {  	_ =	shalt  }
0x46: {  	_ =	shalt  }
0x47: {  	_ =	shalt  }
0x48: {  	_ =	shalt  }
0x49: {  	_ =	shalt  }
0x4a: {  	_ =	shalt  }
0x4b: {  	_ =	shalt  }
0x4c: {  	_ =	shalt  }
0x4d: {  	_ =	shalt  }
0x4e: {  	_ =	shalt  }
0x4f: {  	_ =	shalt  }
0x50: {  	_ =	shalt  }
0x51: {  	_ =	shalt  }
0x52: {  	_ =	shalt  }
0x53: {  	_ =	shalt  }
0x54: {  	_ =	shalt  }
0x55: {  	_ =	shalt  }
0x56: {  	_ =	shalt  }
0x57: {  	_ =	shalt  }
0x58: {  	_ =	shalt  }
0x59: {  	_ =	shalt  }
0x5a: {  	_ =	shalt  }
0x5b: {  	_ =	shalt  }
0x5c: {  	_ =	shalt  }
0x5d: {  	_ =	shalt  }
0x5e: {  	_ =	shalt  }
0x5f: {  	_ =	shalt  }
0x60: {  	_ =	shalt  }
0x61: {  	_ =	shalt  }
0x62: {  	_ =	shalt  }
0x63: {  	_ =	shalt  }
0x64: {  	_ =	shalt  }
0x65: {  	_ =	shalt  }
0x66: {  	_ =	shalt  }
0x67: {  	_ =	shalt  }
0x68: {  	_ =	shalt  }
0x69: {  	_ =	shalt  }
0x6a: {  	_ =	shalt  }
0x6b: {  	_ =	shalt  }
0x6c: {  	_ =	shalt  }
0x6d: {  	_ =	shalt  }
0x6e: {  	_ =	shalt  }
0x6f: {  	_ =	shalt  }
0x70: {  	_ =	shalt  }
0x71: {  	_ =	shalt  }
0x72: {  	_ =	shalt  }
0x73: {  	_ =	shalt  }
0x74: {  	_ =	shalt  }
0x75: {  	_ =	shalt  }
0x76: {  	_ =	shalt  }
0x77: {  	_ =	shalt  }
0x78: {  	_ =	shalt  }
0x79: {  	_ =	shalt  }
0x7a: {  	_ =	shalt  }
0x7b: {  	_ =	shalt  }
0x7c: {  	_ =	shalt  }
0x7d: {  	_ =	shalt  }
0x7e: {  	_ =	shalt  }
0x7f: {  	_ =	shalt  }
0x80: {  	_ =	shalt  }
0x81: {  	_ =	shalt  }
0x82: {  	_ =	shalt  }
0x83: {  	_ =	shalt  }
0x84: {  	_ =	shalt  }
0x85: {  	_ =	shalt  }
0x86: {  	_ =	shalt  }
0x87: {  	_ =	shalt  }
.Lfunc_end0:
.L_simem_size_0:
called_computation_lowered:
.L_overlay_start_0:
0x88: {  	s2 =	sld [smem:$0x3FD9]  }
0x89: {  	s3 =	sld [smem:$0x3FFE];
	_ =	sdelay $0x1  }
0x8a: {  	s1 =	srdreg.scid  }
0x8b: {  	s0 =	sand.u32 $0x1, s1  }
0x8c: {  	s16 =	sshll.u32 s0, $0xA;
	s2 =	sadd.s32 s3, s2  }
0x8d: {  	s2 =	sadd.s32 s2, s16  }
0x8e: {  	[smem:$0x3FC2] =	sst s2  }
0x8f: {  	_ = 	snop  }
0x90: {  	(tm) =	ssettm $0x1  }
0x91: {  	s17 =	sld [smem:$0x3FFB];
	_ =	sdelay $0x3  }
0x92: {  	_ =	strace s17  }
0x93: {  	s2 =	sld [smem:$0x3FFC];
	_ =	sdelay $0x3  }
0x94: {  	_ =	strace s2  }
0x95: {  	s2 =	sld [smem:$0x3FFD];
	_ =	sdelay $0x3  }
0x96: {  	_ =	strace s2  }
0x97: {  	_ =	strace $0x8FFFFFFF  }
0x98: {  	s18 =	sld [smem:$0x3FDB];
	_ =	sdelay $0x1  }
0x99: {  	s19 =	simm.s32 $_scs_section_size  }
0x9a: {  	s4 =	simm.s32 $_size__tile_overlayer_lowered;
	s5 =	simm.s32 $_tile_overlayer_lowered  }
0x9b: {  	s22 =	simm.s32 $0x1BFF;
	s21 =	sshll.u32 s5, $0x1;
	s2 =	sadd.s32 s19, s18  }
0x9c: {  	s6 =	simm.s32 $0x0;
	s20 =	sshll.u32 s4, $0x1;
	s4 =	sadd.s32 s21, s2  }
0x9d: {  	[timem:s6], [sflag:s22] =	dma.local [hbm:s4], s20  }
0x9e: {  	_ =	swait.ge [sflag:s22], s20  }
0x9f: {  	s3 =	ssub.s32 $0x0, s20;
	[sflag:s22] =	ssyncset.done $0x0  }
0xa0: {  	[sflag:s22] =	ssyncadd.s32 s3;
	_ =	sdelay $0x1  }
0xa1: {  	s23 =	simm.s32 $0x1B8B  }
0xa2: {  	_ =	swait.ge [sflag:s23], $0x1  }
0xa3: {  	[sflag:s23] =	ssyncset.done $0x0  }
0xa4: {  	s25 =	simm.s32 $0x1B8E;
	s24 =	sld [smem:$0x3FFE];
	[sflag:s23] =	ssyncadd.s32 $0xFFFFFFFF  }
0xa5: {  	s26 =	simm.s32 $execute0_lowered;
	[smem:$0x3FD2] =	sst s25  }
0xa6: {  	s4 =	sshll.u32 s26, $0x1;
	_ =	strace $0x80000046;
	[dreg:$0x1] =	wrdreg $0xFFFFFFFF  }
0xa7: {  	s28 =	simm.s32 $_size_execute0_lowered;
	s2 =	sadd.s32 s2, s4;
	[dreg:$0x0] =	wrdreg $0x0  }
0xa8: {  	s4 =	sshll.u32 s28, $0x1;
	[dreg:$0x2] =	wrdreg s2  }
0xa9: {  	[dreg:$0x3] =	wrdreg s4  }
0xaa: {  	[dreg:$0x4] =	wrdreg $0xC0  }
0xab: {  	_ =	task [dreg:s6], $0x5FFFF  }
0xac: {  	[dreg:$0x1] =	wrdreg $0xFFFFFFFF  }
0xad: {  	[dreg:$0x0] =	wrdreg $0x60  }
0xae: {  	[dreg:$0x2] =	wrdreg s24  }
0xaf: {  	[dreg:$0x3] =	wrdreg $0x1B7800  }
0xb0: {  	[dreg:$0x4] =	wrdreg $0x9  }
0xb1: {  	_ =	task.clear_ibuf [dreg:s6], $0x5FFFF;
	_ =	strace $0x90000046  }
0xb2: {  	s29 =	simm.s32 $0x9;
	_ =	strace $0x80000048  }
0xb3: {  	_ =	swait.ge [sflag:s29], $0x1  }
0xb4: {  	[sflag:s29] =	ssyncadd.s32 $0xFFFFFFFF  }
0xb5: {  	_ =	strace $0x90000048  }
0xb6: {  	_ =	sfence  }
0xb7: {  	s30 =	sld [smem:$0x0];
	_ =	sdelay $0x2  }
0xb8: {  	s31 =	sshll.u32 s1, $0xD;
	s1 =	sshrl.u32 s1, $0x2  }
0xb9: {  	s3 =	sand.u32 $0x4000, s31;
	s1 =	sadd.s32 s1, s30  }
0xba: {  	s0 =	sor.u32 s3, s0;
	s1 =	sshll.u32 s1, $0x11  }
0xbb: {  	s0 =	sor.u32 s1, s0  }
0xbc: {  	s0 =	sadd.s32 $0x8F2B, s0  }
0xbd: {  	[sflag:s0] =	ssyncadd.remote.s32 $0x1  }
0xbe: {  	_ =	sfence.sel $0xFFFF  }
0xbf: {  	[dreg:$0x0] =	wrdreg $0xFFFFFFFF;
	(pc) =	sbr.abs _section_cstart, $3  }
0xc0: {  	[dreg:$0x1] =	wrdreg $0xFFFFFFFF  }
0xc1: {  	_ =	task.clear_ibuf [dreg:s6], $0x2FFFF;
	_ =	strace $0x9FFFFFFF  }
0xc2: {  	(tm) =	ssettm $0x7FFFFFFF  }
0xc3: {  	_ =	shalt  }
tec
execute0_lowered:
.L_overlay_start_1:
0x0: {  	(tag) =	ssettag $0x1  }
0x1: {  	s3 =	rddreg [dreg:$0x0]  }
0x2: {  	s0 =	srdreg.scid;
	s10 =	rddreg [dreg:$0x1]  }
0x3: {  	s1 =	stileid.u32;
	s2 =	simm.s32 $0x0;
	s13 =	simm.s32 $0x80  }
0x4: {  	s14 =	simm.s32 $0x400;
	s15 =	simm.s32 $0x4F80;
	s16 =	simm.s32 $0x6380  }
0x5: {  	s17 =	simm.s32 $0x7780;
	s18 =	simm.s32 $0x1400;
	s19 =	simm.s32 $0x13C00  }
0x6: {  	s20 =	simm.s32 $0x0;
	s4 =	sand.u32 $0x1, s0;
	s0 =	rddreg [dreg:$0x2]  }
0x7: {  	[smem:$0x7FF] =	sst s2;
	s7 =	sshrl.u32 s1, $0x3;
	s24 =	smul.u32 $0x14000, s1  }
0x8: {  	s9 =	sadd.s32 $0x16C00, s3;
	s22 =	sshll.u32 s1, $0x7;
	s12 =	smul.u32 $0x5000, s1  }
0x9: {  	p0 =	sne.s32 s1, $0xF;
	s5 =	sshll.u32 s4, $0x4;
	s7 =	smul.u32 $0x4F000, s7  }
0xa: {  	_ =	strace $0x80000047;
	s6 =	ssub.s32 $0x2, s4;
	s21 =	smul.u32 $0x13C000, s4  }
0xb: {  	s25 =	sand.u32 $0x380, s22;
	s5 =	sor.u32 s1, s5;
	s8 =	sshrl.u32 s6, $0x1  }
0xc: {  	s28 =	sshrl.u32 s12, $0x2;
	s12 =	simm.s32 $0x2800;
	s5 =	smul.u32 $0x500, s5  }
0xd: {  	v0 =	vimm.f32 $0.0e+00;
	v1 =	vimm.f32 $1.000000000e+00;
	v2 =	vimm.s32 $0x0;
	s11 =	ssub.s32 s6, s8;
	s23 =	sshrl.u32 s7, $0x2;
	s26 =	sadd.s32 s24, s21  }
.Ltmp0:
0xe: {  	v3 =	vimm.s32 $0x1;
	v4 =	vimm.s32 $0x2;
	v5 =	vimm.s32 $0x3;
	s30 =	sshrl.u32 s21, $0x3;
	s7 =	sadd.s32 $0x12C00, s10;
	(pc) =	sbr.rel .LBB2_1-.Ltmp0, $4  }
0xf: {  	v6 =	vimm.s32 $0x4;
	v7 =	vimm.s32 $0x5;
	v8 =	vimm.s32 $0x6;
	s4 =	sadd.s32 s23, s10;
	s29 =	sshrl.u32 s26, $0x3;
	s31 =	sadd.s32 s9, s30  }
0x10: {  	v9 =	vimm.s32 $0x7;
	v10 =	vimm.s32 $0x8;
	v11 =	vimm.s32 $0x9;
	s5 =	sadd.s32 s5, s3;
	s4 =	sadd.s32 s25, s4;
	s6 =	sadd.s32 s9, s29  }
0x11: {  	v12 =	vimm.s32 $0xA;
	v13 =	vimm.s32 $0xB;
	v14 =	vimm.s32 $0xC;
	s8 =	sadd.s32 $0x25800, s31;
	s9 =	smax.u32 s11, $0x1;
	s11 =	simm.s32 $0x1  }
0x12: {  	v15 =	vimm.s32 $0xD;
	v16 =	vimm.s32 $0xE;
	v17 =	vimm.s32 $0xF;
	s3 =	sadd.s32 $0x2C00, s5;
	s5 =	sadd.s32 s28, s10;
	s10 =	sadd.s32 $0x26800, s10  }
.LBB2_11:
0x13: {  	v18 =	vld [tilespmem:s25+$0x5000]  }
0x14: {  	v19 =	vld [tilespmem:s25+$0x4F80];
	_ =	sdelay $0x1  }
0x15: {  	v20 =	vld [tilespmem:s25+$0x5080];
	_ =	sdelay $0x1  }
0x16: {  	v21 =	vld [tilespmem:s25+$0x5100]  }
0x17: {  	v18 =	vadd.f32 v18, v19  }
0x18: {  	v19 =	vld [tilespmem:s25+$0x5180]  }
0x19: {  	v18 =	vadd.f32 v20, v18  }
0x1a: {  	v47 =	vld [tilespmem:s25+$0x5200]  }
0x1b: {  	v18 =	vadd.f32 v21, v18  }
0x1c: {  	s22 =	sor.u32 s23, s22;
	v48 =	vld [tilespmem:s25+$0x5280]  }
0x1d: {  	s22 =	sor.u32 $0x380, s22;
	v18 =	vadd.f32 v19, v18  }
0x1e: {  	v19 =	vld [tilespmem:s22+$0x4F80]  }
0x1f: {  	v18 =	vadd.f32 v47, v18  }
0x20: {  	v49 =	vld [tilespmem:s25+$0x6380]  }
0x21: {  	v18 =	vadd.f32 v48, v18  }
0x22: {  	v50 =	vld [tilespmem:s25+$0x6400]  }
0x23: {  	v18 =	vadd.f32 v19, v18  }
0x24: {  	v19 =	vld [tilespmem:s25+$0x6480]  }
0x25: {  	v18 =	vadd.f32 v49, v18  }
0x26: {  	v51 =	vld [tilespmem:s25+$0x6500]  }
0x27: {  	v18 =	vadd.f32 v50, v18  }
0x28: {  	v52 =	vld [tilespmem:s25+$0x6580]  }
0x29: {  	v18 =	vadd.f32 v19, v18  }
0x2a: {  	v19 =	vld [tilespmem:s25+$0x6600]  }
0x2b: {  	v18 =	vadd.f32 v51, v18  }
0x2c: {  	v53 =	vld [tilespmem:s25+$0x6680]  }
0x2d: {  	v18 =	vadd.f32 v52, v18  }
0x2e: {  	v54 =	vld [tilespmem:s25+$0x6700]  }
0x2f: {  	v18 =	vadd.f32 v19, v18;
	_ =	sdelay $0x1  }
0x30: {  	v18 =	vadd.f32 v53, v18;
	_ =	sdelay $0x1  }
0x31: {  	v18 =	vadd.f32 v54, v18;
	_ =	sdelay $0x1  }
0x32: {  	v19 =	vperm.xlane v18, v17  }
0x33: {  	s21 =	sadd.s32 $0x800, s21;
	v55 =	vperm.xlane v18, v16  }
0x34: {  	v21 =	vperm.xlane v18, v15;
	[tilespmem:s21+$0x380] =	vst v19  }
0x35: {  	v56 =	vperm.xlane v18, v13;
	[tilespmem:s21+$0x300] =	vst v55  }
0x36: {  	v57 =	vperm.xlane v18, v12;
	[tilespmem:s21+$0x280] =	vst v21  }
0x37: {  	v58 =	vperm.xlane v18, v10;
	[tilespmem:s21+$0x180] =	vst v56  }
0x38: {  	v59 =	vperm.xlane v18, v9;
	[tilespmem:s21+$0x100] =	vst v57  }
0x39: {  	v60 =	vperm.xlane v18, v7;
	[tilespmem:s21+$0x0] =	vst v58  }
0x3a: {  	v19 =	vperm.xlane v18, v14;
	[tilespmem:s21+$0xFFFFFF80] =	vst v59  }
0x3b: {  	v61 =	vperm.xlane v18, v6;
	[tilespmem:s21+$0xFFFFFE80] =	vst v60  }
0x3c: {  	[tilespmem:s21+$0x200] =	vst v19;
	v19 =	vperm.xlane v18, v11  }
0x3d: {  	v62 =	vperm.xlane v18, v4;
	[tilespmem:s21+$0xFFFFFE00] =	vst v61  }
0x3e: {  	[tilespmem:s21+$0x80] =	vst v19;
	v19 =	vperm.xlane v18, v8  }
0x3f: {  	v63 =	vperm.xlane v18, v3;
	[tilespmem:s21+$0xFFFFFD00] =	vst v62  }
0x40: {  	[tilespmem:s21+$0xFFFFFF00] =	vst v19;
	v19 =	vperm.xlane v18, v5  }
0x41: {  	[tilespmem:s21+$0xFFFFFC80] =	vst v63;
	v18 =	vperm.xlane v18, v2  }
0x42: {  	[tilespmem:s21+$0xFFFFFD80] =	vst v19  }
0x43: {  	[tilespmem:s21+$0xFFFFFC00] =	vst v18  }
0x44: {  	[hbm4b:s6+s2] =	stream.linear.scatter [tilespmem:s17], [sflag:$0x1], $0x14000, $0x38;
	[tilespmem:$0x1DF00] =	vst v63  }
0x45: {  	_ =	swait.ge [sflag:s11], $0x14000  }
0x46: {  	[sflag:s11] =	ssyncset.done $0x0  }
0x47: {  	[sflag:s11] =	ssyncadd.s32 $0xFFFEC000  }
.LBB2_12:
0x48: {  	s20 =	sadd.s32 $0x1, s20  }
0x49: {  	p1 =	sne.s32 s20, s9  }
.Ltmp1:
0x4a: {  	_ = 	snop;
	(pc) =	sbr.rel @!p1 .LBB2_13-.Ltmp1, $1  }
0x4b: {  	_ =	sdelay $0x3  }
.LBB2_1:
0x4c: {  	[tilespmem:s2], [sflag:$0x1] =	stream.linear.gather [hbm4b:s3+s2], $0x2800, $0x38;
	[tilespmem:$0x1DF00] =	vst v63  }
0x4d: {  	_ =	swait.ge [sflag:s11], $0x2800  }
0x4e: {  	[sflag:s11] =	ssyncset.done $0x0  }
0x4f: {  	s21 =	simm.s32 $0x0;
	[sflag:s11] =	ssyncadd.s32 $0xFFFFD800  }
.LBB2_2:
0x50: {  	p1 =	sne.s32 s21, $0x9DC0  }
.Ltmp2:
0x51: {  	_ = 	snop;
	(pc) =	sbr.rel @p1 .LBB2_2-.Ltmp2, $3  }
0x52: {  	_ =	sdelay $0x1  }
0x53: {  	s22 =	sshra.s32 s21, $0x2  }
0x54: {  	s21 =	sadd.s32 $0x40, s21;
	[tilespmem:s22+$0x2800] =	vst v0  }
0x55: {  	s21 =	simm.s32 $0x0  }
.LBB2_4:
0x56: {  	s22 =	sshra.s32 s21, $0x2  }
0x57: {  	v18 =	vld [tilespmem:s22+$0x0];
	_ =	sdelay $0x7  }
0x58: {  	[tilespmem:v18+s12+$0x0] =	vst.idx.add.f32.msk $0xffff, v1  }
0x59: {  	v18 =	vld [tilespmem:s22+$0x10];
	_ =	sdelay $0x7  }
0x5a: {  	[tilespmem:v18+s12+$0x0] =	vst.idx.add.f32.msk $0xffff, v1  }
0x5b: {  	v18 =	vld [tilespmem:s22+$0x20];
	_ =	sdelay $0x7  }
0x5c: {  	[tilespmem:v18+s12+$0x0] =	vst.idx.add.f32.msk $0xffff, v1  }
0x5d: {  	v18 =	vld [tilespmem:s22+$0x30];
	_ =	sdelay $0x7  }
0x5e: {  	[tilespmem:v18+s12+$0x0] =	vst.idx.add.f32.msk $0xffff, v1  }
0x5f: {  	v18 =	vld [tilespmem:s22+$0x40];
	_ =	sdelay $0x7  }
0x60: {  	[tilespmem:v18+s12+$0x0] =	vst.idx.add.f32.msk $0xffff, v1  }
0x61: {  	v18 =	vld [tilespmem:s22+$0x50];
	_ =	sdelay $0x7  }
0x62: {  	[tilespmem:v18+s12+$0x0] =	vst.idx.add.f32.msk $0xffff, v1  }
0x63: {  	v18 =	vld [tilespmem:s22+$0x60];
	_ =	sdelay $0x7  }
0x64: {  	[tilespmem:v18+s12+$0x0] =	vst.idx.add.f32.msk $0xffff, v1  }
0x65: {  	v18 =	vld [tilespmem:s22+$0x70];
	_ =	sdelay $0x2  }
0x66: {  	p1 =	sne.s32 s21, $0x9E00  }
.Ltmp3:
0x67: {  	_ = 	snop;
	(pc) =	sbr.rel @p1 .LBB2_4-.Ltmp3, $2  }
0x68: {  	_ =	sdelay $0x2  }
0x69: {  	s21 =	sadd.s32 $0x200, s21;
	[tilespmem:v18+s12+$0x0] =	vst.idx.add.f32.msk $0xffff, v1  }
0x6a: {  	[spmem:s4] =	stream.strided.scatter [tilespmem:s12], [sflag:$0x1], $0x2780, s14, s13, $0x38;
	[tilespmem:$0x1DF00] =	vst v63  }
.Ltmp4:
0x6b: {  	_ =	swait.ge [sflag:s11], $0x2780;
	(pc) =	sbr.rel @p0 .LBB2_9-.Ltmp4, $3  }
0x6c: {  	[sflag:s11] =	ssyncset.done $0x0  }
0x6d: {  	[sflag:s11] =	ssyncadd.s32 $0xFFFFD880  }
0x6e: {  	[bflag:$0x0] =	sbarrier.arrive $0xFFFF;
	_ =	sdelay $0x1  }
0x6f: {  	[tilespmem:s15], [sflag:$0x1] =	stream.linear.gather [spmem:s7], $0x1000, $0x38;
	[tilespmem:$0x1DF00] =	vst v63  }
0x70: {  	_ = 	snop  }
0x71: {  	[tilespmem:s16], [sflag:$0x1] =	stream.linear.gather [spmem:s10], $0x1000, $0x38;
	[tilespmem:$0x1DF00] =	vst v63  }
0x72: {  	s22 =	simm.s32 $0x0;
	_ =	swait.ge [sflag:s11], $0x2000  }
0x73: {  	s23 =	sand.u32 $0x70, s22;
	s24 =	sand.u32 $0xC00, s22;
	[sflag:s11] =	ssyncset.done $0x0  }
0x74: {  	s23 =	sor.u32 s23, s24;
	[sflag:s11] =	ssyncadd.s32 $0xFFFFE000  }
0x75: {  	v18 =	vld [tilespmem:s23+$0x5000]  }
0x76: {  	v19 =	vld [tilespmem:s23+$0x4F80];
	_ =	sdelay $0x1  }
0x77: {  	v20 =	vld [tilespmem:s23+$0x5080];
	_ =	sdelay $0x1  }
0x78: {  	v21 =	vld [tilespmem:s23+$0x5100]  }
0x79: {  	v18 =	vadd.f32 v18, v19  }
0x7a: {  	v19 =	vld [tilespmem:s23+$0x5180]  }
0x7b: {  	v18 =	vadd.f32 v20, v18  }
0x7c: {  	v47 =	vld [tilespmem:s23+$0x5200]  }
0x7d: {  	v18 =	vadd.f32 v21, v18  }
0x7e: {  	s22 =	sor.u32 s22, s22;
	v48 =	vld [tilespmem:s23+$0x5280]  }
0x7f: {  	s22 =	sor.u32 $0x380, s22;
	v18 =	vadd.f32 v19, v18  }
0x80: {  	v19 =	vld [tilespmem:s22+$0x4F80]  }
0x81: {  	v18 =	vadd.f32 v47, v18  }
0x82: {  	v49 =	vld [tilespmem:s23+$0x6380]  }
0x83: {  	v18 =	vadd.f32 v48, v18  }
0x84: {  	v50 =	vld [tilespmem:s23+$0x6400]  }
0x85: {  	v18 =	vadd.f32 v19, v18  }
0x86: {  	v19 =	vld [tilespmem:s23+$0x6480]  }
0x87: {  	v18 =	vadd.f32 v49, v18  }
0x88: {  	v51 =	vld [tilespmem:s23+$0x6500]  }
0x89: {  	v18 =	vadd.f32 v50, v18  }
0x8a: {  	v52 =	vld [tilespmem:s23+$0x6580]  }
0x8b: {  	v18 =	vadd.f32 v19, v18  }
0x8c: {  	v19 =	vld [tilespmem:s23+$0x6600]  }
0x8d: {  	v18 =	vadd.f32 v51, v18  }
0x8e: {  	v53 =	vld [tilespmem:s23+$0x6680]  }
0x8f: {  	v18 =	vadd.f32 v52, v18  }
0x90: {  	v54 =	vld [tilespmem:s23+$0x6700]  }
0x91: {  	v18 =	vadd.f32 v19, v18;
	_ =	sdelay $0x1  }
0x92: {  	v18 =	vadd.f32 v53, v18;
	_ =	sdelay $0x1  }
0x93: {  	v18 =	vadd.f32 v54, v18;
	_ =	sdelay $0x1  }
0x94: {  	v19 =	vperm.xlane v18, v17  }
0x95: {  	s21 =	simm.s32 $0x7B80;
	v55 =	vperm.xlane v18, v16  }
0x96: {  	v21 =	vperm.xlane v18, v15;
	[tilespmem:s21+$0x380] =	vst v19  }
0x97: {  	v56 =	vperm.xlane v18, v13;
	[tilespmem:s21+$0x300] =	vst v55  }
0x98: {  	v57 =	vperm.xlane v18, v12;
	[tilespmem:s21+$0x280] =	vst v21  }
0x99: {  	v58 =	vperm.xlane v18, v10;
	[tilespmem:s21+$0x180] =	vst v56  }
0x9a: {  	v59 =	vperm.xlane v18, v9;
	[tilespmem:s21+$0x100] =	vst v57  }
0x9b: {  	v60 =	vperm.xlane v18, v7;
	[tilespmem:s21+$0x0] =	vst v58  }
0x9c: {  	v19 =	vperm.xlane v18, v14;
	[tilespmem:s21+$0xFFFFFF80] =	vst v59  }
0x9d: {  	v61 =	vperm.xlane v18, v6;
	[tilespmem:s21+$0xFFFFFE80] =	vst v60  }
0x9e: {  	[tilespmem:s21+$0x200] =	vst v19;
	v19 =	vperm.xlane v18, v11  }
0x9f: {  	v62 =	vperm.xlane v18, v4;
	[tilespmem:s21+$0xFFFFFE00] =	vst v61  }
0xa0: {  	[tilespmem:s21+$0x80] =	vst v19;
	v19 =	vperm.xlane v18, v8  }
0xa1: {  	v63 =	vperm.xlane v18, v3;
	[tilespmem:s21+$0xFFFFFD00] =	vst v62  }
0xa2: {  	[tilespmem:s21+$0xFFFFFF00] =	vst v19;
	v19 =	vperm.xlane v18, v5  }
0xa3: {  	s22 =	simm.s32 $0x10;
	s23 =	simm.s32 $0x80;
	[tilespmem:s21+$0xFFFFFC80] =	vst v63;
	v18 =	vperm.xlane v18, v2  }
0xa4: {  	s31 =	sand.u32 $0x70, s22;
	s25 =	sand.u32 $0xC00, s23;
	[tilespmem:s21+$0xFFFFFD80] =	vst v19  }
0xa5: {  	s24 =	simm.s32 $0x20;
	s25 =	sor.u32 s31, s25;
	[tilespmem:s21+$0xFFFFFC00] =	vst v18  }
.LBB2_7:
0xa6: {  	p1 =	sne.s32 s24, $0x1F0;
	v18 =	vld [tilespmem:s25+$0x5000]  }
0xa7: {  	v19 =	vld [tilespmem:s25+$0x4F80]  }
0xa8: {  	v20 =	vld [tilespmem:s25+$0x5080]  }
0xa9: {  	v21 =	vld [tilespmem:s25+$0x5100]  }
0xaa: {  	v22 =	vld [tilespmem:s25+$0x5180]  }
0xab: {  	s26 =	sor.u32 s23, s22;
	s22 =	smov.u32 s24;
	v23 =	vld [tilespmem:s25+$0x5200]  }
0xac: {  	s26 =	sor.u32 $0x380, s26;
	v18 =	vadd.f32 v18, v19;
	v19 =	vld [tilespmem:s25+$0x5280]  }
0xad: {  	v24 =	vld [tilespmem:s26+$0x4F80]  }
0xae: {  	v18 =	vadd.f32 v20, v18;
	v20 =	vld [tilespmem:s25+$0x6380]  }
0xaf: {  	v25 =	vld [tilespmem:s25+$0x6400]  }
0xb0: {  	v18 =	vadd.f32 v21, v18;
	v21 =	vld [tilespmem:s25+$0x6480]  }
0xb1: {  	v26 =	vld [tilespmem:s25+$0x6500]  }
0xb2: {  	v18 =	vadd.f32 v22, v18;
	v22 =	vld [tilespmem:s25+$0x6580]  }
0xb3: {  	v27 =	vld [tilespmem:s25+$0x6600]  }
0xb4: {  	v18 =	vadd.f32 v23, v18;
	v23 =	vld [tilespmem:s25+$0x6680]  }
0xb5: {  	v28 =	vld [tilespmem:s25+$0x6700]  }
0xb6: {  	v18 =	vadd.f32 v19, v18;
	_ =	sdelay $0x1  }
0xb7: {  	v18 =	vadd.f32 v24, v18;
	_ =	sdelay $0x1  }
0xb8: {  	v18 =	vadd.f32 v20, v18;
	_ =	sdelay $0x1  }
0xb9: {  	v18 =	vadd.f32 v25, v18;
	_ =	sdelay $0x1  }
0xba: {  	v18 =	vadd.f32 v21, v18;
	_ =	sdelay $0x1  }
0xbb: {  	v18 =	vadd.f32 v26, v18;
	_ =	sdelay $0x1  }
0xbc: {  	v18 =	vadd.f32 v22, v18;
	_ =	sdelay $0x1  }
0xbd: {  	v18 =	vadd.f32 v27, v18;
	_ =	sdelay $0x1  }
0xbe: {  	v18 =	vadd.f32 v23, v18;
	_ =	sdelay $0x1  }
0xbf: {  	v18 =	vadd.f32 v28, v18;
	_ =	sdelay $0x1  }
0xc0: {  	v19 =	vperm.xlane v18, v16;
	v20 =	vperm.xlane v18, v17  }
0xc1: {  	s21 =	sadd.s32 $0x800, s21;
	v21 =	vperm.xlane v18, v14;
	v22 =	vperm.xlane v18, v15  }
0xc2: {  	v23 =	vperm.xlane v18, v12;
	v24 =	vperm.xlane v18, v13;
	[tilespmem:s21+$0x380] =	vst v20  }
0xc3: {  	v25 =	vperm.xlane v18, v11;
	v20 =	vperm.xlane v18, v10;
	[tilespmem:s21+$0x300] =	vst v19  }
0xc4: {  	v26 =	vperm.xlane v18, v9;
	v19 =	vperm.xlane v18, v8;
	[tilespmem:s21+$0x280] =	vst v22  }
0xc5: {  	v27 =	vperm.xlane v18, v7;
	v22 =	vperm.xlane v18, v6;
	[tilespmem:s21+$0x200] =	vst v21  }
0xc6: {  	v28 =	vperm.xlane v18, v5;
	v21 =	vperm.xlane v18, v4;
	[tilespmem:s21+$0x180] =	vst v24  }
0xc7: {  	v24 =	vperm.xlane v18, v2;
	v18 =	vperm.xlane v18, v3;
	[tilespmem:s21+$0x100] =	vst v23  }
0xc8: {  	[tilespmem:s21+$0x80] =	vst v25  }
0xc9: {  	[tilespmem:s21+$0x0] =	vst v20  }
0xca: {  	[tilespmem:s21+$0xFFFFFF80] =	vst v26  }
0xcb: {  	[tilespmem:s21+$0xFFFFFF00] =	vst v19  }
0xcc: {  	[tilespmem:s21+$0xFFFFFE80] =	vst v27  }
.Ltmp5:
0xcd: {  	[tilespmem:s21+$0xFFFFFE00] =	vst v22;
	(pc) =	sbr.rel @p1 .LBB2_7-.Ltmp5, $4  }
0xce: {  	[tilespmem:s21+$0xFFFFFD80] =	vst v28  }
0xcf: {  	s23 =	sadd.s32 $0x80, s23;
	[tilespmem:s21+$0xFFFFFD00] =	vst v21  }
0xd0: {  	s26 =	sand.u32 $0xC00, s23;
	s25 =	sand.u32 $0x70, s24;
	[tilespmem:s21+$0xFFFFFC80] =	vst v18  }
0xd1: {  	s24 =	sadd.s32 $0x10, s24;
	s25 =	sor.u32 s25, s26;
	[tilespmem:s21+$0xFFFFFC00] =	vst v24  }
0xd2: {  	v18 =	vld [tilespmem:s25+$0x5000]  }
0xd3: {  	v19 =	vld [tilespmem:s25+$0x4F80];
	_ =	sdelay $0x1  }
0xd4: {  	v20 =	vld [tilespmem:s25+$0x5080];
	_ =	sdelay $0x1  }
0xd5: {  	v21 =	vld [tilespmem:s25+$0x5100]  }
0xd6: {  	v18 =	vadd.f32 v18, v19  }
0xd7: {  	v19 =	vld [tilespmem:s25+$0x5180]  }
0xd8: {  	v18 =	vadd.f32 v20, v18  }
0xd9: {  	v47 =	vld [tilespmem:s25+$0x5200]  }
0xda: {  	v18 =	vadd.f32 v21, v18  }
0xdb: {  	s22 =	sor.u32 s23, s22;
	v48 =	vld [tilespmem:s25+$0x5280]  }
0xdc: {  	s22 =	sor.u32 $0x380, s22;
	v18 =	vadd.f32 v19, v18  }
0xdd: {  	v19 =	vld [tilespmem:s22+$0x4F80]  }
0xde: {  	v18 =	vadd.f32 v47, v18  }
0xdf: {  	v49 =	vld [tilespmem:s25+$0x6380]  }
0xe0: {  	v18 =	vadd.f32 v48, v18  }
0xe1: {  	v50 =	vld [tilespmem:s25+$0x6400]  }
0xe2: {  	v18 =	vadd.f32 v19, v18  }
0xe3: {  	v19 =	vld [tilespmem:s25+$0x6480]  }
0xe4: {  	v18 =	vadd.f32 v49, v18  }
0xe5: {  	v51 =	vld [tilespmem:s25+$0x6500]  }
0xe6: {  	v18 =	vadd.f32 v50, v18  }
0xe7: {  	v52 =	vld [tilespmem:s25+$0x6580]  }
0xe8: {  	v18 =	vadd.f32 v19, v18  }
0xe9: {  	v19 =	vld [tilespmem:s25+$0x6600]  }
0xea: {  	v18 =	vadd.f32 v51, v18  }
0xeb: {  	v53 =	vld [tilespmem:s25+$0x6680]  }
0xec: {  	v18 =	vadd.f32 v52, v18  }
0xed: {  	v54 =	vld [tilespmem:s25+$0x6700]  }
0xee: {  	v18 =	vadd.f32 v19, v18;
	_ =	sdelay $0x1  }
0xef: {  	v18 =	vadd.f32 v53, v18;
	_ =	sdelay $0x1  }
0xf0: {  	v18 =	vadd.f32 v54, v18;
	_ =	sdelay $0x1  }
0xf1: {  	v19 =	vperm.xlane v18, v17  }
0xf2: {  	s21 =	sadd.s32 $0x800, s21;
	v55 =	vperm.xlane v18, v16  }
0xf3: {  	v21 =	vperm.xlane v18, v15;
	[tilespmem:s21+$0x380] =	vst v19  }
0xf4: {  	v56 =	vperm.xlane v18, v13;
	[tilespmem:s21+$0x300] =	vst v55  }
0xf5: {  	v57 =	vperm.xlane v18, v12;
	[tilespmem:s21+$0x280] =	vst v21  }
0xf6: {  	v58 =	vperm.xlane v18, v10;
	[tilespmem:s21+$0x180] =	vst v56  }
0xf7: {  	v59 =	vperm.xlane v18, v9;
	[tilespmem:s21+$0x100] =	vst v57  }
0xf8: {  	v60 =	vperm.xlane v18, v7;
	[tilespmem:s21+$0x0] =	vst v58  }
0xf9: {  	v19 =	vperm.xlane v18, v14;
	[tilespmem:s21+$0xFFFFFF80] =	vst v59  }
0xfa: {  	v61 =	vperm.xlane v18, v6;
	[tilespmem:s21+$0xFFFFFE80] =	vst v60  }
0xfb: {  	[tilespmem:s21+$0x200] =	vst v19;
	v19 =	vperm.xlane v18, v11  }
0xfc: {  	v62 =	vperm.xlane v18, v4;
	[tilespmem:s21+$0xFFFFFE00] =	vst v61  }
0xfd: {  	[tilespmem:s21+$0x80] =	vst v19;
	v19 =	vperm.xlane v18, v8  }
0xfe: {  	v63 =	vperm.xlane v18, v3;
	[tilespmem:s21+$0xFFFFFD00] =	vst v62  }
0xff: {  	[tilespmem:s21+$0xFFFFFF00] =	vst v19;
	v19 =	vperm.xlane v18, v5  }
0x100: {  	[tilespmem:s21+$0xFFFFFC80] =	vst v63;
	v18 =	vperm.xlane v18, v2  }
0x101: {  	[tilespmem:s21+$0xFFFFFD80] =	vst v19  }
.Ltmp6:
0x102: {  	[tilespmem:s21+$0xFFFFFC00] =	vst v18;
	(pc) =	sbr.rel .LBB2_12-.Ltmp6, $4  }
0x103: {  	[hbm4b:s8+s2] =	stream.linear.scatter [tilespmem:s17], [sflag:$0x1], $0x10000, $0x38;
	[tilespmem:$0x1DF00] =	vst v63  }
0x104: {  	_ =	swait.ge [sflag:s11], $0x10000  }
0x105: {  	[sflag:s11] =	ssyncset.done $0x0  }
0x106: {  	[sflag:s11] =	ssyncadd.s32 $0xFFFF0000  }
.LBB2_9:
0x107: {  	[tilespmem:s15], [sflag:$0x1] =	stream.strided.gather [spmem:s5], $0x2800, s19, s18, $0x38;
	[tilespmem:$0x1DF00] =	vst v63  }
0x108: {  	s21 =	simm.s32 $0x0;
	_ =	swait.ge [sflag:s11], $0x2800  }
0x109: {  	s22 =	sand.u32 $0x70, s21;
	s23 =	sand.u32 $0x1C00, s21;
	[sflag:s11] =	ssyncset.done $0x0  }
0x10a: {  	s22 =	sor.u32 s22, s23;
	[sflag:s11] =	ssyncadd.s32 $0xFFFFD800  }
0x10b: {  	v18 =	vld [tilespmem:s22+$0x5000]  }
0x10c: {  	v19 =	vld [tilespmem:s22+$0x4F80];
	_ =	sdelay $0x1  }
0x10d: {  	v20 =	vld [tilespmem:s22+$0x5080];
	_ =	sdelay $0x1  }
0x10e: {  	v21 =	vld [tilespmem:s22+$0x5100]  }
0x10f: {  	v18 =	vadd.f32 v18, v19  }
0x110: {  	v19 =	vld [tilespmem:s22+$0x5180]  }
0x111: {  	v18 =	vadd.f32 v20, v18  }
0x112: {  	v47 =	vld [tilespmem:s22+$0x5200]  }
0x113: {  	v18 =	vadd.f32 v21, v18  }
0x114: {  	s21 =	sor.u32 s21, s21;
	v48 =	vld [tilespmem:s22+$0x5280]  }
0x115: {  	s21 =	sor.u32 $0x380, s21;
	v18 =	vadd.f32 v19, v18  }
0x116: {  	v19 =	vld [tilespmem:s21+$0x4F80]  }
0x117: {  	v18 =	vadd.f32 v47, v18  }
0x118: {  	v49 =	vld [tilespmem:s22+$0x6380]  }
0x119: {  	v18 =	vadd.f32 v48, v18  }
0x11a: {  	v50 =	vld [tilespmem:s22+$0x6400]  }
0x11b: {  	v18 =	vadd.f32 v19, v18  }
0x11c: {  	v19 =	vld [tilespmem:s22+$0x6480]  }
0x11d: {  	v18 =	vadd.f32 v49, v18  }
0x11e: {  	v51 =	vld [tilespmem:s22+$0x6500]  }
0x11f: {  	v18 =	vadd.f32 v50, v18  }
0x120: {  	v52 =	vld [tilespmem:s22+$0x6580]  }
0x121: {  	v18 =	vadd.f32 v19, v18  }
0x122: {  	v19 =	vld [tilespmem:s22+$0x6600]  }
0x123: {  	v18 =	vadd.f32 v51, v18  }
0x124: {  	v53 =	vld [tilespmem:s22+$0x6680]  }
0x125: {  	v18 =	vadd.f32 v52, v18  }
0x126: {  	v54 =	vld [tilespmem:s22+$0x6700]  }
0x127: {  	v18 =	vadd.f32 v19, v18;
	_ =	sdelay $0x1  }
0x128: {  	v18 =	vadd.f32 v53, v18;
	_ =	sdelay $0x1  }
0x129: {  	v18 =	vadd.f32 v54, v18;
	_ =	sdelay $0x1  }
0x12a: {  	v19 =	vperm.xlane v18, v17  }
0x12b: {  	s21 =	simm.s32 $0x7B80;
	v55 =	vperm.xlane v18, v16  }
0x12c: {  	v21 =	vperm.xlane v18, v15;
	[tilespmem:s21+$0x380] =	vst v19  }
0x12d: {  	v56 =	vperm.xlane v18, v13;
	[tilespmem:s21+$0x300] =	vst v55  }
0x12e: {  	v57 =	vperm.xlane v18, v12;
	[tilespmem:s21+$0x280] =	vst v21  }
0x12f: {  	v58 =	vperm.xlane v18, v10;
	[tilespmem:s21+$0x180] =	vst v56  }
0x130: {  	v59 =	vperm.xlane v18, v9;
	[tilespmem:s21+$0x100] =	vst v57  }
0x131: {  	v60 =	vperm.xlane v18, v7;
	[tilespmem:s21+$0x0] =	vst v58  }
0x132: {  	v19 =	vperm.xlane v18, v14;
	[tilespmem:s21+$0xFFFFFF80] =	vst v59  }
0x133: {  	v61 =	vperm.xlane v18, v6;
	[tilespmem:s21+$0xFFFFFE80] =	vst v60  }
0x134: {  	[tilespmem:s21+$0x200] =	vst v19;
	v19 =	vperm.xlane v18, v11  }
0x135: {  	v62 =	vperm.xlane v18, v4;
	[tilespmem:s21+$0xFFFFFE00] =	vst v61  }
0x136: {  	[tilespmem:s21+$0x80] =	vst v19;
	v19 =	vperm.xlane v18, v8  }
0x137: {  	v63 =	vperm.xlane v18, v3;
	[tilespmem:s21+$0xFFFFFD00] =	vst v62  }
0x138: {  	[tilespmem:s21+$0xFFFFFF00] =	vst v19;
	v19 =	vperm.xlane v18, v5  }
0x139: {  	s23 =	simm.s32 $0x80;
	s22 =	simm.s32 $0x10;
	[tilespmem:s21+$0xFFFFFC80] =	vst v63;
	v18 =	vperm.xlane v18, v2  }
0x13a: {  	s25 =	sand.u32 $0x1C00, s23;
	s24 =	sand.u32 $0x70, s22;
	[tilespmem:s21+$0xFFFFFD80] =	vst v19  }
0x13b: {  	s25 =	sor.u32 s24, s25;
	s24 =	simm.s32 $0x20;
	[tilespmem:s21+$0xFFFFFC00] =	vst v18  }
.LBB2_10:
0x13c: {  	p1 =	sne.s32 s24, $0x270;
	v18 =	vld [tilespmem:s25+$0x5000]  }
0x13d: {  	v19 =	vld [tilespmem:s25+$0x4F80]  }
0x13e: {  	v20 =	vld [tilespmem:s25+$0x5080]  }
0x13f: {  	v21 =	vld [tilespmem:s25+$0x5100]  }
0x140: {  	v22 =	vld [tilespmem:s25+$0x5180]  }
0x141: {  	s26 =	sor.u32 s23, s22;
	s22 =	smov.u32 s24;
	v23 =	vld [tilespmem:s25+$0x5200]  }
0x142: {  	s26 =	sor.u32 $0x380, s26;
	v18 =	vadd.f32 v18, v19;
	v19 =	vld [tilespmem:s25+$0x5280]  }
0x143: {  	v24 =	vld [tilespmem:s26+$0x4F80]  }
0x144: {  	v18 =	vadd.f32 v20, v18;
	v20 =	vld [tilespmem:s25+$0x6380]  }
0x145: {  	v25 =	vld [tilespmem:s25+$0x6400]  }
0x146: {  	v18 =	vadd.f32 v21, v18;
	v21 =	vld [tilespmem:s25+$0x6480]  }
0x147: {  	v26 =	vld [tilespmem:s25+$0x6500]  }
0x148: {  	v18 =	vadd.f32 v22, v18;
	v22 =	vld [tilespmem:s25+$0x6580]  }
0x149: {  	v27 =	vld [tilespmem:s25+$0x6600]  }
0x14a: {  	v18 =	vadd.f32 v23, v18;
	v23 =	vld [tilespmem:s25+$0x6680]  }
0x14b: {  	v28 =	vld [tilespmem:s25+$0x6700]  }
0x14c: {  	v18 =	vadd.f32 v19, v18;
	_ =	sdelay $0x1  }
0x14d: {  	v18 =	vadd.f32 v24, v18;
	_ =	sdelay $0x1  }
0x14e: {  	v18 =	vadd.f32 v20, v18;
	_ =	sdelay $0x1  }
0x14f: {  	v18 =	vadd.f32 v25, v18;
	_ =	sdelay $0x1  }
0x150: {  	v18 =	vadd.f32 v21, v18;
	_ =	sdelay $0x1  }
0x151: {  	v18 =	vadd.f32 v26, v18;
	_ =	sdelay $0x1  }
0x152: {  	v18 =	vadd.f32 v22, v18;
	_ =	sdelay $0x1  }
0x153: {  	v18 =	vadd.f32 v27, v18;
	_ =	sdelay $0x1  }
0x154: {  	v18 =	vadd.f32 v23, v18;
	_ =	sdelay $0x1  }
0x155: {  	v18 =	vadd.f32 v28, v18;
	_ =	sdelay $0x1  }
0x156: {  	v19 =	vperm.xlane v18, v16;
	v20 =	vperm.xlane v18, v17  }
0x157: {  	s21 =	sadd.s32 $0x800, s21;
	v21 =	vperm.xlane v18, v14;
	v22 =	vperm.xlane v18, v15  }
0x158: {  	v23 =	vperm.xlane v18, v12;
	v24 =	vperm.xlane v18, v13;
	[tilespmem:s21+$0x380] =	vst v20  }
0x159: {  	v25 =	vperm.xlane v18, v11;
	v20 =	vperm.xlane v18, v10;
	[tilespmem:s21+$0x300] =	vst v19  }
0x15a: {  	v26 =	vperm.xlane v18, v9;
	v19 =	vperm.xlane v18, v8;
	[tilespmem:s21+$0x280] =	vst v22  }
0x15b: {  	v27 =	vperm.xlane v18, v7;
	v22 =	vperm.xlane v18, v6;
	[tilespmem:s21+$0x200] =	vst v21  }
0x15c: {  	v28 =	vperm.xlane v18, v5;
	v21 =	vperm.xlane v18, v4;
	[tilespmem:s21+$0x180] =	vst v24  }
0x15d: {  	v24 =	vperm.xlane v18, v2;
	v18 =	vperm.xlane v18, v3;
	[tilespmem:s21+$0x100] =	vst v23  }
0x15e: {  	[tilespmem:s21+$0x80] =	vst v25  }
0x15f: {  	[tilespmem:s21+$0x0] =	vst v20  }
0x160: {  	[tilespmem:s21+$0xFFFFFF80] =	vst v26  }
0x161: {  	[tilespmem:s21+$0xFFFFFF00] =	vst v19  }
0x162: {  	[tilespmem:s21+$0xFFFFFE80] =	vst v27  }
.Ltmp7:
0x163: {  	[tilespmem:s21+$0xFFFFFE00] =	vst v22;
	(pc) =	sbr.rel @p1 .LBB2_10-.Ltmp7, $4  }
0x164: {  	[tilespmem:s21+$0xFFFFFD80] =	vst v28  }
0x165: {  	s23 =	sadd.s32 $0x80, s23;
	[tilespmem:s21+$0xFFFFFD00] =	vst v21  }
0x166: {  	s26 =	sand.u32 $0x1C00, s23;
	s25 =	sand.u32 $0x70, s24;
	[tilespmem:s21+$0xFFFFFC80] =	vst v18  }
0x167: {  	s24 =	sadd.s32 $0x10, s24;
	s25 =	sor.u32 s25, s26;
	[tilespmem:s21+$0xFFFFFC00] =	vst v24  }
.Ltmp8:
0x168: {  	_ = 	snop;
	(pc) =	sbr.rel .LBB2_11-.Ltmp8, $1  }
0x169: {  	_ =	sdelay $0x3  }
.LBB2_13:
0x16a: {  	_ =	sfence.sel $0x180000  }
0x16b: {  	[bflag:$0x0] =	sbarrier.arrive $0xFFFF  }
0x16c: {  	p0 =	sne.s32 s1, $0x0;
	_ =	strace $0x90000047  }
0x16d: {  	s0 =	sadd.s32 @!p0 $0x100000, s0;
	[bflag:$0x2] =	sbarrier.arrive $0xFFFF  }
0x16e: {  	[sflag:s0] =	ssyncadd.tile.s32 @!p0 $0x1;
	_ =	shalt  }
.Lfunc_end2:
_tile_overlayer_lowered:
.L_overlay_start_2:
0x16f: {  	(tag) =	ssettag $0x2  }
0x170: {  	s0 =	rddreg [dreg:$0x0];
	s2 =	stileid.u32  }
0x171: {  	s1 =	rddreg [dreg:$0x1];
	p0 =	sne.s32 s2, $0x0  }
0x172: {  	s3 =	rddreg [dreg:$0x2];
	[bflag:$0x3] =	sbarrier.arrive $0xFFFF;
	s2 =	simm.s32 @!p0 $0x1C01  }
0x173: {  	[timem:s3], [sflag:s2] =	dma.local @!p0 [hbm:s0], s1  }
0x174: {  	s0 =	simm.s32 @!p0 $0x1  }
0x175: {  	_ =	swait.ge @!p0 [sflag:s0], s1  }
0x176: {  	s1 =	ssub.s32 @!p0 $0x0, s1;
	[sflag:s0] =	ssyncset.done @!p0 $0x0  }
0x177: {  	[sflag:s0] =	ssyncadd.s32 @!p0 s1  }
0x178: {  	[bflag:$0x3] =	sbarrier.arrive $0xFFFF  }
0x179: {  	_ =	shalt  }

</sc_bundles>
